<compile_context>
chip_gen: v7x
topology: tpu7x:2x2x1
jax: 0.10.2.dev20260603
libtpu: 0.0.44.dev20260713+nightly
codegen_flags: <defaults>
</compile_context>

<pallas_src>
import jax
import jax.numpy as jnp
from jax import lax
from jax.experimental import pallas as pl
from jax.experimental.pallas import tpu as pltpu
from jax.experimental.pallas import tpu_sc as plsc

N_NODES = 10000
D_FEAT = 128
INFO_DIM = 8
HID = 64
TGT = 10
N_GRAPHS = 128
EPS_BN = 1e-5

R_PAD = 10080
NB = 1008
GRID = R_PAD // NB
PAD_ROW = R_PAD - 1
HPAD = 80

NC = 2
NS = 16
NW = NC * NS
ROWS_PER_TILE = R_PAD // NS

CHUNK = 128
N_EDGES = 320000
CHUNKS = -(-N_EDGES // (NS * CHUNK))
E_PAD = NS * CHUNKS * CHUNK
HHALF = HPAD // 2


def _fold_bn(Wp, bp, bn):
    s = bn['g'] / jnp.sqrt(bn['rv'] + EPS_BN)
    Wf = Wp * s[None, :]
    cf = (bp - bn['rm']) * s + bn['b']
    return Wf, cf



def _rep_body(batch_ref, struc_ref, rep_ref):
    b_col = batch_ref[...]
    ids_r = lax.broadcasted_iota(jnp.int32, (NB, N_GRAPHS), 1)
    P = jnp.where(b_col == ids_r, 1.0, 0.0).astype(jnp.float32)
    rep_ref[...] = jnp.dot(P, struc_ref[...], preferred_element_type=jnp.float32)


def _rep_call(batch_col, struc):
    return pl.pallas_call(
        _rep_body,
        grid=(GRID,),
        in_specs=[pl.BlockSpec((NB, 1), lambda i: (i, 0)),
                  pl.BlockSpec((N_GRAPHS, INFO_DIM), lambda i: (0, 0))],
        out_specs=pl.BlockSpec((NB, INFO_DIM), lambda i: (i, 0)),
        out_shape=jax.ShapeDtypeStruct((R_PAD, INFO_DIM), jnp.float32),
    )(batch_col, struc)


def _layer0_body(x_ref, rep_ref, batch_ref, brow_ref, w1x_ref, w1r_ref, c1_ref,
                 w2_ref, c2_ref, l0e_ref, out0_ref, hin_ref):
    pi = pl.program_id(0)
    x = x_ref[...]
    b_col = batch_ref[...]
    b_row = brow_ref[0]
    rep = rep_ref[...]
    t = jnp.dot(x, w1x_ref[...], preferred_element_type=jnp.float32)
    t += jnp.dot(rep, w1r_ref[...], preferred_element_type=jnp.float32)
    t = jnp.maximum(t + c1_ref[...], 0.0)
    h = jnp.maximum(jnp.dot(t, w2_ref[...], preferred_element_type=jnp.float32)
                    + c2_ref[...], 0.0)
    h = jnp.where(b_col >= 0, h, 0.0)
    mask = jnp.where(b_col >= 0, 1.0, 0.0).astype(jnp.float32)
    v = jnp.concatenate(
        [h, rep, mask, jnp.zeros((NB, HPAD - HID - INFO_DIM - 1), jnp.float32)],
        axis=1)
    ids_c = lax.broadcasted_iota(jnp.int32, (N_GRAPHS, NB), 0)
    PT = jnp.where(b_row == ids_c, 1.0, 0.0).astype(jnp.float32)
    pooled = jnp.dot(PT, v, preferred_element_type=jnp.float32)

    @pl.when(pi == 0)
    def _():
        out0_ref[...] = jnp.zeros((N_GRAPHS, TGT), jnp.float32)

    out0_ref[...] += jnp.dot(pooled, l0e_ref[...],
                             preferred_element_type=jnp.float32)
    hin_ref[0] = v[:, 0:HHALF]
    hin_ref[1] = v[:, HHALF:HPAD]


def _layer0_call(x_pad, rep, batch_col, batch_row, w1x, w1r, c1, w2, c2, l0e):
    full = lambda shape: pl.BlockSpec(shape, lambda i: (0,) * len(shape))
    return pl.pallas_call(
        _layer0_body,
        grid=(GRID,),
        in_specs=[
            pl.BlockSpec((NB, D_FEAT), lambda i: (i, 0)),
            pl.BlockSpec((NB, INFO_DIM), lambda i: (i, 0)),
            pl.BlockSpec((NB, 1), lambda i: (i, 0)),
            pl.BlockSpec((1, 1, NB), lambda i: (i, 0, 0)),
            full((D_FEAT, HID)), full((INFO_DIM, HID)), full((1, HID)),
            full((HID, HID)), full((1, HID)),
            full((HPAD, TGT)),
        ],
        out_specs=(pl.BlockSpec((N_GRAPHS, TGT), lambda i: (0, 0)),
                   pl.BlockSpec((NC, NB, HHALF), lambda i: (0, i, 0))),
        out_shape=(jax.ShapeDtypeStruct((N_GRAPHS, TGT), jnp.float32),
                   jax.ShapeDtypeStruct((NC, R_PAD, HHALF), jnp.float32)),
    )(x_pad, rep, batch_col, batch_row, w1x, w1r, c1, w2, c2, l0e)


def _layer_body(hin_ref, agg2_ref, batch_ref, brow_ref, struc_ref,
                w1_ref, c1_ref, w2_ref, c2_ref, lh_ref, lr_ref, bl_ref,
                outc_ref, hin_out_ref):
    pi = pl.program_id(0)
    u = jnp.concatenate([hin_ref[0] + agg2_ref[0],
                         hin_ref[1] + agg2_ref[1]], axis=1)
    t = jnp.maximum(jnp.dot(u, w1_ref[...], preferred_element_type=jnp.float32)
                    + c1_ref[...], 0.0)
    h = jnp.maximum(jnp.dot(t, w2_ref[...], preferred_element_type=jnp.float32)
                    + c2_ref[...], 0.0)
    b_col = batch_ref[...]
    h = jnp.where(b_col >= 0, h, 0.0)
    ids_c = lax.broadcasted_iota(jnp.int32, (N_GRAPHS, NB), 0)
    PT = jnp.where(brow_ref[0] == ids_c, 1.0, 0.0).astype(jnp.float32)
    pooled = jnp.dot(PT, h, preferred_element_type=jnp.float32)

    @pl.when(pi == 0)
    def _():
        outc_ref[...] = (jnp.dot(struc_ref[...], lr_ref[...],
                                 preferred_element_type=jnp.float32)
                         + bl_ref[...])

    outc_ref[...] += jnp.dot(pooled, lh_ref[...],
                             preferred_element_type=jnp.float32)
    hin_out_ref[0] = h[:, 0:HHALF]
    hin_out_ref[1] = jnp.concatenate(
        [h[:, HHALF:HID], hin_ref[1][:, HID - HHALF:HID - HHALF + INFO_DIM],
         jnp.zeros((NB, HPAD - HID - INFO_DIM), jnp.float32)], axis=1)


def _layer_call(hin, agg2, batch_col, batch_row, struc, w1, c1, w2, c2, lh, lr, bl):
    full = lambda shape: pl.BlockSpec(shape, lambda i: (0,) * len(shape))
    return pl.pallas_call(
        _layer_body,
        grid=(GRID,),
        in_specs=[
            pl.BlockSpec((NC, NB, HHALF), lambda i: (0, i, 0)),
            pl.BlockSpec((NC, NB, HHALF), lambda i: (0, i, 0)),
            pl.BlockSpec((NB, 1), lambda i: (i, 0)),
            pl.BlockSpec((1, 1, NB), lambda i: (i, 0, 0)),
            full((N_GRAPHS, INFO_DIM)),
            full((HPAD, HID)), full((1, HID)),
            full((HID, HID)), full((1, HID)),
            full((HID, TGT)), full((INFO_DIM, TGT)), full((1, TGT)),
        ],
        out_specs=(pl.BlockSpec((N_GRAPHS, TGT), lambda i: (0, 0)),
                   pl.BlockSpec((NC, NB, HHALF), lambda i: (0, i, 0))),
        out_shape=(jax.ShapeDtypeStruct((N_GRAPHS, TGT), jnp.float32),
                   jax.ShapeDtypeStruct((NC, R_PAD, HHALF), jnp.float32)),
    )(hin, agg2, batch_col, batch_row, struc, w1, c1, w2, c2, lh, lr, bl)



NBUF = 4


def _sc_agg_body(hin_hbm, src_hbm, dst_hbm, zeros_hbm, out_hbm,
                 src_vm, dst_vm, rows_vm, spmem, hin_sp, gsem):
    c = lax.axis_index("c")
    s = lax.axis_index("s")
    pltpu.sync_copy(zeros_hbm.at[pl.ds(s * ROWS_PER_TILE, ROWS_PER_TILE)],
                    spmem.at[pl.ds(s * ROWS_PER_TILE, ROWS_PER_TILE)])
    pltpu.sync_copy(hin_hbm.at[c, pl.ds(s * ROWS_PER_TILE, ROWS_PER_TILE)],
                    hin_sp.at[pl.ds(s * ROWS_PER_TILE, ROWS_PER_TILE)])
    pltpu.sync_copy(src_hbm.at[s], src_vm)
    pltpu.sync_copy(dst_hbm.at[s], dst_vm)
    plsc.subcore_barrier()

    pltpu.async_copy(hin_sp.at[src_vm.at[0]], rows_vm.at[0], gsem.at[0])

    def body(j, carry):
        @pl.when(j + 1 < CHUNKS)
        def _():
            nb = lax.rem(j + 1, NBUF)
            pltpu.async_copy(hin_sp.at[src_vm.at[j + 1]], rows_vm.at[nb],
                             gsem.at[nb])

        b = lax.rem(j, NBUF)
        pltpu.make_async_copy(hin_sp.at[src_vm.at[j]], rows_vm.at[b],
                              gsem.at[b]).wait()
        pltpu.sync_copy(rows_vm.at[b], spmem.at[dst_vm.at[j]], add=True)
        return carry

    lax.fori_loop(0, CHUNKS, body, 0)
    plsc.subcore_barrier()
    pltpu.sync_copy(spmem.at[pl.ds(s * ROWS_PER_TILE, ROWS_PER_TILE)],
                    out_hbm.at[c, pl.ds(s * ROWS_PER_TILE, ROWS_PER_TILE)])


def _sc_agg(hin2, src3d, dst3d, zeros):
    mesh = plsc.VectorSubcoreMesh(core_axis_name="c", subcore_axis_name="s")
    return pl.kernel(
        _sc_agg_body,
        out_type=jax.ShapeDtypeStruct((NC, R_PAD, HHALF), jnp.float32),
        mesh=mesh,
        compiler_params=pltpu.CompilerParams(use_tc_tiling_on_sc=False),
        scratch_types=[
            pltpu.VMEM((CHUNKS, CHUNK), jnp.int32),
            pltpu.VMEM((CHUNKS, CHUNK), jnp.int32),
            pltpu.VMEM((NBUF, CHUNK, HHALF), jnp.float32),
            pltpu.VMEM_SHARED((R_PAD, HHALF), jnp.float32),
            pltpu.VMEM_SHARED((R_PAD, HHALF), jnp.float32),
            pltpu.SemaphoreType.DMA((NBUF,)),
        ],
    )(hin2, src3d, dst3d, zeros)



def kernel(x, edge_index, batch, struc, params):
    p0 = params['mlp0']
    W1f, c1 = _fold_bn(p0['W1'], p0['b1'], p0['bn1'])
    W2f, c2 = _fold_bn(p0['W2'], p0['b2'], p0['bn2'])
    w0 = (W1f[:D_FEAT], W1f[D_FEAT:], c1.reshape(1, HID),
          W2f, c2.reshape(1, HID))
    wl = {}
    for l in range(1, 5):
        pl_ = params['mlp%d' % l]
        W1f, c1 = _fold_bn(pl_['W1'], pl_['b1'], pl_['bn1'])
        W2f, c2 = _fold_bn(pl_['W2'], pl_['b2'], pl_['bn2'])
        W1e = jnp.zeros((HPAD, HID), jnp.float32).at[:HID + INFO_DIM].set(W1f)
        wl[l] = (W1e, c1.reshape(1, HID), W2f, c2.reshape(1, HID))
    lin = {}
    for l in range(5):
        lp = params['lin%d' % l]
        lin[l] = (lp['W'][:HID], lp['W'][HID:], lp['b'].reshape(1, TGT))

    x_pad = jnp.concatenate(
        [x, jnp.zeros((R_PAD - N_NODES, D_FEAT), jnp.float32)])
    batch_pad = jnp.concatenate(
        [batch, jnp.full((R_PAD - N_NODES,), -1, jnp.int32)])
    batch_col = batch_pad.reshape(R_PAD, 1)
    batch_row = batch_pad.reshape(GRID, 1, NB)

    src = edge_index[0]
    dst = edge_index[1]
    pad = E_PAD - N_EDGES
    src3d = jnp.concatenate(
        [src, jnp.full((pad,), PAD_ROW, jnp.int32)]).reshape(NS, CHUNKS, CHUNK)
    dst3d = jnp.concatenate(
        [dst, jnp.arange(pad, dtype=jnp.int32) % N_NODES]).reshape(NS, CHUNKS, CHUNK)
    zeros = jnp.zeros((R_PAD, HHALF), jnp.float32)

    rep = _rep_call(batch_col, struc)
    w1x, w1r, c1, w2, c2 = w0
    l0h, l0r, b0 = lin[0]
    l0e = jnp.concatenate(
        [l0h, l0r, b0, jnp.zeros((HPAD - HID - INFO_DIM - 1, TGT), jnp.float32)])
    out, hin = _layer0_call(x_pad, rep, batch_col, batch_row,
                            w1x, w1r, c1, w2, c2, l0e)

    for l in range(1, 5):
        agg2 = _sc_agg(hin, src3d, dst3d, zeros)
        w1, c1, w2, c2 = wl[l]
        lh, lr, bl = lin[l]
        outc, hin = _layer_call(hin, agg2, batch_col, batch_row, struc,
                                w1, c1, w2, c2, lh, lr, bl)
        out = out + outc
    return out

# --- scband reference (transcript-rebuilt; emitter-appended) ---
"""Pipeline reference for scband-gin-sia-16630113370112 (READ-ONLY COPY).

The authoritative reference and input builder live on the scoring server;
editing this copy changes nothing except your own understanding.
"""

import jax, jax.numpy as jnp
import numpy as np

N_NODES = 10000
N_EDGES = 320000
D_FEAT = 128
INFO_DIM = 8
HID = 64
TGT = 10
N_GRAPHS = 128
EPS_BN = 1e-5

def _bn(x, p):
    return (x - p['rm']) / jnp.sqrt(p['rv'] + EPS_BN) * p['g'] + p['b']

def _mlp(x, p):
    h = x @ p['W1'] + p['b1']
    h = jax.nn.relu(_bn(h, p['bn1']))
    h = h @ p['W2'] + p['b2']
    h = jax.nn.relu(_bn(h, p['bn2']))
    return h

def _bnp(d):
    return {'g': jnp.ones((d,), jnp.float32), 'b': jnp.zeros((d,), jnp.float32), 'rm': jnp.zeros((d,), jnp.float32), 'rv': jnp.ones((d,), jnp.float32)}

def _make_mlp(key, din, dout):
    k1, k2 = jax.random.split(key)
    return {'W1': jax.random.normal(k1, (din, dout), jnp.float32) * (1.0 / np.sqrt(din)),
            'b1': jnp.zeros((dout,), jnp.float32),
            'bn1': _bnp(dout),
            'W2': jax.random.normal(k2, (dout, dout), jnp.float32) * (1.0 / np.sqrt(dout)),
            'b2': jnp.zeros((dout,), jnp.float32),
            'bn2': _bnp(dout)}

def setup_inputs(seed: int = 0):
    key = jax.random.key(seed)
    ks = jax.random.split(key, 16)
    x = jax.random.normal(ks[0], (N_NODES, D_FEAT), jnp.float32)
    edge_index = jax.random.randint(ks[1], (2, N_EDGES), 0, N_NODES, jnp.int32)
    batch = jnp.sort(jax.random.randint(ks[2], (N_NODES,), 0, N_GRAPHS, jnp.int32))
    struc = jax.random.normal(ks[3], (N_GRAPHS, INFO_DIM), jnp.float32)
    params = {'mlp0': _make_mlp(ks[4], D_FEAT + INFO_DIM, HID)}
    for l in range(1, 5):
        params['mlp%d' % l] = _make_mlp(ks[4 + l], HID + INFO_DIM, HID)
    for l in range(5):
        kk = jax.random.split(ks[9 + l])
        params['lin%d' % l] = {'W': jax.random.normal(kk[0], (HID + INFO_DIM, TGT), jnp.float32) * (1.0 / np.sqrt(HID + INFO_DIM)),
                               'b': jnp.zeros((TGT,), jnp.float32)}
    return {'x': x, 'edge_index': edge_index, 'batch': batch, 'struc': struc, 'params': params}

def reference(x, edge_index, batch, struc, params):
    # struc_info broadcast to nodes: torch.index_select(struc_info_torch, 0, batch)
    rep = struc[batch]
    src = edge_index[0]
    dst = edge_index[1]
    # layer 0: first_h MLP on [x, rep]
    h = _mlp(jnp.concatenate([x, rep], axis=1), params['mlp0'])
    # out += pool(lin0([h, rep]), batch)   (sum pooling; dropout identity in eval)
    out = jax.ops.segment_sum(jnp.concatenate([h, rep], axis=1) @ params['lin0']['W'] + params['lin0']['b'], batch, num_segments=N_GRAPHS)
    for l in range(1, 5):
        hin = jnp.concatenate([h, rep], axis=1)
        # GINConv with eps=0 (train_eps=False): nn((1+eps)*x + sum_{j in N(i)} x_j)
        agg = jax.ops.segment_sum(hin[src], dst, num_segments=N_NODES)
        h = _mlp(hin + agg, params['mlp%d' % l])
        pooled = jax.ops.segment_sum(h, batch, num_segments=N_GRAPHS)
        out = out + (jnp.concatenate([pooled, struc], axis=1) @ params['lin%d' % l]['W'] + params['lin%d' % l]['b'])
    return out

if __name__ == "__main__":
    import jax
    _d = setup_inputs()
    print(jax.jit(kernel)(*tuple(_d.values())))

</pallas_src>

<mosaic_0001>
#map = affine_map<(d0, d1) -> (0, 0, 0)>
#map1 = affine_map<(d0, d1) -> (0, 0)>
module attributes {stable_mosaic.version = 14 : i64} {
  func.func @_sc_agg_body(%arg0: i32, %arg1: i32, %arg2: memref<2x10080x40xf32, #tpu.memory_space<hbm>>, %arg3: memref<16x157x128xi32, #tpu.memory_space<hbm>>, %arg4: memref<16x157x128xi32, #tpu.memory_space<hbm>>, %arg5: memref<10080x40xf32, #tpu.memory_space<hbm>>, %arg6: memref<2x10080x40xf32, #tpu.memory_space<hbm>>, %arg7: memref<157x128xi32, #tpu.memory_space<vmem>>, %arg8: memref<157x128xi32, #tpu.memory_space<vmem>>, %arg9: memref<4x128x40xf32, #tpu.memory_space<vmem>>, %arg10: memref<10080x40xf32, #tpu.memory_space<vmem_shared>>, %arg11: memref<10080x40xf32, #tpu.memory_space<vmem_shared>>, %arg12: memref<4x!tpu.dma_semaphore, #tpu.memory_space<semaphore_mem>>) attributes {dimension_semantics = [#tpu.dimension_semantics<core_parallel>, #tpu.dimension_semantics<subcore_parallel>], iteration_bounds = array<i64: 2, 16>, scalar_prefetch = 0 : i64, scratch_operands = 6 : i64, tpu.core_type = #tpu.core_type<sc_vector_subcore>, window_params = [{transform_indices = #map}, {transform_indices = #map}, {transform_indices = #map}, {transform_indices = #map1}, {transform_indices = #map}]} {
    %mul3A = arith.constant 630 : i32
    %mul3A_0 = arith.muli %arg1, %mul3A : i32
    %mul3A_1 = arith.constant 630 : i32
    %mul3A_2 = arith.muli %arg1, %mul3A_1 : i32
    "tpu.region"() ({
      %run_scoped3A = tpu.sem_alloc : memref<!tpu.dma_semaphore, #tpu.memory_space<semaphore_mem>>
      %dma_start3A_31 = arith.constant 0 : i32
      %dma_start3A_32 = tpu.memref_slice %arg10[%mul3A_2, %dma_start3A_31] : memref<10080x40xf32, #tpu.memory_space<vmem_shared>> -> memref<630x40xf32, #tpu.memory_space<vmem_shared>>
      %dma_start3A_33 = arith.constant 0 : i32
      %dma_start3A_34 = tpu.memref_slice %arg5[%mul3A_0, %dma_start3A_33] : memref<10080x40xf32, #tpu.memory_space<hbm>> -> memref<630x40xf32, #tpu.memory_space<hbm>>
      tpu.enqueue_dma source(%dma_start3A_34 : memref<630x40xf32, #tpu.memory_space<hbm>>) target(%dma_start3A_32 : memref<630x40xf32, #tpu.memory_space<vmem_shared>>) target_semaphore(%run_scoped3A : memref<!tpu.dma_semaphore, #tpu.memory_space<semaphore_mem>>)
      %dma_wait3A = arith.constant 0 : i32
      %dma_wait3A_35 = tpu.memref_slice %arg10[%mul3A_2, %dma_wait3A] : memref<10080x40xf32, #tpu.memory_space<vmem_shared>> -> memref<630x40xf32, #tpu.memory_space<vmem_shared>>
      %dma_wait3A_36 = arith.constant 0 : i32
      %dma_wait3A_37 = tpu.memref_slice %arg5[%mul3A_0, %dma_wait3A_36] : memref<10080x40xf32, #tpu.memory_space<hbm>> -> memref<630x40xf32, #tpu.memory_space<hbm>>
      tpu.wait_dma2 semaphore(%run_scoped3A : memref<!tpu.dma_semaphore, #tpu.memory_space<semaphore_mem>>) src(%dma_wait3A_37 : memref<630x40xf32, #tpu.memory_space<hbm>>) dst(%dma_wait3A_35 : memref<630x40xf32, #tpu.memory_space<vmem_shared>>)
      tpu.yield
    }) : () -> ()
    %mul3A_3 = arith.constant 630 : i32
    %mul3A_4 = arith.muli %arg1, %mul3A_3 : i32
    %mul3A_5 = arith.constant 630 : i32
    %mul3A_6 = arith.muli %arg1, %mul3A_5 : i32
    "tpu.region"() ({
      %run_scoped3A = tpu.sem_alloc : memref<!tpu.dma_semaphore, #tpu.memory_space<semaphore_mem>>
      %dma_start3A_31 = arith.constant 0 : i32
      %dma_start3A_32 = tpu.memref_slice %arg11[%mul3A_6, %dma_start3A_31] : memref<10080x40xf32, #tpu.memory_space<vmem_shared>> -> memref<630x40xf32, #tpu.memory_space<vmem_shared>>
      %dma_start3A_33 = arith.constant 0 : i32
      %dma_start3A_34 = tpu.memref_slice %arg2[%arg0, %mul3A_4, %dma_start3A_33] : memref<2x10080x40xf32, #tpu.memory_space<hbm>> -> memref<1x630x40xf32, #tpu.memory_space<hbm>>
      %dma_start3A_35 = tpu.memref_squeeze %dma_start3A_34 : memref<1x630x40xf32, #tpu.memory_space<hbm>> -> memref<630x40xf32, #tpu.memory_space<hbm>>
      tpu.enqueue_dma source(%dma_start3A_35 : memref<630x40xf32, #tpu.memory_space<hbm>>) target(%dma_start3A_32 : memref<630x40xf32, #tpu.memory_space<vmem_shared>>) target_semaphore(%run_scoped3A : memref<!tpu.dma_semaphore, #tpu.memory_space<semaphore_mem>>)
      %dma_wait3A = arith.constant 0 : i32
      %dma_wait3A_36 = tpu.memref_slice %arg11[%mul3A_6, %dma_wait3A] : memref<10080x40xf32, #tpu.memory_space<vmem_shared>> -> memref<630x40xf32, #tpu.memory_space<vmem_shared>>
      %dma_wait3A_37 = arith.constant 0 : i32
      %dma_wait3A_38 = tpu.memref_slice %arg2[%arg0, %mul3A_4, %dma_wait3A_37] : memref<2x10080x40xf32, #tpu.memory_space<hbm>> -> memref<1x630x40xf32, #tpu.memory_space<hbm>>
      %dma_wait3A_39 = tpu.memref_squeeze %dma_wait3A_38 : memref<1x630x40xf32, #tpu.memory_space<hbm>> -> memref<630x40xf32, #tpu.memory_space<hbm>>
      tpu.wait_dma2 semaphore(%run_scoped3A : memref<!tpu.dma_semaphore, #tpu.memory_space<semaphore_mem>>) src(%dma_wait3A_39 : memref<630x40xf32, #tpu.memory_space<hbm>>) dst(%dma_wait3A_36 : memref<630x40xf32, #tpu.memory_space<vmem_shared>>)
      tpu.yield
    }) : () -> ()
    "tpu.region"() ({
      %run_scoped3A = tpu.sem_alloc : memref<!tpu.dma_semaphore, #tpu.memory_space<semaphore_mem>>
      %dma_start3A_31 = arith.constant 0 : i32
      %dma_start3A_32 = arith.constant 0 : i32
      %dma_start3A_33 = tpu.memref_slice %arg3[%arg1, %dma_start3A_31, %dma_start3A_32] : memref<16x157x128xi32, #tpu.memory_space<hbm>> -> memref<1x157x128xi32, #tpu.memory_space<hbm>>
      %dma_start3A_34 = tpu.memref_squeeze %dma_start3A_33 : memref<1x157x128xi32, #tpu.memory_space<hbm>> -> memref<157x128xi32, #tpu.memory_space<hbm>>
      %dma_start3A_35 = arith.constant 0 : i32
      %dma_start3A_36 = arith.constant 0 : i32
      %dma_start3A_37 = tpu.memref_slice %arg3[%arg1, %dma_start3A_35, %dma_start3A_36] : memref<16x157x128xi32, #tpu.memory_space<hbm>> -> memref<1x157x128xi32, #tpu.memory_space<hbm>>
      %dma_start3A_38 = tpu.memref_squeeze %dma_start3A_37 : memref<1x157x128xi32, #tpu.memory_space<hbm>> -> memref<157x128xi32, #tpu.memory_space<hbm>>
      tpu.enqueue_dma source(%dma_start3A_38 : memref<157x128xi32, #tpu.memory_space<hbm>>) target(%arg7 : memref<157x128xi32, #tpu.memory_space<vmem>>) target_semaphore(%run_scoped3A : memref<!tpu.dma_semaphore, #tpu.memory_space<semaphore_mem>>)
      %dma_wait3A = arith.constant 0 : i32
      %dma_wait3A_39 = arith.constant 0 : i32
      %dma_wait3A_40 = tpu.memref_slice %arg3[%arg1, %dma_wait3A, %dma_wait3A_39] : memref<16x157x128xi32, #tpu.memory_space<hbm>> -> memref<1x157x128xi32, #tpu.memory_space<hbm>>
      %dma_wait3A_41 = tpu.memref_squeeze %dma_wait3A_40 : memref<1x157x128xi32, #tpu.memory_space<hbm>> -> memref<157x128xi32, #tpu.memory_space<hbm>>
      %dma_wait3A_42 = arith.constant 0 : i32
      %dma_wait3A_43 = arith.constant 0 : i32
      %dma_wait3A_44 = tpu.memref_slice %arg3[%arg1, %dma_wait3A_42, %dma_wait3A_43] : memref<16x157x128xi32, #tpu.memory_space<hbm>> -> memref<1x157x128xi32, #tpu.memory_space<hbm>>
      %dma_wait3A_45 = tpu.memref_squeeze %dma_wait3A_44 : memref<1x157x128xi32, #tpu.memory_space<hbm>> -> memref<157x128xi32, #tpu.memory_space<hbm>>
      tpu.wait_dma2 semaphore(%run_scoped3A : memref<!tpu.dma_semaphore, #tpu.memory_space<semaphore_mem>>) src(%dma_wait3A_45 : memref<157x128xi32, #tpu.memory_space<hbm>>) dst(%arg7 : memref<157x128xi32, #tpu.memory_space<vmem>>)
      tpu.yield
    }) : () -> ()
    "tpu.region"() ({
      %run_scoped3A = tpu.sem_alloc : memref<!tpu.dma_semaphore, #tpu.memory_space<semaphore_mem>>
      %dma_start3A_31 = arith.constant 0 : i32
      %dma_start3A_32 = arith.constant 0 : i32
      %dma_start3A_33 = tpu.memref_slice %arg4[%arg1, %dma_start3A_31, %dma_start3A_32] : memref<16x157x128xi32, #tpu.memory_space<hbm>> -> memref<1x157x128xi32, #tpu.memory_space<hbm>>
      %dma_start3A_34 = tpu.memref_squeeze %dma_start3A_33 : memref<1x157x128xi32, #tpu.memory_space<hbm>> -> memref<157x128xi32, #tpu.memory_space<hbm>>
      %dma_start3A_35 = arith.constant 0 : i32
      %dma_start3A_36 = arith.constant 0 : i32
      %dma_start3A_37 = tpu.memref_slice %arg4[%arg1, %dma_start3A_35, %dma_start3A_36] : memref<16x157x128xi32, #tpu.memory_space<hbm>> -> memref<1x157x128xi32, #tpu.memory_space<hbm>>
      %dma_start3A_38 = tpu.memref_squeeze %dma_start3A_37 : memref<1x157x128xi32, #tpu.memory_space<hbm>> -> memref<157x128xi32, #tpu.memory_space<hbm>>
      tpu.enqueue_dma source(%dma_start3A_38 : memref<157x128xi32, #tpu.memory_space<hbm>>) target(%arg8 : memref<157x128xi32, #tpu.memory_space<vmem>>) target_semaphore(%run_scoped3A : memref<!tpu.dma_semaphore, #tpu.memory_space<semaphore_mem>>)
      %dma_wait3A = arith.constant 0 : i32
      %dma_wait3A_39 = arith.constant 0 : i32
      %dma_wait3A_40 = tpu.memref_slice %arg4[%arg1, %dma_wait3A, %dma_wait3A_39] : memref<16x157x128xi32, #tpu.memory_space<hbm>> -> memref<1x157x128xi32, #tpu.memory_space<hbm>>
      %dma_wait3A_41 = tpu.memref_squeeze %dma_wait3A_40 : memref<1x157x128xi32, #tpu.memory_space<hbm>> -> memref<157x128xi32, #tpu.memory_space<hbm>>
      %dma_wait3A_42 = arith.constant 0 : i32
      %dma_wait3A_43 = arith.constant 0 : i32
      %dma_wait3A_44 = tpu.memref_slice %arg4[%arg1, %dma_wait3A_42, %dma_wait3A_43] : memref<16x157x128xi32, #tpu.memory_space<hbm>> -> memref<1x157x128xi32, #tpu.memory_space<hbm>>
      %dma_wait3A_45 = tpu.memref_squeeze %dma_wait3A_44 : memref<1x157x128xi32, #tpu.memory_space<hbm>> -> memref<157x128xi32, #tpu.memory_space<hbm>>
      tpu.wait_dma2 semaphore(%run_scoped3A : memref<!tpu.dma_semaphore, #tpu.memory_space<semaphore_mem>>) src(%dma_wait3A_45 : memref<157x128xi32, #tpu.memory_space<hbm>>) dst(%arg8 : memref<157x128xi32, #tpu.memory_space<vmem>>)
      tpu.yield
    }) : () -> ()
    %barrier3A = arith.constant 0 : index
    tpu.barrier barrier_id(%barrier3A)
    %dma_start3A = arith.constant 0 : i32
    %dma_start3A_7 = arith.constant 0 : i32
    %dma_start3A_8 = arith.constant 0 : i32
    %dma_start3A_9 = arith.constant 0 : i32
    %dma_start3A_10 = arith.constant 0 : i32
    %dma_start3A_11 = tpu.memref_slice %arg9[%dma_start3A_7, %dma_start3A_9, %dma_start3A_10] : memref<4x128x40xf32, #tpu.memory_space<vmem>> -> memref<1x128x40xf32, #tpu.memory_space<vmem>>
    %dma_start3A_12 = tpu.memref_squeeze %dma_start3A_11 : memref<1x128x40xf32, #tpu.memory_space<vmem>> -> memref<128x40xf32, #tpu.memory_space<vmem>>
    %dma_start3A_13 = arith.constant 0 : i32
    %dma_start3A_14 = tpu.memref_slice %arg7[%dma_start3A, %dma_start3A_13] : memref<157x128xi32, #tpu.memory_space<vmem>> -> memref<1x128xi32, #tpu.memory_space<vmem>>
    %dma_start3A_15 = tpu.memref_squeeze %dma_start3A_14 : memref<1x128xi32, #tpu.memory_space<vmem>> -> memref<128xi32, #tpu.memory_space<vmem>>
    %dma_start3A_16 = arith.constant 0 : i32
    %dma_start3A_17 = arith.constant 0 : i32
    %dma_start3A_18 = tpu.memref_slice %arg11[%dma_start3A_16, %dma_start3A_17] : memref<10080x40xf32, #tpu.memory_space<vmem_shared>> -> memref<10080x40xf32, #tpu.memory_space<vmem_shared>>
    %dma_start3A_19 = tpu.memref_slice %arg12[%dma_start3A_8] : memref<4x!tpu.dma_semaphore, #tpu.memory_space<semaphore_mem>> -> memref<1x!tpu.dma_semaphore, #tpu.memory_space<semaphore_mem>>
    %dma_start3A_20 = tpu.memref_squeeze %dma_start3A_19 : memref<1x!tpu.dma_semaphore, #tpu.memory_space<semaphore_mem>> -> memref<!tpu.dma_semaphore, #tpu.memory_space<semaphore_mem>>
    tpu.enqueue_indirect_dma source(%dma_start3A_18 : memref<10080x40xf32, #tpu.memory_space<vmem_shared>>) target(%dma_start3A_12 : memref<128x40xf32, #tpu.memory_space<vmem>>) offsets(%dma_start3A_15 : memref<128xi32, #tpu.memory_space<vmem>>) semaphore(%dma_start3A_20 : memref<!tpu.dma_semaphore, #tpu.memory_space<semaphore_mem>>)
    %scan3A = arith.constant 0 : i32
    %scan3A_21 = arith.constant 0 : i32
    %scan3A_22 = arith.constant 157 : i32
    %scan3A_23 = arith.addi %scan3A_21, %scan3A_22 : i32
    %scan3A_24 = arith.constant 1 : i32
    scf.for %scan3A_31 = %scan3A_21 to %scan3A_23 step %scan3A_24  : i32 {
      %add3A = arith.constant 1 : i32
      %add3A_32 = arith.addi %scan3A_31, %add3A : i32
      %lt3A = arith.constant 157 : i32
      %lt3A_33 = arith.cmpi slt, %add3A_32, %lt3A : i32
      %convert_element_type3A = arith.extui %lt3A_33 : i1 to i32
      %cond3A = arith.constant 0 : i32
      %cond3A_34 = arith.cmpi ne, %convert_element_type3A, %cond3A : i32
      scf.if %cond3A_34 {
        %add3A_47 = arith.constant 1 : i32
        %add3A_48 = arith.addi %scan3A_31, %add3A_47 : i32
        %rem3A_49 = arith.constant 4 : i32
        %rem3A_50 = arith.remsi %add3A_48, %rem3A_49 : i32
        %add3A_51 = arith.constant 1 : i32
        %add3A_52 = arith.addi %scan3A_31, %add3A_51 : i32
        %dma_start3A_53 = arith.constant 0 : i32
        %dma_start3A_54 = arith.constant 0 : i32
        %dma_start3A_55 = tpu.memref_slice %arg9[%rem3A_50, %dma_start3A_53, %dma_start3A_54] : memref<4x128x40xf32, #tpu.memory_space<vmem>> -> memref<1x128x40xf32, #tpu.memory_space<vmem>>
        %dma_start3A_56 = tpu.memref_squeeze %dma_start3A_55 : memref<1x128x40xf32, #tpu.memory_space<vmem>> -> memref<128x40xf32, #tpu.memory_space<vmem>>
        %dma_start3A_57 = arith.constant 0 : i32
        %dma_start3A_58 = tpu.memref_slice %arg7[%add3A_52, %dma_start3A_57] : memref<157x128xi32, #tpu.memory_space<vmem>> -> memref<1x128xi32, #tpu.memory_space<vmem>>
        %dma_start3A_59 = tpu.memref_squeeze %dma_start3A_58 : memref<1x128xi32, #tpu.memory_space<vmem>> -> memref<128xi32, #tpu.memory_space<vmem>>
        %dma_start3A_60 = arith.constant 0 : i32
        %dma_start3A_61 = arith.constant 0 : i32
        %dma_start3A_62 = tpu.memref_slice %arg11[%dma_start3A_60, %dma_start3A_61] : memref<10080x40xf32, #tpu.memory_space<vmem_shared>> -> memref<10080x40xf32, #tpu.memory_space<vmem_shared>>
        %dma_start3A_63 = tpu.memref_slice %arg12[%rem3A_50] : memref<4x!tpu.dma_semaphore, #tpu.memory_space<semaphore_mem>> -> memref<1x!tpu.dma_semaphore, #tpu.memory_space<semaphore_mem>>
        %dma_start3A_64 = tpu.memref_squeeze %dma_start3A_63 : memref<1x!tpu.dma_semaphore, #tpu.memory_space<semaphore_mem>> -> memref<!tpu.dma_semaphore, #tpu.memory_space<semaphore_mem>>
        tpu.enqueue_indirect_dma source(%dma_start3A_62 : memref<10080x40xf32, #tpu.memory_space<vmem_shared>>) target(%dma_start3A_56 : memref<128x40xf32, #tpu.memory_space<vmem>>) offsets(%dma_start3A_59 : memref<128xi32, #tpu.memory_space<vmem>>) semaphore(%dma_start3A_64 : memref<!tpu.dma_semaphore, #tpu.memory_space<semaphore_mem>>)
      } else {
      }
      %rem3A = arith.constant 4 : i32
      %rem3A_35 = arith.remsi %scan3A_31, %rem3A : i32
      %dma_wait3A = arith.constant 0 : i32
      %dma_wait3A_36 = arith.constant 0 : i32
      %dma_wait3A_37 = tpu.memref_slice %arg9[%rem3A_35, %dma_wait3A, %dma_wait3A_36] : memref<4x128x40xf32, #tpu.memory_space<vmem>> -> memref<1x128x40xf32, #tpu.memory_space<vmem>>
      %dma_wait3A_38 = tpu.memref_squeeze %dma_wait3A_37 : memref<1x128x40xf32, #tpu.memory_space<vmem>> -> memref<128x40xf32, #tpu.memory_space<vmem>>
      %dma_wait3A_39 = arith.constant 0 : i32
      %dma_wait3A_40 = tpu.memref_slice %arg7[%scan3A_31, %dma_wait3A_39] : memref<157x128xi32, #tpu.memory_space<vmem>> -> memref<1x128xi32, #tpu.memory_space<vmem>>
      %dma_wait3A_41 = tpu.memref_squeeze %dma_wait3A_40 : memref<1x128xi32, #tpu.memory_space<vmem>> -> memref<128xi32, #tpu.memory_space<vmem>>
      %dma_wait3A_42 = arith.constant 0 : i32
      %dma_wait3A_43 = arith.constant 0 : i32
      %dma_wait3A_44 = tpu.memref_slice %arg11[%dma_wait3A_42, %dma_wait3A_43] : memref<10080x40xf32, #tpu.memory_space<vmem_shared>> -> memref<10080x40xf32, #tpu.memory_space<vmem_shared>>
      %dma_wait3A_45 = tpu.memref_slice %arg12[%rem3A_35] : memref<4x!tpu.dma_semaphore, #tpu.memory_space<semaphore_mem>> -> memref<1x!tpu.dma_semaphore, #tpu.memory_space<semaphore_mem>>
      %dma_wait3A_46 = tpu.memref_squeeze %dma_wait3A_45 : memref<1x!tpu.dma_semaphore, #tpu.memory_space<semaphore_mem>> -> memref<!tpu.dma_semaphore, #tpu.memory_space<semaphore_mem>>
      tpu.wait_indirect_dma semaphore(%dma_wait3A_46 : memref<!tpu.dma_semaphore, #tpu.memory_space<semaphore_mem>>) src(%dma_wait3A_44 : memref<10080x40xf32, #tpu.memory_space<vmem_shared>>) dst(%dma_wait3A_38 : memref<128x40xf32, #tpu.memory_space<vmem>>)
      "tpu.region"() ({
        %run_scoped3A = tpu.sem_alloc : memref<!tpu.dma_semaphore, #tpu.memory_space<semaphore_mem>>
        %dma_start3A_47 = arith.constant 0 : i32
        %dma_start3A_48 = arith.constant 0 : i32
        %dma_start3A_49 = tpu.memref_slice %arg9[%rem3A_35, %dma_start3A_47, %dma_start3A_48] : memref<4x128x40xf32, #tpu.memory_space<vmem>> -> memref<1x128x40xf32, #tpu.memory_space<vmem>>
        %dma_start3A_50 = tpu.memref_squeeze %dma_start3A_49 : memref<1x128x40xf32, #tpu.memory_space<vmem>> -> memref<128x40xf32, #tpu.memory_space<vmem>>
        %dma_start3A_51 = arith.constant 0 : i32
        %dma_start3A_52 = tpu.memref_slice %arg8[%scan3A_31, %dma_start3A_51] : memref<157x128xi32, #tpu.memory_space<vmem>> -> memref<1x128xi32, #tpu.memory_space<vmem>>
        %dma_start3A_53 = tpu.memref_squeeze %dma_start3A_52 : memref<1x128xi32, #tpu.memory_space<vmem>> -> memref<128xi32, #tpu.memory_space<vmem>>
        %dma_start3A_54 = arith.constant 0 : i32
        %dma_start3A_55 = arith.constant 0 : i32
        %dma_start3A_56 = tpu.memref_slice %arg10[%dma_start3A_54, %dma_start3A_55] : memref<10080x40xf32, #tpu.memory_space<vmem_shared>> -> memref<10080x40xf32, #tpu.memory_space<vmem_shared>>
        tpu.enqueue_indirect_dma source(%dma_start3A_50 : memref<128x40xf32, #tpu.memory_space<vmem>>) target(%dma_start3A_56 : memref<10080x40xf32, #tpu.memory_space<vmem_shared>>) offsets(%dma_start3A_53 : memref<128xi32, #tpu.memory_space<vmem>>) semaphore(%run_scoped3A : memref<!tpu.dma_semaphore, #tpu.memory_space<semaphore_mem>>) {add = true}
        %dma_wait3A_57 = arith.constant 0 : i32
        %dma_wait3A_58 = arith.constant 0 : i32
        %dma_wait3A_59 = tpu.memref_slice %arg9[%rem3A_35, %dma_wait3A_57, %dma_wait3A_58] : memref<4x128x40xf32, #tpu.memory_space<vmem>> -> memref<1x128x40xf32, #tpu.memory_space<vmem>>
        %dma_wait3A_60 = tpu.memref_squeeze %dma_wait3A_59 : memref<1x128x40xf32, #tpu.memory_space<vmem>> -> memref<128x40xf32, #tpu.memory_space<vmem>>
        %dma_wait3A_61 = arith.constant 0 : i32
        %dma_wait3A_62 = tpu.memref_slice %arg8[%scan3A_31, %dma_wait3A_61] : memref<157x128xi32, #tpu.memory_space<vmem>> -> memref<1x128xi32, #tpu.memory_space<vmem>>
        %dma_wait3A_63 = tpu.memref_squeeze %dma_wait3A_62 : memref<1x128xi32, #tpu.memory_space<vmem>> -> memref<128xi32, #tpu.memory_space<vmem>>
        %dma_wait3A_64 = arith.constant 0 : i32
        %dma_wait3A_65 = arith.constant 0 : i32
        %dma_wait3A_66 = tpu.memref_slice %arg10[%dma_wait3A_64, %dma_wait3A_65] : memref<10080x40xf32, #tpu.memory_space<vmem_shared>> -> memref<10080x40xf32, #tpu.memory_space<vmem_shared>>
        tpu.wait_indirect_dma semaphore(%run_scoped3A : memref<!tpu.dma_semaphore, #tpu.memory_space<semaphore_mem>>) src(%dma_wait3A_60 : memref<128x40xf32, #tpu.memory_space<vmem>>) dst(%dma_wait3A_66 : memref<10080x40xf32, #tpu.memory_space<vmem_shared>>)
        tpu.yield
      }) : () -> ()
    }
    %scan3A_25 = arith.constant 157 : i32
    %barrier3A_26 = arith.constant 0 : index
    tpu.barrier barrier_id(%barrier3A_26)
    %mul3A_27 = arith.constant 630 : i32
    %mul3A_28 = arith.muli %arg1, %mul3A_27 : i32
    %mul3A_29 = arith.constant 630 : i32
    %mul3A_30 = arith.muli %arg1, %mul3A_29 : i32
    "tpu.region"() ({
      %run_scoped3A = tpu.sem_alloc : memref<!tpu.dma_semaphore, #tpu.memory_space<semaphore_mem>>
      %dma_start3A_31 = arith.constant 0 : i32
      %dma_start3A_32 = tpu.memref_slice %arg6[%arg0, %mul3A_30, %dma_start3A_31] : memref<2x10080x40xf32, #tpu.memory_space<hbm>> -> memref<1x630x40xf32, #tpu.memory_space<hbm>>
      %dma_start3A_33 = tpu.memref_squeeze %dma_start3A_32 : memref<1x630x40xf32, #tpu.memory_space<hbm>> -> memref<630x40xf32, #tpu.memory_space<hbm>>
      %dma_start3A_34 = arith.constant 0 : i32
      %dma_start3A_35 = tpu.memref_slice %arg10[%mul3A_28, %dma_start3A_34] : memref<10080x40xf32, #tpu.memory_space<vmem_shared>> -> memref<630x40xf32, #tpu.memory_space<vmem_shared>>
      tpu.enqueue_dma source(%dma_start3A_35 : memref<630x40xf32, #tpu.memory_space<vmem_shared>>) target(%dma_start3A_33 : memref<630x40xf32, #tpu.memory_space<hbm>>) target_semaphore(%run_scoped3A : memref<!tpu.dma_semaphore, #tpu.memory_space<semaphore_mem>>)
      %dma_wait3A = arith.constant 0 : i32
      %dma_wait3A_36 = tpu.memref_slice %arg6[%arg0, %mul3A_30, %dma_wait3A] : memref<2x10080x40xf32, #tpu.memory_space<hbm>> -> memref<1x630x40xf32, #tpu.memory_space<hbm>>
      %dma_wait3A_37 = tpu.memref_squeeze %dma_wait3A_36 : memref<1x630x40xf32, #tpu.memory_space<hbm>> -> memref<630x40xf32, #tpu.memory_space<hbm>>
      %dma_wait3A_38 = arith.constant 0 : i32
      %dma_wait3A_39 = tpu.memref_slice %arg10[%mul3A_28, %dma_wait3A_38] : memref<10080x40xf32, #tpu.memory_space<vmem_shared>> -> memref<630x40xf32, #tpu.memory_space<vmem_shared>>
      tpu.wait_dma2 semaphore(%run_scoped3A : memref<!tpu.dma_semaphore, #tpu.memory_space<semaphore_mem>>) src(%dma_wait3A_39 : memref<630x40xf32, #tpu.memory_space<vmem_shared>>) dst(%dma_wait3A_37 : memref<630x40xf32, #tpu.memory_space<hbm>>)
      tpu.yield
    }) : () -> ()
    return
  }
}

#map = affine_map<(d0, d1) -> (0, 0, 0)>
#map1 = affine_map<(d0, d1) -> (0, 0)>
module attributes {stable_mosaic.version = 14 : i64} {
  func.func @_sc_agg_body(%arg0: i32, %arg1: i32, %arg2: memref<2x10080x40xf32, #tpu.memory_space<hbm>>, %arg3: memref<16x157x128xi32, #tpu.memory_space<hbm>>, %arg4: memref<16x157x128xi32, #tpu.memory_space<hbm>>, %arg5: memref<10080x40xf32, #tpu.memory_space<hbm>>, %arg6: memref<2x10080x40xf32, #tpu.memory_space<hbm>>, %arg7: memref<157x128xi32, #tpu.memory_space<vmem>>, %arg8: memref<157x128xi32, #tpu.memory_space<vmem>>, %arg9: memref<4x128x40xf32, #tpu.memory_space<vmem>>, %arg10: memref<10080x40xf32, #tpu.memory_space<vmem_shared>>, %arg11: memref<10080x40xf32, #tpu.memory_space<vmem_shared>>, %arg12: memref<4x!tpu.dma_semaphore, #tpu.memory_space<semaphore_mem>>) attributes {dimension_semantics = [#tpu.dimension_semantics<core_parallel>, #tpu.dimension_semantics<subcore_parallel>], iteration_bounds = array<i64: 2, 16>, scalar_prefetch = 0 : i64, scratch_operands = 6 : i64, tpu.core_type = #tpu.core_type<sc_vector_subcore>, window_params = [{transform_indices = #map}, {transform_indices = #map}, {transform_indices = #map}, {transform_indices = #map1}, {transform_indices = #map}]} {
    %mul3A = arith.constant 630 : i32
    %mul3A_0 = arith.muli %arg1, %mul3A : i32
    %mul3A_1 = arith.constant 630 : i32
    %mul3A_2 = arith.muli %arg1, %mul3A_1 : i32
    "tpu.region"() ({
      %run_scoped3A = tpu.sem_alloc : memref<!tpu.dma_semaphore, #tpu.memory_space<semaphore_mem>>
      %dma_start3A_31 = arith.constant 0 : i32
      %dma_start3A_32 = tpu.memref_slice %arg10[%mul3A_2, %dma_start3A_31] : memref<10080x40xf32, #tpu.memory_space<vmem_shared>> -> memref<630x40xf32, #tpu.memory_space<vmem_shared>>
      %dma_start3A_33 = arith.constant 0 : i32
      %dma_start3A_34 = tpu.memref_slice %arg5[%mul3A_0, %dma_start3A_33] : memref<10080x40xf32, #tpu.memory_space<hbm>> -> memref<630x40xf32, #tpu.memory_space<hbm>>
      tpu.enqueue_dma source(%dma_start3A_34 : memref<630x40xf32, #tpu.memory_space<hbm>>) target(%dma_start3A_32 : memref<630x40xf32, #tpu.memory_space<vmem_shared>>) target_semaphore(%run_scoped3A : memref<!tpu.dma_semaphore, #tpu.memory_space<semaphore_mem>>)
      %dma_wait3A = arith.constant 0 : i32
      %dma_wait3A_35 = tpu.memref_slice %arg10[%mul3A_2, %dma_wait3A] : memref<10080x40xf32, #tpu.memory_space<vmem_shared>> -> memref<630x40xf32, #tpu.memory_space<vmem_shared>>
      %dma_wait3A_36 = arith.constant 0 : i32
      %dma_wait3A_37 = tpu.memref_slice %arg5[%mul3A_0, %dma_wait3A_36] : memref<10080x40xf32, #tpu.memory_space<hbm>> -> memref<630x40xf32, #tpu.memory_space<hbm>>
      tpu.wait_dma2 semaphore(%run_scoped3A : memref<!tpu.dma_semaphore, #tpu.memory_space<semaphore_mem>>) src(%dma_wait3A_37 : memref<630x40xf32, #tpu.memory_space<hbm>>) dst(%dma_wait3A_35 : memref<630x40xf32, #tpu.memory_space<vmem_shared>>)
      tpu.yield
    }) : () -> ()
    %mul3A_3 = arith.constant 630 : i32
    %mul3A_4 = arith.muli %arg1, %mul3A_3 : i32
    %mul3A_5 = arith.constant 630 : i32
    %mul3A_6 = arith.muli %arg1, %mul3A_5 : i32
    "tpu.region"() ({
      %run_scoped3A = tpu.sem_alloc : memref<!tpu.dma_semaphore, #tpu.memory_space<semaphore_mem>>
      %dma_start3A_31 = arith.constant 0 : i32
      %dma_start3A_32 = tpu.memref_slice %arg11[%mul3A_6, %dma_start3A_31] : memref<10080x40xf32, #tpu.memory_space<vmem_shared>> -> memref<630x40xf32, #tpu.memory_space<vmem_shared>>
      %dma_start3A_33 = arith.constant 0 : i32
      %dma_start3A_34 = tpu.memref_slice %arg2[%arg0, %mul3A_4, %dma_start3A_33] : memref<2x10080x40xf32, #tpu.memory_space<hbm>> -> memref<1x630x40xf32, #tpu.memory_space<hbm>>
      %dma_start3A_35 = tpu.memref_squeeze %dma_start3A_34 : memref<1x630x40xf32, #tpu.memory_space<hbm>> -> memref<630x40xf32, #tpu.memory_space<hbm>>
      tpu.enqueue_dma source(%dma_start3A_35 : memref<630x40xf32, #tpu.memory_space<hbm>>) target(%dma_start3A_32 : memref<630x40xf32, #tpu.memory_space<vmem_shared>>) target_semaphore(%run_scoped3A : memref<!tpu.dma_semaphore, #tpu.memory_space<semaphore_mem>>)
      %dma_wait3A = arith.constant 0 : i32
      %dma_wait3A_36 = tpu.memref_slice %arg11[%mul3A_6, %dma_wait3A] : memref<10080x40xf32, #tpu.memory_space<vmem_shared>> -> memref<630x40xf32, #tpu.memory_space<vmem_shared>>
      %dma_wait3A_37 = arith.constant 0 : i32
      %dma_wait3A_38 = tpu.memref_slice %arg2[%arg0, %mul3A_4, %dma_wait3A_37] : memref<2x10080x40xf32, #tpu.memory_space<hbm>> -> memref<1x630x40xf32, #tpu.memory_space<hbm>>
      %dma_wait3A_39 = tpu.memref_squeeze %dma_wait3A_38 : memref<1x630x40xf32, #tpu.memory_space<hbm>> -> memref<630x40xf32, #tpu.memory_space<hbm>>
      tpu.wait_dma2 semaphore(%run_scoped3A : memref<!tpu.dma_semaphore, #tpu.memory_space<semaphore_mem>>) src(%dma_wait3A_39 : memref<630x40xf32, #tpu.memory_space<hbm>>) dst(%dma_wait3A_36 : memref<630x40xf32, #tpu.memory_space<vmem_shared>>)
      tpu.yield
    }) : () -> ()
    "tpu.region"() ({
      %run_scoped3A = tpu.sem_alloc : memref<!tpu.dma_semaphore, #tpu.memory_space<semaphore_mem>>
      %dma_start3A_31 = arith.constant 0 : i32
      %dma_start3A_32 = arith.constant 0 : i32
      %dma_start3A_33 = tpu.memref_slice %arg3[%arg1, %dma_start3A_31, %dma_start3A_32] : memref<16x157x128xi32, #tpu.memory_space<hbm>> -> memref<1x157x128xi32, #tpu.memory_space<hbm>>
      %dma_start3A_34 = tpu.memref_squeeze %dma_start3A_33 : memref<1x157x128xi32, #tpu.memory_space<hbm>> -> memref<157x128xi32, #tpu.memory_space<hbm>>
      %dma_start3A_35 = arith.constant 0 : i32
      %dma_start3A_36 = arith.constant 0 : i32
      %dma_start3A_37 = tpu.memref_slice %arg3[%arg1, %dma_start3A_35, %dma_start3A_36] : memref<16x157x128xi32, #tpu.memory_space<hbm>> -> memref<1x157x128xi32, #tpu.memory_space<hbm>>
      %dma_start3A_38 = tpu.memref_squeeze %dma_start3A_37 : memref<1x157x128xi32, #tpu.memory_space<hbm>> -> memref<157x128xi32, #tpu.memory_space<hbm>>
      tpu.enqueue_dma source(%dma_start3A_38 : memref<157x128xi32, #tpu.memory_space<hbm>>) target(%arg7 : memref<157x128xi32, #tpu.memory_space<vmem>>) target_semaphore(%run_scoped3A : memref<!tpu.dma_semaphore, #tpu.memory_space<semaphore_mem>>)
      %dma_wait3A = arith.constant 0 : i32
      %dma_wait3A_39 = arith.constant 0 : i32
      %dma_wait3A_40 = tpu.memref_slice %arg3[%arg1, %dma_wait3A, %dma_wait3A_39] : memref<16x157x128xi32, #tpu.memory_space<hbm>> -> memref<1x157x128xi32, #tpu.memory_space<hbm>>
      %dma_wait3A_41 = tpu.memref_squeeze %dma_wait3A_40 : memref<1x157x128xi32, #tpu.memory_space<hbm>> -> memref<157x128xi32, #tpu.memory_space<hbm>>
      %dma_wait3A_42 = arith.constant 0 : i32
      %dma_wait3A_43 = arith.constant 0 : i32
      %dma_wait3A_44 = tpu.memref_slice %arg3[%arg1, %dma_wait3A_42, %dma_wait3A_43] : memref<16x157x128xi32, #tpu.memory_space<hbm>> -> memref<1x157x128xi32, #tpu.memory_space<hbm>>
      %dma_wait3A_45 = tpu.memref_squeeze %dma_wait3A_44 : memref<1x157x128xi32, #tpu.memory_space<hbm>> -> memref<157x128xi32, #tpu.memory_space<hbm>>
      tpu.wait_dma2 semaphore(%run_scoped3A : memref<!tpu.dma_semaphore, #tpu.memory_space<semaphore_mem>>) src(%dma_wait3A_45 : memref<157x128xi32, #tpu.memory_space<hbm>>) dst(%arg7 : memref<157x128xi32, #tpu.memory_space<vmem>>)
      tpu.yield
    }) : () -> ()
    "tpu.region"() ({
      %run_scoped3A = tpu.sem_alloc : memref<!tpu.dma_semaphore, #tpu.memory_space<semaphore_mem>>
      %dma_start3A_31 = arith.constant 0 : i32
      %dma_start3A_32 = arith.constant 0 : i32
      %dma_start3A_33 = tpu.memref_slice %arg4[%arg1, %dma_start3A_31, %dma_start3A_32] : memref<16x157x128xi32, #tpu.memory_space<hbm>> -> memref<1x157x128xi32, #tpu.memory_space<hbm>>
      %dma_start3A_34 = tpu.memref_squeeze %dma_start3A_33 : memref<1x157x128xi32, #tpu.memory_space<hbm>> -> memref<157x128xi32, #tpu.memory_space<hbm>>
      %dma_start3A_35 = arith.constant 0 : i32
      %dma_start3A_36 = arith.constant 0 : i32
      %dma_start3A_37 = tpu.memref_slice %arg4[%arg1, %dma_start3A_35, %dma_start3A_36] : memref<16x157x128xi32, #tpu.memory_space<hbm>> -> memref<1x157x128xi32, #tpu.memory_space<hbm>>
      %dma_start3A_38 = tpu.memref_squeeze %dma_start3A_37 : memref<1x157x128xi32, #tpu.memory_space<hbm>> -> memref<157x128xi32, #tpu.memory_space<hbm>>
      tpu.enqueue_dma source(%dma_start3A_38 : memref<157x128xi32, #tpu.memory_space<hbm>>) target(%arg8 : memref<157x128xi32, #tpu.memory_space<vmem>>) target_semaphore(%run_scoped3A : memref<!tpu.dma_semaphore, #tpu.memory_space<semaphore_mem>>)
      %dma_wait3A = arith.constant 0 : i32
      %dma_wait3A_39 = arith.constant 0 : i32
      %dma_wait3A_40 = tpu.memref_slice %arg4[%arg1, %dma_wait3A, %dma_wait3A_39] : memref<16x157x128xi32, #tpu.memory_space<hbm>> -> memref<1x157x128xi32, #tpu.memory_space<hbm>>
      %dma_wait3A_41 = tpu.memref_squeeze %dma_wait3A_40 : memref<1x157x128xi32, #tpu.memory_space<hbm>> -> memref<157x128xi32, #tpu.memory_space<hbm>>
      %dma_wait3A_42 = arith.constant 0 : i32
      %dma_wait3A_43 = arith.constant 0 : i32
      %dma_wait3A_44 = tpu.memref_slice %arg4[%arg1, %dma_wait3A_42, %dma_wait3A_43] : memref<16x157x128xi32, #tpu.memory_space<hbm>> -> memref<1x157x128xi32, #tpu.memory_space<hbm>>
      %dma_wait3A_45 = tpu.memref_squeeze %dma_wait3A_44 : memref<1x157x128xi32, #tpu.memory_space<hbm>> -> memref<157x128xi32, #tpu.memory_space<hbm>>
      tpu.wait_dma2 semaphore(%run_scoped3A : memref<!tpu.dma_semaphore, #tpu.memory_space<semaphore_mem>>) src(%dma_wait3A_45 : memref<157x128xi32, #tpu.memory_space<hbm>>) dst(%arg8 : memref<157x128xi32, #tpu.memory_space<vmem>>)
      tpu.yield
    }) : () -> ()
    %barrier3A = arith.constant 0 : index
    tpu.barrier barrier_id(%barrier3A)
    %dma_start3A = arith.constant 0 : i32
    %dma_start3A_7 = arith.constant 0 : i32
    %dma_start3A_8 = arith.constant 0 : i32
    %dma_start3A_9 = arith.constant 0 : i32
    %dma_start3A_10 = arith.constant 0 : i32
    %dma_start3A_11 = tpu.memref_slice %arg9[%dma_start3A_7, %dma_start3A_9, %dma_start3A_10] : memref<4x128x40xf32, #tpu.memory_space<vmem>> -> memref<1x128x40xf32, #tpu.memory_space<vmem>>
    %dma_start3A_12 = tpu.memref_squeeze %dma_start3A_11 : memref<1x128x40xf32, #tpu.memory_space<vmem>> -> memref<128x40xf32, #tpu.memory_space<vmem>>
    %dma_start3A_13 = arith.constant 0 : i32
    %dma_start3A_14 = tpu.memref_slice %arg7[%dma_start3A, %dma_start3A_13] : memref<157x128xi32, #tpu.memory_space<vmem>> -> memref<1x128xi32, #tpu.memory_space<vmem>>
    %dma_start3A_15 = tpu.memref_squeeze %dma_start3A_14 : memref<1x128xi32, #tpu.memory_space<vmem>> -> memref<128xi32, #tpu.memory_space<vmem>>
    %dma_start3A_16 = arith.constant 0 : i32
    %dma_start3A_17 = arith.constant 0 : i32
    %dma_start3A_18 = tpu.memref_slice %arg11[%dma_start3A_16, %dma_start3A_17] : memref<10080x40xf32, #tpu.memory_space<vmem_shared>> -> memref<10080x40xf32, #tpu.memory_space<vmem_shared>>
    %dma_start3A_19 = tpu.memref_slice %arg12[%dma_start3A_8] : memref<4x!tpu.dma_semaphore, #tpu.memory_space<semaphore_mem>> -> memref<1x!tpu.dma_semaphore, #tpu.memory_space<semaphore_mem>>
    %dma_start3A_20 = tpu.memref_squeeze %dma_start3A_19 : memref<1x!tpu.dma_semaphore, #tpu.memory_space<semaphore_mem>> -> memref<!tpu.dma_semaphore, #tpu.memory_space<semaphore_mem>>
    tpu.enqueue_indirect_dma source(%dma_start3A_18 : memref<10080x40xf32, #tpu.memory_space<vmem_shared>>) target(%dma_start3A_12 : memref<128x40xf32, #tpu.memory_space<vmem>>) offsets(%dma_start3A_15 : memref<128xi32, #tpu.memory_space<vmem>>) semaphore(%dma_start3A_20 : memref<!tpu.dma_semaphore, #tpu.memory_space<semaphore_mem>>)
    %scan3A = arith.constant 0 : i32
    %scan3A_21 = arith.constant 0 : i32
    %scan3A_22 = arith.constant 157 : i32
    %scan3A_23 = arith.addi %scan3A_21, %scan3A_22 : i32
    %scan3A_24 = arith.constant 1 : i32
    scf.for %scan3A_31 = %scan3A_21 to %scan3A_23 step %scan3A_24  : i32 {
      %add3A = arith.constant 1 : i32
      %add3A_32 = arith.addi %scan3A_31, %add3A : i32
      %lt3A = arith.constant 157 : i32
      %lt3A_33 = arith.cmpi slt, %add3A_32, %lt3A : i32
      %convert_element_type3A = arith.extui %lt3A_33 : i1 to i32
      %cond3A = arith.constant 0 : i32
      %cond3A_34 = arith.cmpi ne, %convert_element_type3A, %cond3A : i32
      scf.if %cond3A_34 {
        %add3A_47 = arith.constant 1 : i32
        %add3A_48 = arith.addi %scan3A_31, %add3A_47 : i32
        %rem3A_49 = arith.constant 4 : i32
        %rem3A_50 = arith.remsi %add3A_48, %rem3A_49 : i32
        %add3A_51 = arith.constant 1 : i32
        %add3A_52 = arith.addi %scan3A_31, %add3A_51 : i32
        %dma_start3A_53 = arith.constant 0 : i32
        %dma_start3A_54 = arith.constant 0 : i32
        %dma_start3A_55 = tpu.memref_slice %arg9[%rem3A_50, %dma_start3A_53, %dma_start3A_54] : memref<4x128x40xf32, #tpu.memory_space<vmem>> -> memref<1x128x40xf32, #tpu.memory_space<vmem>>
        %dma_start3A_56 = tpu.memref_squeeze %dma_start3A_55 : memref<1x128x40xf32, #tpu.memory_space<vmem>> -> memref<128x40xf32, #tpu.memory_space<vmem>>
        %dma_start3A_57 = arith.constant 0 : i32
        %dma_start3A_58 = tpu.memref_slice %arg7[%add3A_52, %dma_start3A_57] : memref<157x128xi32, #tpu.memory_space<vmem>> -> memref<1x128xi32, #tpu.memory_space<vmem>>
        %dma_start3A_59 = tpu.memref_squeeze %dma_start3A_58 : memref<1x128xi32, #tpu.memory_space<vmem>> -> memref<128xi32, #tpu.memory_space<vmem>>
        %dma_start3A_60 = arith.constant 0 : i32
        %dma_start3A_61 = arith.constant 0 : i32
        %dma_start3A_62 = tpu.memref_slice %arg11[%dma_start3A_60, %dma_start3A_61] : memref<10080x40xf32, #tpu.memory_space<vmem_shared>> -> memref<10080x40xf32, #tpu.memory_space<vmem_shared>>
        %dma_start3A_63 = tpu.memref_slice %arg12[%rem3A_50] : memref<4x!tpu.dma_semaphore, #tpu.memory_space<semaphore_mem>> -> memref<1x!tpu.dma_semaphore, #tpu.memory_space<semaphore_mem>>
        %dma_start3A_64 = tpu.memref_squeeze %dma_start3A_63 : memref<1x!tpu.dma_semaphore, #tpu.memory_space<semaphore_mem>> -> memref<!tpu.dma_semaphore, #tpu.memory_space<semaphore_mem>>
        tpu.enqueue_indirect_dma source(%dma_start3A_62 : memref<10080x40xf32, #tpu.memory_space<vmem_shared>>) target(%dma_start3A_56 : memref<128x40xf32, #tpu.memory_space<vmem>>) offsets(%dma_start3A_59 : memref<128xi32, #tpu.memory_space<vmem>>) semaphore(%dma_start3A_64 : memref<!tpu.dma_semaphore, #tpu.memory_space<semaphore_mem>>)
      } else {
      }
      %rem3A = arith.constant 4 : i32
      %rem3A_35 = arith.remsi %scan3A_31, %rem3A : i32
      %dma_wait3A = arith.constant 0 : i32
      %dma_wait3A_36 = arith.constant 0 : i32
      %dma_wait3A_37 = tpu.memref_slice %arg9[%rem3A_35, %dma_wait3A, %dma_wait3A_36] : memref<4x128x40xf32, #tpu.memory_space<vmem>> -> memref<1x128x40xf32, #tpu.memory_space<vmem>>
      %dma_wait3A_38 = tpu.memref_squeeze %dma_wait3A_37 : memref<1x128x40xf32, #tpu.memory_space<vmem>> -> memref<128x40xf32, #tpu.memory_space<vmem>>
      %dma_wait3A_39 = arith.constant 0 : i32
      %dma_wait3A_40 = tpu.memref_slice %arg7[%scan3A_31, %dma_wait3A_39] : memref<157x128xi32, #tpu.memory_space<vmem>> -> memref<1x128xi32, #tpu.memory_space<vmem>>
      %dma_wait3A_41 = tpu.memref_squeeze %dma_wait3A_40 : memref<1x128xi32, #tpu.memory_space<vmem>> -> memref<128xi32, #tpu.memory_space<vmem>>
      %dma_wait3A_42 = arith.constant 0 : i32
      %dma_wait3A_43 = arith.constant 0 : i32
      %dma_wait3A_44 = tpu.memref_slice %arg11[%dma_wait3A_42, %dma_wait3A_43] : memref<10080x40xf32, #tpu.memory_space<vmem_shared>> -> memref<10080x40xf32, #tpu.memory_space<vmem_shared>>
      %dma_wait3A_45 = tpu.memref_slice %arg12[%rem3A_35] : memref<4x!tpu.dma_semaphore, #tpu.memory_space<semaphore_mem>> -> memref<1x!tpu.dma_semaphore, #tpu.memory_space<semaphore_mem>>
      %dma_wait3A_46 = tpu.memref_squeeze %dma_wait3A_45 : memref<1x!tpu.dma_semaphore, #tpu.memory_space<semaphore_mem>> -> memref<!tpu.dma_semaphore, #tpu.memory_space<semaphore_mem>>
      tpu.wait_indirect_dma semaphore(%dma_wait3A_46 : memref<!tpu.dma_semaphore, #tpu.memory_space<semaphore_mem>>) src(%dma_wait3A_44 : memref<10080x40xf32, #tpu.memory_space<vmem_shared>>) dst(%dma_wait3A_38 : memref<128x40xf32, #tpu.memory_space<vmem>>)
      "tpu.region"() ({
        %run_scoped3A = tpu.sem_alloc : memref<!tpu.dma_semaphore, #tpu.memory_space<semaphore_mem>>
        %dma_start3A_47 = arith.constant 0 : i32
        %dma_start3A_48 = arith.constant 0 : i32
        %dma_start3A_49 = tpu.memref_slice %arg9[%rem3A_35, %dma_start3A_47, %dma_start3A_48] : memref<4x128x40xf32, #tpu.memory_space<vmem>> -> memref<1x128x40xf32, #tpu.memory_space<vmem>>
        %dma_start3A_50 = tpu.memref_squeeze %dma_start3A_49 : memref<1x128x40xf32, #tpu.memory_space<vmem>> -> memref<128x40xf32, #tpu.memory_space<vmem>>
        %dma_start3A_51 = arith.constant 0 : i32
        %dma_start3A_52 = tpu.memref_slice %arg8[%scan3A_31, %dma_start3A_51] : memref<157x128xi32, #tpu.memory_space<vmem>> -> memref<1x128xi32, #tpu.memory_space<vmem>>
        %dma_start3A_53 = tpu.memref_squeeze %dma_start3A_52 : memref<1x128xi32, #tpu.memory_space<vmem>> -> memref<128xi32, #tpu.memory_space<vmem>>
        %dma_start3A_54 = arith.constant 0 : i32
        %dma_start3A_55 = arith.constant 0 : i32
        %dma_start3A_56 = tpu.memref_slice %arg10[%dma_start3A_54, %dma_start3A_55] : memref<10080x40xf32, #tpu.memory_space<vmem_shared>> -> memref<10080x40xf32, #tpu.memory_space<vmem_shared>>
        tpu.enqueue_indirect_dma source(%dma_start3A_50 : memref<128x40xf32, #tpu.memory_space<vmem>>) target(%dma_start3A_56 : memref<10080x40xf32, #tpu.memory_space<vmem_shared>>) offsets(%dma_start3A_53 : memref<128xi32, #tpu.memory_space<vmem>>) semaphore(%run_scoped3A : memref<!tpu.dma_semaphore, #tpu.memory_space<semaphore_mem>>) {add = true}
        %dma_wait3A_57 = arith.constant 0 : i32
        %dma_wait3A_58 = arith.constant 0 : i32
        %dma_wait3A_59 = tpu.memref_slice %arg9[%rem3A_35, %dma_wait3A_57, %dma_wait3A_58] : memref<4x128x40xf32, #tpu.memory_space<vmem>> -> memref<1x128x40xf32, #tpu.memory_space<vmem>>
        %dma_wait3A_60 = tpu.memref_squeeze %dma_wait3A_59 : memref<1x128x40xf32, #tpu.memory_space<vmem>> -> memref<128x40xf32, #tpu.memory_space<vmem>>
        %dma_wait3A_61 = arith.constant 0 : i32
        %dma_wait3A_62 = tpu.memref_slice %arg8[%scan3A_31, %dma_wait3A_61] : memref<157x128xi32, #tpu.memory_space<vmem>> -> memref<1x128xi32, #tpu.memory_space<vmem>>
        %dma_wait3A_63 = tpu.memref_squeeze %dma_wait3A_62 : memref<1x128xi32, #tpu.memory_space<vmem>> -> memref<128xi32, #tpu.memory_space<vmem>>
        %dma_wait3A_64 = arith.constant 0 : i32
        %dma_wait3A_65 = arith.constant 0 : i32
        %dma_wait3A_66 = tpu.memref_slice %arg10[%dma_wait3A_64, %dma_wait3A_65] : memref<10080x40xf32, #tpu.memory_space<vmem_shared>> -> memref<10080x40xf32, #tpu.memory_space<vmem_shared>>
        tpu.wait_indirect_dma semaphore(%run_scoped3A : memref<!tpu.dma_semaphore, #tpu.memory_space<semaphore_mem>>) src(%dma_wait3A_60 : memref<128x40xf32, #tpu.memory_space<vmem>>) dst(%dma_wait3A_66 : memref<10080x40xf32, #tpu.memory_space<vmem_shared>>)
        tpu.yield
      }) : () -> ()
    }
    %scan3A_25 = arith.constant 157 : i32
    %barrier3A_26 = arith.constant 0 : index
    tpu.barrier barrier_id(%barrier3A_26)
    %mul3A_27 = arith.constant 630 : i32
    %mul3A_28 = arith.muli %arg1, %mul3A_27 : i32
    %mul3A_29 = arith.constant 630 : i32
    %mul3A_30 = arith.muli %arg1, %mul3A_29 : i32
    "tpu.region"() ({
      %run_scoped3A = tpu.sem_alloc : memref<!tpu.dma_semaphore, #tpu.memory_space<semaphore_mem>>
      %dma_start3A_31 = arith.constant 0 : i32
      %dma_start3A_32 = tpu.memref_slice %arg6[%arg0, %mul3A_30, %dma_start3A_31] : memref<2x10080x40xf32, #tpu.memory_space<hbm>> -> memref<1x630x40xf32, #tpu.memory_space<hbm>>
      %dma_start3A_33 = tpu.memref_squeeze %dma_start3A_32 : memref<1x630x40xf32, #tpu.memory_space<hbm>> -> memref<630x40xf32, #tpu.memory_space<hbm>>
      %dma_start3A_34 = arith.constant 0 : i32
      %dma_start3A_35 = tpu.memref_slice %arg10[%mul3A_28, %dma_start3A_34] : memref<10080x40xf32, #tpu.memory_space<vmem_shared>> -> memref<630x40xf32, #tpu.memory_space<vmem_shared>>
      tpu.enqueue_dma source(%dma_start3A_35 : memref<630x40xf32, #tpu.memory_space<vmem_shared>>) target(%dma_start3A_33 : memref<630x40xf32, #tpu.memory_space<hbm>>) target_semaphore(%run_scoped3A : memref<!tpu.dma_semaphore, #tpu.memory_space<semaphore_mem>>)
      %dma_wait3A = arith.constant 0 : i32
      %dma_wait3A_36 = tpu.memref_slice %arg6[%arg0, %mul3A_30, %dma_wait3A] : memref<2x10080x40xf32, #tpu.memory_space<hbm>> -> memref<1x630x40xf32, #tpu.memory_space<hbm>>
      %dma_wait3A_37 = tpu.memref_squeeze %dma_wait3A_36 : memref<1x630x40xf32, #tpu.memory_space<hbm>> -> memref<630x40xf32, #tpu.memory_space<hbm>>
      %dma_wait3A_38 = arith.constant 0 : i32
      %dma_wait3A_39 = tpu.memref_slice %arg10[%mul3A_28, %dma_wait3A_38] : memref<10080x40xf32, #tpu.memory_space<vmem_shared>> -> memref<630x40xf32, #tpu.memory_space<vmem_shared>>
      tpu.wait_dma2 semaphore(%run_scoped3A : memref<!tpu.dma_semaphore, #tpu.memory_space<semaphore_mem>>) src(%dma_wait3A_39 : memref<630x40xf32, #tpu.memory_space<vmem_shared>>) dst(%dma_wait3A_37 : memref<630x40xf32, #tpu.memory_space<hbm>>)
      tpu.yield
    }) : () -> ()
    return
  }
}

#map = affine_map<(d0, d1) -> (0, 0, 0)>
#map1 = affine_map<(d0, d1) -> (0, 0)>
module attributes {stable_mosaic.version = 14 : i64} {
  func.func @_sc_agg_body(%arg0: i32, %arg1: i32, %arg2: memref<2x10080x40xf32, #tpu.memory_space<hbm>>, %arg3: memref<16x157x128xi32, #tpu.memory_space<hbm>>, %arg4: memref<16x157x128xi32, #tpu.memory_space<hbm>>, %arg5: memref<10080x40xf32, #tpu.memory_space<hbm>>, %arg6: memref<2x10080x40xf32, #tpu.memory_space<hbm>>, %arg7: memref<157x128xi32, #tpu.memory_space<vmem>>, %arg8: memref<157x128xi32, #tpu.memory_space<vmem>>, %arg9: memref<4x128x40xf32, #tpu.memory_space<vmem>>, %arg10: memref<10080x40xf32, #tpu.memory_space<vmem_shared>>, %arg11: memref<10080x40xf32, #tpu.memory_space<vmem_shared>>, %arg12: memref<4x!tpu.dma_semaphore, #tpu.memory_space<semaphore_mem>>) attributes {dimension_semantics = [#tpu.dimension_semantics<core_parallel>, #tpu.dimension_semantics<subcore_parallel>], iteration_bounds = array<i64: 2, 16>, scalar_prefetch = 0 : i64, scratch_operands = 6 : i64, tpu.core_type = #tpu.core_type<sc_vector_subcore>, window_params = [{transform_indices = #map}, {transform_indices = #map}, {transform_indices = #map}, {transform_indices = #map1}, {transform_indices = #map}]} {
    %mul3A = arith.constant 630 : i32
    %mul3A_0 = arith.muli %arg1, %mul3A : i32
    %mul3A_1 = arith.constant 630 : i32
    %mul3A_2 = arith.muli %arg1, %mul3A_1 : i32
    "tpu.region"() ({
      %run_scoped3A = tpu.sem_alloc : memref<!tpu.dma_semaphore, #tpu.memory_space<semaphore_mem>>
      %dma_start3A_31 = arith.constant 0 : i32
      %dma_start3A_32 = tpu.memref_slice %arg10[%mul3A_2, %dma_start3A_31] : memref<10080x40xf32, #tpu.memory_space<vmem_shared>> -> memref<630x40xf32, #tpu.memory_space<vmem_shared>>
      %dma_start3A_33 = arith.constant 0 : i32
      %dma_start3A_34 = tpu.memref_slice %arg5[%mul3A_0, %dma_start3A_33] : memref<10080x40xf32, #tpu.memory_space<hbm>> -> memref<630x40xf32, #tpu.memory_space<hbm>>
      tpu.enqueue_dma source(%dma_start3A_34 : memref<630x40xf32, #tpu.memory_space<hbm>>) target(%dma_start3A_32 : memref<630x40xf32, #tpu.memory_space<vmem_shared>>) target_semaphore(%run_scoped3A : memref<!tpu.dma_semaphore, #tpu.memory_space<semaphore_mem>>)
      %dma_wait3A = arith.constant 0 : i32
      %dma_wait3A_35 = tpu.memref_slice %arg10[%mul3A_2, %dma_wait3A] : memref<10080x40xf32, #tpu.memory_space<vmem_shared>> -> memref<630x40xf32, #tpu.memory_space<vmem_shared>>
      %dma_wait3A_36 = arith.constant 0 : i32
      %dma_wait3A_37 = tpu.memref_slice %arg5[%mul3A_0, %dma_wait3A_36] : memref<10080x40xf32, #tpu.memory_space<hbm>> -> memref<630x40xf32, #tpu.memory_space<hbm>>
      tpu.wait_dma2 semaphore(%run_scoped3A : memref<!tpu.dma_semaphore, #tpu.memory_space<semaphore_mem>>) src(%dma_wait3A_37 : memref<630x40xf32, #tpu.memory_space<hbm>>) dst(%dma_wait3A_35 : memref<630x40xf32, #tpu.memory_space<vmem_shared>>)
      tpu.yield
    }) : () -> ()
    %mul3A_3 = arith.constant 630 : i32
    %mul3A_4 = arith.muli %arg1, %mul3A_3 : i32
    %mul3A_5 = arith.constant 630 : i32
    %mul3A_6 = arith.muli %arg1, %mul3A_5 : i32
    "tpu.region"() ({
      %run_scoped3A = tpu.sem_alloc : memref<!tpu.dma_semaphore, #tpu.memory_space<semaphore_mem>>
      %dma_start3A_31 = arith.constant 0 : i32
      %dma_start3A_32 = tpu.memref_slice %arg11[%mul3A_6, %dma_start3A_31] : memref<10080x40xf32, #tpu.memory_space<vmem_shared>> -> memref<630x40xf32, #tpu.memory_space<vmem_shared>>
      %dma_start3A_33 = arith.constant 0 : i32
      %dma_start3A_34 = tpu.memref_slice %arg2[%arg0, %mul3A_4, %dma_start3A_33] : memref<2x10080x40xf32, #tpu.memory_space<hbm>> -> memref<1x630x40xf32, #tpu.memory_space<hbm>>
      %dma_start3A_35 = tpu.memref_squeeze %dma_start3A_34 : memref<1x630x40xf32, #tpu.memory_space<hbm>> -> memref<630x40xf32, #tpu.memory_space<hbm>>
      tpu.enqueue_dma source(%dma_start3A_35 : memref<630x40xf32, #tpu.memory_space<hbm>>) target(%dma_start3A_32 : memref<630x40xf32, #tpu.memory_space<vmem_shared>>) target_semaphore(%run_scoped3A : memref<!tpu.dma_semaphore, #tpu.memory_space<semaphore_mem>>)
      %dma_wait3A = arith.constant 0 : i32
      %dma_wait3A_36 = tpu.memref_slice %arg11[%mul3A_6, %dma_wait3A] : memref<10080x40xf32, #tpu.memory_space<vmem_shared>> -> memref<630x40xf32, #tpu.memory_space<vmem_shared>>
      %dma_wait3A_37 = arith.constant 0 : i32
      %dma_wait3A_38 = tpu.memref_slice %arg2[%arg0, %mul3A_4, %dma_wait3A_37] : memref<2x10080x40xf32, #tpu.memory_space<hbm>> -> memref<1x630x40xf32, #tpu.memory_space<hbm>>
      %dma_wait3A_39 = tpu.memref_squeeze %dma_wait3A_38 : memref<1x630x40xf32, #tpu.memory_space<hbm>> -> memref<630x40xf32, #tpu.memory_space<hbm>>
      tpu.wait_dma2 semaphore(%run_scoped3A : memref<!tpu.dma_semaphore, #tpu.memory_space<semaphore_mem>>) src(%dma_wait3A_39 : memref<630x40xf32, #tpu.memory_space<hbm>>) dst(%dma_wait3A_36 : memref<630x40xf32, #tpu.memory_space<vmem_shared>>)
      tpu.yield
    }) : () -> ()
    "tpu.region"() ({
      %run_scoped3A = tpu.sem_alloc : memref<!tpu.dma_semaphore, #tpu.memory_space<semaphore_mem>>
      %dma_start3A_31 = arith.constant 0 : i32
      %dma_start3A_32 = arith.constant 0 : i32
      %dma_start3A_33 = tpu.memref_slice %arg3[%arg1, %dma_start3A_31, %dma_start3A_32] : memref<16x157x128xi32, #tpu.memory_space<hbm>> -> memref<1x157x128xi32, #tpu.memory_space<hbm>>
      %dma_start3A_34 = tpu.memref_squeeze %dma_start3A_33 : memref<1x157x128xi32, #tpu.memory_space<hbm>> -> memref<157x128xi32, #tpu.memory_space<hbm>>
      %dma_start3A_35 = arith.constant 0 : i32
      %dma_start3A_36 = arith.constant 0 : i32
      %dma_start3A_37 = tpu.memref_slice %arg3[%arg1, %dma_start3A_35, %dma_start3A_36] : memref<16x157x128xi32, #tpu.memory_space<hbm>> -> memref<1x157x128xi32, #tpu.memory_space<hbm>>
      %dma_start3A_38 = tpu.memref_squeeze %dma_start3A_37 : memref<1x157x128xi32, #tpu.memory_space<hbm>> -> memref<157x128xi32, #tpu.memory_space<hbm>>
      tpu.enqueue_dma source(%dma_start3A_38 : memref<157x128xi32, #tpu.memory_space<hbm>>) target(%arg7 : memref<157x128xi32, #tpu.memory_space<vmem>>) target_semaphore(%run_scoped3A : memref<!tpu.dma_semaphore, #tpu.memory_space<semaphore_mem>>)
      %dma_wait3A = arith.constant 0 : i32
      %dma_wait3A_39 = arith.constant 0 : i32
      %dma_wait3A_40 = tpu.memref_slice %arg3[%arg1, %dma_wait3A, %dma_wait3A_39] : memref<16x157x128xi32, #tpu.memory_space<hbm>> -> memref<1x157x128xi32, #tpu.memory_space<hbm>>
      %dma_wait3A_41 = tpu.memref_squeeze %dma_wait3A_40 : memref<1x157x128xi32, #tpu.memory_space<hbm>> -> memref<157x128xi32, #tpu.memory_space<hbm>>
      %dma_wait3A_42 = arith.constant 0 : i32
      %dma_wait3A_43 = arith.constant 0 : i32
      %dma_wait3A_44 = tpu.memref_slice %arg3[%arg1, %dma_wait3A_42, %dma_wait3A_43] : memref<16x157x128xi32, #tpu.memory_space<hbm>> -> memref<1x157x128xi32, #tpu.memory_space<hbm>>
      %dma_wait3A_45 = tpu.memref_squeeze %dma_wait3A_44 : memref<1x157x128xi32, #tpu.memory_space<hbm>> -> memref<157x128xi32, #tpu.memory_space<hbm>>
      tpu.wait_dma2 semaphore(%run_scoped3A : memref<!tpu.dma_semaphore, #tpu.memory_space<semaphore_mem>>) src(%dma_wait3A_45 : memref<157x128xi32, #tpu.memory_space<hbm>>) dst(%arg7 : memref<157x128xi32, #tpu.memory_space<vmem>>)
      tpu.yield
    }) : () -> ()
    "tpu.region"() ({
      %run_scoped3A = tpu.sem_alloc : memref<!tpu.dma_semaphore, #tpu.memory_space<semaphore_mem>>
      %dma_start3A_31 = arith.constant 0 : i32
      %dma_start3A_32 = arith.constant 0 : i32
      %dma_start3A_33 = tpu.memref_slice %arg4[%arg1, %dma_start3A_31, %dma_start3A_32] : memref<16x157x128xi32, #tpu.memory_space<hbm>> -> memref<1x157x128xi32, #tpu.memory_space<hbm>>
      %dma_start3A_34 = tpu.memref_squeeze %dma_start3A_33 : memref<1x157x128xi32, #tpu.memory_space<hbm>> -> memref<157x128xi32, #tpu.memory_space<hbm>>
      %dma_start3A_35 = arith.constant 0 : i32
      %dma_start3A_36 = arith.constant 0 : i32
      %dma_start3A_37 = tpu.memref_slice %arg4[%arg1, %dma_start3A_35, %dma_start3A_36] : memref<16x157x128xi32, #tpu.memory_space<hbm>> -> memref<1x157x128xi32, #tpu.memory_space<hbm>>
      %dma_start3A_38 = tpu.memref_squeeze %dma_start3A_37 : memref<1x157x128xi32, #tpu.memory_space<hbm>> -> memref<157x128xi32, #tpu.memory_space<hbm>>
      tpu.enqueue_dma source(%dma_start3A_38 : memref<157x128xi32, #tpu.memory_space<hbm>>) target(%arg8 : memref<157x128xi32, #tpu.memory_space<vmem>>) target_semaphore(%run_scoped3A : memref<!tpu.dma_semaphore, #tpu.memory_space<semaphore_mem>>)
      %dma_wait3A = arith.constant 0 : i32
      %dma_wait3A_39 = arith.constant 0 : i32
      %dma_wait3A_40 = tpu.memref_slice %arg4[%arg1, %dma_wait3A, %dma_wait3A_39] : memref<16x157x128xi32, #tpu.memory_space<hbm>> -> memref<1x157x128xi32, #tpu.memory_space<hbm>>
      %dma_wait3A_41 = tpu.memref_squeeze %dma_wait3A_40 : memref<1x157x128xi32, #tpu.memory_space<hbm>> -> memref<157x128xi32, #tpu.memory_space<hbm>>
      %dma_wait3A_42 = arith.constant 0 : i32
      %dma_wait3A_43 = arith.constant 0 : i32
      %dma_wait3A_44 = tpu.memref_slice %arg4[%arg1, %dma_wait3A_42, %dma_wait3A_43] : memref<16x157x128xi32, #tpu.memory_space<hbm>> -> memref<1x157x128xi32, #tpu.memory_space<hbm>>
      %dma_wait3A_45 = tpu.memref_squeeze %dma_wait3A_44 : memref<1x157x128xi32, #tpu.memory_space<hbm>> -> memref<157x128xi32, #tpu.memory_space<hbm>>
      tpu.wait_dma2 semaphore(%run_scoped3A : memref<!tpu.dma_semaphore, #tpu.memory_space<semaphore_mem>>) src(%dma_wait3A_45 : memref<157x128xi32, #tpu.memory_space<hbm>>) dst(%arg8 : memref<157x128xi32, #tpu.memory_space<vmem>>)
      tpu.yield
    }) : () -> ()
    %barrier3A = arith.constant 0 : index
    tpu.barrier barrier_id(%barrier3A)
    %dma_start3A = arith.constant 0 : i32
    %dma_start3A_7 = arith.constant 0 : i32
    %dma_start3A_8 = arith.constant 0 : i32
    %dma_start3A_9 = arith.constant 0 : i32
    %dma_start3A_10 = arith.constant 0 : i32
    %dma_start3A_11 = tpu.memref_slice %arg9[%dma_start3A_7, %dma_start3A_9, %dma_start3A_10] : memref<4x128x40xf32, #tpu.memory_space<vmem>> -> memref<1x128x40xf32, #tpu.memory_space<vmem>>
    %dma_start3A_12 = tpu.memref_squeeze %dma_start3A_11 : memref<1x128x40xf32, #tpu.memory_space<vmem>> -> memref<128x40xf32, #tpu.memory_space<vmem>>
    %dma_start3A_13 = arith.constant 0 : i32
    %dma_start3A_14 = tpu.memref_slice %arg7[%dma_start3A, %dma_start3A_13] : memref<157x128xi32, #tpu.memory_space<vmem>> -> memref<1x128xi32, #tpu.memory_space<vmem>>
    %dma_start3A_15 = tpu.memref_squeeze %dma_start3A_14 : memref<1x128xi32, #tpu.memory_space<vmem>> -> memref<128xi32, #tpu.memory_space<vmem>>
    %dma_start3A_16 = arith.constant 0 : i32
    %dma_start3A_17 = arith.constant 0 : i32
    %dma_start3A_18 = tpu.memref_slice %arg11[%dma_start3A_16, %dma_start3A_17] : memref<10080x40xf32, #tpu.memory_space<vmem_shared>> -> memref<10080x40xf32, #tpu.memory_space<vmem_shared>>
    %dma_start3A_19 = tpu.memref_slice %arg12[%dma_start3A_8] : memref<4x!tpu.dma_semaphore, #tpu.memory_space<semaphore_mem>> -> memref<1x!tpu.dma_semaphore, #tpu.memory_space<semaphore_mem>>
    %dma_start3A_20 = tpu.memref_squeeze %dma_start3A_19 : memref<1x!tpu.dma_semaphore, #tpu.memory_space<semaphore_mem>> -> memref<!tpu.dma_semaphore, #tpu.memory_space<semaphore_mem>>
    tpu.enqueue_indirect_dma source(%dma_start3A_18 : memref<10080x40xf32, #tpu.memory_space<vmem_shared>>) target(%dma_start3A_12 : memref<128x40xf32, #tpu.memory_space<vmem>>) offsets(%dma_start3A_15 : memref<128xi32, #tpu.memory_space<vmem>>) semaphore(%dma_start3A_20 : memref<!tpu.dma_semaphore, #tpu.memory_space<semaphore_mem>>)
    %scan3A = arith.constant 0 : i32
    %scan3A_21 = arith.constant 0 : i32
    %scan3A_22 = arith.constant 157 : i32
    %scan3A_23 = arith.addi %scan3A_21, %scan3A_22 : i32
    %scan3A_24 = arith.constant 1 : i32
    scf.for %scan3A_31 = %scan3A_21 to %scan3A_23 step %scan3A_24  : i32 {
      %add3A = arith.constant 1 : i32
      %add3A_32 = arith.addi %scan3A_31, %add3A : i32
      %lt3A = arith.constant 157 : i32
      %lt3A_33 = arith.cmpi slt, %add3A_32, %lt3A : i32
      %convert_element_type3A = arith.extui %lt3A_33 : i1 to i32
      %cond3A = arith.constant 0 : i32
      %cond3A_34 = arith.cmpi ne, %convert_element_type3A, %cond3A : i32
      scf.if %cond3A_34 {
        %add3A_47 = arith.constant 1 : i32
        %add3A_48 = arith.addi %scan3A_31, %add3A_47 : i32
        %rem3A_49 = arith.constant 4 : i32
        %rem3A_50 = arith.remsi %add3A_48, %rem3A_49 : i32
        %add3A_51 = arith.constant 1 : i32
        %add3A_52 = arith.addi %scan3A_31, %add3A_51 : i32
        %dma_start3A_53 = arith.constant 0 : i32
        %dma_start3A_54 = arith.constant 0 : i32
        %dma_start3A_55 = tpu.memref_slice %arg9[%rem3A_50, %dma_start3A_53, %dma_start3A_54] : memref<4x128x40xf32, #tpu.memory_space<vmem>> -> memref<1x128x40xf32, #tpu.memory_space<vmem>>
        %dma_start3A_56 = tpu.memref_squeeze %dma_start3A_55 : memref<1x128x40xf32, #tpu.memory_space<vmem>> -> memref<128x40xf32, #tpu.memory_space<vmem>>
        %dma_start3A_57 = arith.constant 0 : i32
        %dma_start3A_58 = tpu.memref_slice %arg7[%add3A_52, %dma_start3A_57] : memref<157x128xi32, #tpu.memory_space<vmem>> -> memref<1x128xi32, #tpu.memory_space<vmem>>
        %dma_start3A_59 = tpu.memref_squeeze %dma_start3A_58 : memref<1x128xi32, #tpu.memory_space<vmem>> -> memref<128xi32, #tpu.memory_space<vmem>>
        %dma_start3A_60 = arith.constant 0 : i32
        %dma_start3A_61 = arith.constant 0 : i32
        %dma_start3A_62 = tpu.memref_slice %arg11[%dma_start3A_60, %dma_start3A_61] : memref<10080x40xf32, #tpu.memory_space<vmem_shared>> -> memref<10080x40xf32, #tpu.memory_space<vmem_shared>>
        %dma_start3A_63 = tpu.memref_slice %arg12[%rem3A_50] : memref<4x!tpu.dma_semaphore, #tpu.memory_space<semaphore_mem>> -> memref<1x!tpu.dma_semaphore, #tpu.memory_space<semaphore_mem>>
        %dma_start3A_64 = tpu.memref_squeeze %dma_start3A_63 : memref<1x!tpu.dma_semaphore, #tpu.memory_space<semaphore_mem>> -> memref<!tpu.dma_semaphore, #tpu.memory_space<semaphore_mem>>
        tpu.enqueue_indirect_dma source(%dma_start3A_62 : memref<10080x40xf32, #tpu.memory_space<vmem_shared>>) target(%dma_start3A_56 : memref<128x40xf32, #tpu.memory_space<vmem>>) offsets(%dma_start3A_59 : memref<128xi32, #tpu.memory_space<vmem>>) semaphore(%dma_start3A_64 : memref<!tpu.dma_semaphore, #tpu.memory_space<semaphore_mem>>)
      } else {
      }
      %rem3A = arith.constant 4 : i32
      %rem3A_35 = arith.remsi %scan3A_31, %rem3A : i32
      %dma_wait3A = arith.constant 0 : i32
      %dma_wait3A_36 = arith.constant 0 : i32
      %dma_wait3A_37 = tpu.memref_slice %arg9[%rem3A_35, %dma_wait3A, %dma_wait3A_36] : memref<4x128x40xf32, #tpu.memory_space<vmem>> -> memref<1x128x40xf32, #tpu.memory_space<vmem>>
      %dma_wait3A_38 = tpu.memref_squeeze %dma_wait3A_37 : memref<1x128x40xf32, #tpu.memory_space<vmem>> -> memref<128x40xf32, #tpu.memory_space<vmem>>
      %dma_wait3A_39 = arith.constant 0 : i32
      %dma_wait3A_40 = tpu.memref_slice %arg7[%scan3A_31, %dma_wait3A_39] : memref<157x128xi32, #tpu.memory_space<vmem>> -> memref<1x128xi32, #tpu.memory_space<vmem>>
      %dma_wait3A_41 = tpu.memref_squeeze %dma_wait3A_40 : memref<1x128xi32, #tpu.memory_space<vmem>> -> memref<128xi32, #tpu.memory_space<vmem>>
      %dma_wait3A_42 = arith.constant 0 : i32
      %dma_wait3A_43 = arith.constant 0 : i32
      %dma_wait3A_44 = tpu.memref_slice %arg11[%dma_wait3A_42, %dma_wait3A_43] : memref<10080x40xf32, #tpu.memory_space<vmem_shared>> -> memref<10080x40xf32, #tpu.memory_space<vmem_shared>>
      %dma_wait3A_45 = tpu.memref_slice %arg12[%rem3A_35] : memref<4x!tpu.dma_semaphore, #tpu.memory_space<semaphore_mem>> -> memref<1x!tpu.dma_semaphore, #tpu.memory_space<semaphore_mem>>
      %dma_wait3A_46 = tpu.memref_squeeze %dma_wait3A_45 : memref<1x!tpu.dma_semaphore, #tpu.memory_space<semaphore_mem>> -> memref<!tpu.dma_semaphore, #tpu.memory_space<semaphore_mem>>
      tpu.wait_indirect_dma semaphore(%dma_wait3A_46 : memref<!tpu.dma_semaphore, #tpu.memory_space<semaphore_mem>>) src(%dma_wait3A_44 : memref<10080x40xf32, #tpu.memory_space<vmem_shared>>) dst(%dma_wait3A_38 : memref<128x40xf32, #tpu.memory_space<vmem>>)
      "tpu.region"() ({
        %run_scoped3A = tpu.sem_alloc : memref<!tpu.dma_semaphore, #tpu.memory_space<semaphore_mem>>
        %dma_start3A_47 = arith.constant 0 : i32
        %dma_start3A_48 = arith.constant 0 : i32
        %dma_start3A_49 = tpu.memref_slice %arg9[%rem3A_35, %dma_start3A_47, %dma_start3A_48] : memref<4x128x40xf32, #tpu.memory_space<vmem>> -> memref<1x128x40xf32, #tpu.memory_space<vmem>>
        %dma_start3A_50 = tpu.memref_squeeze %dma_start3A_49 : memref<1x128x40xf32, #tpu.memory_space<vmem>> -> memref<128x40xf32, #tpu.memory_space<vmem>>
        %dma_start3A_51 = arith.constant 0 : i32
        %dma_start3A_52 = tpu.memref_slice %arg8[%scan3A_31, %dma_start3A_51] : memref<157x128xi32, #tpu.memory_space<vmem>> -> memref<1x128xi32, #tpu.memory_space<vmem>>
        %dma_start3A_53 = tpu.memref_squeeze %dma_start3A_52 : memref<1x128xi32, #tpu.memory_space<vmem>> -> memref<128xi32, #tpu.memory_space<vmem>>
        %dma_start3A_54 = arith.constant 0 : i32
        %dma_start3A_55 = arith.constant 0 : i32
        %dma_start3A_56 = tpu.memref_slice %arg10[%dma_start3A_54, %dma_start3A_55] : memref<10080x40xf32, #tpu.memory_space<vmem_shared>> -> memref<10080x40xf32, #tpu.memory_space<vmem_shared>>
        tpu.enqueue_indirect_dma source(%dma_start3A_50 : memref<128x40xf32, #tpu.memory_space<vmem>>) target(%dma_start3A_56 : memref<10080x40xf32, #tpu.memory_space<vmem_shared>>) offsets(%dma_start3A_53 : memref<128xi32, #tpu.memory_space<vmem>>) semaphore(%run_scoped3A : memref<!tpu.dma_semaphore, #tpu.memory_space<semaphore_mem>>) {add = true}
        %dma_wait3A_57 = arith.constant 0 : i32
        %dma_wait3A_58 = arith.constant 0 : i32
        %dma_wait3A_59 = tpu.memref_slice %arg9[%rem3A_35, %dma_wait3A_57, %dma_wait3A_58] : memref<4x128x40xf32, #tpu.memory_space<vmem>> -> memref<1x128x40xf32, #tpu.memory_space<vmem>>
        %dma_wait3A_60 = tpu.memref_squeeze %dma_wait3A_59 : memref<1x128x40xf32, #tpu.memory_space<vmem>> -> memref<128x40xf32, #tpu.memory_space<vmem>>
        %dma_wait3A_61 = arith.constant 0 : i32
        %dma_wait3A_62 = tpu.memref_slice %arg8[%scan3A_31, %dma_wait3A_61] : memref<157x128xi32, #tpu.memory_space<vmem>> -> memref<1x128xi32, #tpu.memory_space<vmem>>
        %dma_wait3A_63 = tpu.memref_squeeze %dma_wait3A_62 : memref<1x128xi32, #tpu.memory_space<vmem>> -> memref<128xi32, #tpu.memory_space<vmem>>
        %dma_wait3A_64 = arith.constant 0 : i32
        %dma_wait3A_65 = arith.constant 0 : i32
        %dma_wait3A_66 = tpu.memref_slice %arg10[%dma_wait3A_64, %dma_wait3A_65] : memref<10080x40xf32, #tpu.memory_space<vmem_shared>> -> memref<10080x40xf32, #tpu.memory_space<vmem_shared>>
        tpu.wait_indirect_dma semaphore(%run_scoped3A : memref<!tpu.dma_semaphore, #tpu.memory_space<semaphore_mem>>) src(%dma_wait3A_60 : memref<128x40xf32, #tpu.memory_space<vmem>>) dst(%dma_wait3A_66 : memref<10080x40xf32, #tpu.memory_space<vmem_shared>>)
        tpu.yield
      }) : () -> ()
    }
    %scan3A_25 = arith.constant 157 : i32
    %barrier3A_26 = arith.constant 0 : index
    tpu.barrier barrier_id(%barrier3A_26)
    %mul3A_27 = arith.constant 630 : i32
    %mul3A_28 = arith.muli %arg1, %mul3A_27 : i32
    %mul3A_29 = arith.constant 630 : i32
    %mul3A_30 = arith.muli %arg1, %mul3A_29 : i32
    "tpu.region"() ({
      %run_scoped3A = tpu.sem_alloc : memref<!tpu.dma_semaphore, #tpu.memory_space<semaphore_mem>>
      %dma_start3A_31 = arith.constant 0 : i32
      %dma_start3A_32 = tpu.memref_slice %arg6[%arg0, %mul3A_30, %dma_start3A_31] : memref<2x10080x40xf32, #tpu.memory_space<hbm>> -> memref<1x630x40xf32, #tpu.memory_space<hbm>>
      %dma_start3A_33 = tpu.memref_squeeze %dma_start3A_32 : memref<1x630x40xf32, #tpu.memory_space<hbm>> -> memref<630x40xf32, #tpu.memory_space<hbm>>
      %dma_start3A_34 = arith.constant 0 : i32
      %dma_start3A_35 = tpu.memref_slice %arg10[%mul3A_28, %dma_start3A_34] : memref<10080x40xf32, #tpu.memory_space<vmem_shared>> -> memref<630x40xf32, #tpu.memory_space<vmem_shared>>
      tpu.enqueue_dma source(%dma_start3A_35 : memref<630x40xf32, #tpu.memory_space<vmem_shared>>) target(%dma_start3A_33 : memref<630x40xf32, #tpu.memory_space<hbm>>) target_semaphore(%run_scoped3A : memref<!tpu.dma_semaphore, #tpu.memory_space<semaphore_mem>>)
      %dma_wait3A = arith.constant 0 : i32
      %dma_wait3A_36 = tpu.memref_slice %arg6[%arg0, %mul3A_30, %dma_wait3A] : memref<2x10080x40xf32, #tpu.memory_space<hbm>> -> memref<1x630x40xf32, #tpu.memory_space<hbm>>
      %dma_wait3A_37 = tpu.memref_squeeze %dma_wait3A_36 : memref<1x630x40xf32, #tpu.memory_space<hbm>> -> memref<630x40xf32, #tpu.memory_space<hbm>>
      %dma_wait3A_38 = arith.constant 0 : i32
      %dma_wait3A_39 = tpu.memref_slice %arg10[%mul3A_28, %dma_wait3A_38] : memref<10080x40xf32, #tpu.memory_space<vmem_shared>> -> memref<630x40xf32, #tpu.memory_space<vmem_shared>>
      tpu.wait_dma2 semaphore(%run_scoped3A : memref<!tpu.dma_semaphore, #tpu.memory_space<semaphore_mem>>) src(%dma_wait3A_39 : memref<630x40xf32, #tpu.memory_space<vmem_shared>>) dst(%dma_wait3A_37 : memref<630x40xf32, #tpu.memory_space<hbm>>)
      tpu.yield
    }) : () -> ()
    return
  }
}

#map = affine_map<(d0, d1) -> (0, 0, 0)>
#map1 = affine_map<(d0, d1) -> (0, 0)>
module attributes {stable_mosaic.version = 14 : i64} {
  func.func @_sc_agg_body(%arg0: i32, %arg1: i32, %arg2: memref<2x10080x40xf32, #tpu.memory_space<hbm>>, %arg3: memref<16x157x128xi32, #tpu.memory_space<hbm>>, %arg4: memref<16x157x128xi32, #tpu.memory_space<hbm>>, %arg5: memref<10080x40xf32, #tpu.memory_space<hbm>>, %arg6: memref<2x10080x40xf32, #tpu.memory_space<hbm>>, %arg7: memref<157x128xi32, #tpu.memory_space<vmem>>, %arg8: memref<157x128xi32, #tpu.memory_space<vmem>>, %arg9: memref<4x128x40xf32, #tpu.memory_space<vmem>>, %arg10: memref<10080x40xf32, #tpu.memory_space<vmem_shared>>, %arg11: memref<10080x40xf32, #tpu.memory_space<vmem_shared>>, %arg12: memref<4x!tpu.dma_semaphore, #tpu.memory_space<semaphore_mem>>) attributes {dimension_semantics = [#tpu.dimension_semantics<core_parallel>, #tpu.dimension_semantics<subcore_parallel>], iteration_bounds = array<i64: 2, 16>, scalar_prefetch = 0 : i64, scratch_operands = 6 : i64, tpu.core_type = #tpu.core_type<sc_vector_subcore>, window_params = [{transform_indices = #map}, {transform_indices = #map}, {transform_indices = #map}, {transform_indices = #map1}, {transform_indices = #map}]} {
    %mul3A = arith.constant 630 : i32
    %mul3A_0 = arith.muli %arg1, %mul3A : i32
    %mul3A_1 = arith.constant 630 : i32
    %mul3A_2 = arith.muli %arg1, %mul3A_1 : i32
    "tpu.region"() ({
      %run_scoped3A = tpu.sem_alloc : memref<!tpu.dma_semaphore, #tpu.memory_space<semaphore_mem>>
      %dma_start3A_31 = arith.constant 0 : i32
      %dma_start3A_32 = tpu.memref_slice %arg10[%mul3A_2, %dma_start3A_31] : memref<10080x40xf32, #tpu.memory_space<vmem_shared>> -> memref<630x40xf32, #tpu.memory_space<vmem_shared>>
      %dma_start3A_33 = arith.constant 0 : i32
      %dma_start3A_34 = tpu.memref_slice %arg5[%mul3A_0, %dma_start3A_33] : memref<10080x40xf32, #tpu.memory_space<hbm>> -> memref<630x40xf32, #tpu.memory_space<hbm>>
      tpu.enqueue_dma source(%dma_start3A_34 : memref<630x40xf32, #tpu.memory_space<hbm>>) target(%dma_start3A_32 : memref<630x40xf32, #tpu.memory_space<vmem_shared>>) target_semaphore(%run_scoped3A : memref<!tpu.dma_semaphore, #tpu.memory_space<semaphore_mem>>)
      %dma_wait3A = arith.constant 0 : i32
      %dma_wait3A_35 = tpu.memref_slice %arg10[%mul3A_2, %dma_wait3A] : memref<10080x40xf32, #tpu.memory_space<vmem_shared>> -> memref<630x40xf32, #tpu.memory_space<vmem_shared>>
      %dma_wait3A_36 = arith.constant 0 : i32
      %dma_wait3A_37 = tpu.memref_slice %arg5[%mul3A_0, %dma_wait3A_36] : memref<10080x40xf32, #tpu.memory_space<hbm>> -> memref<630x40xf32, #tpu.memory_space<hbm>>
      tpu.wait_dma2 semaphore(%run_scoped3A : memref<!tpu.dma_semaphore, #tpu.memory_space<semaphore_mem>>) src(%dma_wait3A_37 : memref<630x40xf32, #tpu.memory_space<hbm>>) dst(%dma_wait3A_35 : memref<630x40xf32, #tpu.memory_space<vmem_shared>>)
      tpu.yield
    }) : () -> ()
    %mul3A_3 = arith.constant 630 : i32
    %mul3A_4 = arith.muli %arg1, %mul3A_3 : i32
    %mul3A_5 = arith.constant 630 : i32
    %mul3A_6 = arith.muli %arg1, %mul3A_5 : i32
    "tpu.region"() ({
      %run_scoped3A = tpu.sem_alloc : memref<!tpu.dma_semaphore, #tpu.memory_space<semaphore_mem>>
      %dma_start3A_31 = arith.constant 0 : i32
      %dma_start3A_32 = tpu.memref_slice %arg11[%mul3A_6, %dma_start3A_31] : memref<10080x40xf32, #tpu.memory_space<vmem_shared>> -> memref<630x40xf32, #tpu.memory_space<vmem_shared>>
      %dma_start3A_33 = arith.constant 0 : i32
      %dma_start3A_34 = tpu.memref_slice %arg2[%arg0, %mul3A_4, %dma_start3A_33] : memref<2x10080x40xf32, #tpu.memory_space<hbm>> -> memref<1x630x40xf32, #tpu.memory_space<hbm>>
      %dma_start3A_35 = tpu.memref_squeeze %dma_start3A_34 : memref<1x630x40xf32, #tpu.memory_space<hbm>> -> memref<630x40xf32, #tpu.memory_space<hbm>>
      tpu.enqueue_dma source(%dma_start3A_35 : memref<630x40xf32, #tpu.memory_space<hbm>>) target(%dma_start3A_32 : memref<630x40xf32, #tpu.memory_space<vmem_shared>>) target_semaphore(%run_scoped3A : memref<!tpu.dma_semaphore, #tpu.memory_space<semaphore_mem>>)
      %dma_wait3A = arith.constant 0 : i32
      %dma_wait3A_36 = tpu.memref_slice %arg11[%mul3A_6, %dma_wait3A] : memref<10080x40xf32, #tpu.memory_space<vmem_shared>> -> memref<630x40xf32, #tpu.memory_space<vmem_shared>>
      %dma_wait3A_37 = arith.constant 0 : i32
      %dma_wait3A_38 = tpu.memref_slice %arg2[%arg0, %mul3A_4, %dma_wait3A_37] : memref<2x10080x40xf32, #tpu.memory_space<hbm>> -> memref<1x630x40xf32, #tpu.memory_space<hbm>>
      %dma_wait3A_39 = tpu.memref_squeeze %dma_wait3A_38 : memref<1x630x40xf32, #tpu.memory_space<hbm>> -> memref<630x40xf32, #tpu.memory_space<hbm>>
      tpu.wait_dma2 semaphore(%run_scoped3A : memref<!tpu.dma_semaphore, #tpu.memory_space<semaphore_mem>>) src(%dma_wait3A_39 : memref<630x40xf32, #tpu.memory_space<hbm>>) dst(%dma_wait3A_36 : memref<630x40xf32, #tpu.memory_space<vmem_shared>>)
      tpu.yield
    }) : () -> ()
    "tpu.region"() ({
      %run_scoped3A = tpu.sem_alloc : memref<!tpu.dma_semaphore, #tpu.memory_space<semaphore_mem>>
      %dma_start3A_31 = arith.constant 0 : i32
      %dma_start3A_32 = arith.constant 0 : i32
      %dma_start3A_33 = tpu.memref_slice %arg3[%arg1, %dma_start3A_31, %dma_start3A_32] : memref<16x157x128xi32, #tpu.memory_space<hbm>> -> memref<1x157x128xi32, #tpu.memory_space<hbm>>
      %dma_start3A_34 = tpu.memref_squeeze %dma_start3A_33 : memref<1x157x128xi32, #tpu.memory_space<hbm>> -> memref<157x128xi32, #tpu.memory_space<hbm>>
      %dma_start3A_35 = arith.constant 0 : i32
      %dma_start3A_36 = arith.constant 0 : i32
      %dma_start3A_37 = tpu.memref_slice %arg3[%arg1, %dma_start3A_35, %dma_start3A_36] : memref<16x157x128xi32, #tpu.memory_space<hbm>> -> memref<1x157x128xi32, #tpu.memory_space<hbm>>
      %dma_start3A_38 = tpu.memref_squeeze %dma_start3A_37 : memref<1x157x128xi32, #tpu.memory_space<hbm>> -> memref<157x128xi32, #tpu.memory_space<hbm>>
      tpu.enqueue_dma source(%dma_start3A_38 : memref<157x128xi32, #tpu.memory_space<hbm>>) target(%arg7 : memref<157x128xi32, #tpu.memory_space<vmem>>) target_semaphore(%run_scoped3A : memref<!tpu.dma_semaphore, #tpu.memory_space<semaphore_mem>>)
      %dma_wait3A = arith.constant 0 : i32
      %dma_wait3A_39 = arith.constant 0 : i32
      %dma_wait3A_40 = tpu.memref_slice %arg3[%arg1, %dma_wait3A, %dma_wait3A_39] : memref<16x157x128xi32, #tpu.memory_space<hbm>> -> memref<1x157x128xi32, #tpu.memory_space<hbm>>
      %dma_wait3A_41 = tpu.memref_squeeze %dma_wait3A_40 : memref<1x157x128xi32, #tpu.memory_space<hbm>> -> memref<157x128xi32, #tpu.memory_space<hbm>>
      %dma_wait3A_42 = arith.constant 0 : i32
      %dma_wait3A_43 = arith.constant 0 : i32
      %dma_wait3A_44 = tpu.memref_slice %arg3[%arg1, %dma_wait3A_42, %dma_wait3A_43] : memref<16x157x128xi32, #tpu.memory_space<hbm>> -> memref<1x157x128xi32, #tpu.memory_space<hbm>>
      %dma_wait3A_45 = tpu.memref_squeeze %dma_wait3A_44 : memref<1x157x128xi32, #tpu.memory_space<hbm>> -> memref<157x128xi32, #tpu.memory_space<hbm>>
      tpu.wait_dma2 semaphore(%run_scoped3A : memref<!tpu.dma_semaphore, #tpu.memory_space<semaphore_mem>>) src(%dma_wait3A_45 : memref<157x128xi32, #tpu.memory_space<hbm>>) dst(%arg7 : memref<157x128xi32, #tpu.memory_space<vmem>>)
      tpu.yield
    }) : () -> ()
    "tpu.region"() ({
      %run_scoped3A = tpu.sem_alloc : memref<!tpu.dma_semaphore, #tpu.memory_space<semaphore_mem>>
      %dma_start3A_31 = arith.constant 0 : i32
      %dma_start3A_32 = arith.constant 0 : i32
      %dma_start3A_33 = tpu.memref_slice %arg4[%arg1, %dma_start3A_31, %dma_start3A_32] : memref<16x157x128xi32, #tpu.memory_space<hbm>> -> memref<1x157x128xi32, #tpu.memory_space<hbm>>
      %dma_start3A_34 = tpu.memref_squeeze %dma_start3A_33 : memref<1x157x128xi32, #tpu.memory_space<hbm>> -> memref<157x128xi32, #tpu.memory_space<hbm>>
      %dma_start3A_35 = arith.constant 0 : i32
      %dma_start3A_36 = arith.constant 0 : i32
      %dma_start3A_37 = tpu.memref_slice %arg4[%arg1, %dma_start3A_35, %dma_start3A_36] : memref<16x157x128xi32, #tpu.memory_space<hbm>> -> memref<1x157x128xi32, #tpu.memory_space<hbm>>
      %dma_start3A_38 = tpu.memref_squeeze %dma_start3A_37 : memref<1x157x128xi32, #tpu.memory_space<hbm>> -> memref<157x128xi32, #tpu.memory_space<hbm>>
      tpu.enqueue_dma source(%dma_start3A_38 : memref<157x128xi32, #tpu.memory_space<hbm>>) target(%arg8 : memref<157x128xi32, #tpu.memory_space<vmem>>) target_semaphore(%run_scoped3A : memref<!tpu.dma_semaphore, #tpu.memory_space<semaphore_mem>>)
      %dma_wait3A = arith.constant 0 : i32
      %dma_wait3A_39 = arith.constant 0 : i32
      %dma_wait3A_40 = tpu.memref_slice %arg4[%arg1, %dma_wait3A, %dma_wait3A_39] : memref<16x157x128xi32, #tpu.memory_space<hbm>> -> memref<1x157x128xi32, #tpu.memory_space<hbm>>
      %dma_wait3A_41 = tpu.memref_squeeze %dma_wait3A_40 : memref<1x157x128xi32, #tpu.memory_space<hbm>> -> memref<157x128xi32, #tpu.memory_space<hbm>>
      %dma_wait3A_42 = arith.constant 0 : i32
      %dma_wait3A_43 = arith.constant 0 : i32
      %dma_wait3A_44 = tpu.memref_slice %arg4[%arg1, %dma_wait3A_42, %dma_wait3A_43] : memref<16x157x128xi32, #tpu.memory_space<hbm>> -> memref<1x157x128xi32, #tpu.memory_space<hbm>>
      %dma_wait3A_45 = tpu.memref_squeeze %dma_wait3A_44 : memref<1x157x128xi32, #tpu.memory_space<hbm>> -> memref<157x128xi32, #tpu.memory_space<hbm>>
      tpu.wait_dma2 semaphore(%run_scoped3A : memref<!tpu.dma_semaphore, #tpu.memory_space<semaphore_mem>>) src(%dma_wait3A_45 : memref<157x128xi32, #tpu.memory_space<hbm>>) dst(%arg8 : memref<157x128xi32, #tpu.memory_space<vmem>>)
      tpu.yield
    }) : () -> ()
    %barrier3A = arith.constant 0 : index
    tpu.barrier barrier_id(%barrier3A)
    %dma_start3A = arith.constant 0 : i32
    %dma_start3A_7 = arith.constant 0 : i32
    %dma_start3A_8 = arith.constant 0 : i32
    %dma_start3A_9 = arith.constant 0 : i32
    %dma_start3A_10 = arith.constant 0 : i32
    %dma_start3A_11 = tpu.memref_slice %arg9[%dma_start3A_7, %dma_start3A_9, %dma_start3A_10] : memref<4x128x40xf32, #tpu.memory_space<vmem>> -> memref<1x128x40xf32, #tpu.memory_space<vmem>>
    %dma_start3A_12 = tpu.memref_squeeze %dma_start3A_11 : memref<1x128x40xf32, #tpu.memory_space<vmem>> -> memref<128x40xf32, #tpu.memory_space<vmem>>
    %dma_start3A_13 = arith.constant 0 : i32
    %dma_start3A_14 = tpu.memref_slice %arg7[%dma_start3A, %dma_start3A_13] : memref<157x128xi32, #tpu.memory_space<vmem>> -> memref<1x128xi32, #tpu.memory_space<vmem>>
    %dma_start3A_15 = tpu.memref_squeeze %dma_start3A_14 : memref<1x128xi32, #tpu.memory_space<vmem>> -> memref<128xi32, #tpu.memory_space<vmem>>
    %dma_start3A_16 = arith.constant 0 : i32
    %dma_start3A_17 = arith.constant 0 : i32
    %dma_start3A_18 = tpu.memref_slice %arg11[%dma_start3A_16, %dma_start3A_17] : memref<10080x40xf32, #tpu.memory_space<vmem_shared>> -> memref<10080x40xf32, #tpu.memory_space<vmem_shared>>
    %dma_start3A_19 = tpu.memref_slice %arg12[%dma_start3A_8] : memref<4x!tpu.dma_semaphore, #tpu.memory_space<semaphore_mem>> -> memref<1x!tpu.dma_semaphore, #tpu.memory_space<semaphore_mem>>
    %dma_start3A_20 = tpu.memref_squeeze %dma_start3A_19 : memref<1x!tpu.dma_semaphore, #tpu.memory_space<semaphore_mem>> -> memref<!tpu.dma_semaphore, #tpu.memory_space<semaphore_mem>>
    tpu.enqueue_indirect_dma source(%dma_start3A_18 : memref<10080x40xf32, #tpu.memory_space<vmem_shared>>) target(%dma_start3A_12 : memref<128x40xf32, #tpu.memory_space<vmem>>) offsets(%dma_start3A_15 : memref<128xi32, #tpu.memory_space<vmem>>) semaphore(%dma_start3A_20 : memref<!tpu.dma_semaphore, #tpu.memory_space<semaphore_mem>>)
    %scan3A = arith.constant 0 : i32
    %scan3A_21 = arith.constant 0 : i32
    %scan3A_22 = arith.constant 157 : i32
    %scan3A_23 = arith.addi %scan3A_21, %scan3A_22 : i32
    %scan3A_24 = arith.constant 1 : i32
    scf.for %scan3A_31 = %scan3A_21 to %scan3A_23 step %scan3A_24  : i32 {
      %add3A = arith.constant 1 : i32
      %add3A_32 = arith.addi %scan3A_31, %add3A : i32
      %lt3A = arith.constant 157 : i32
      %lt3A_33 = arith.cmpi slt, %add3A_32, %lt3A : i32
      %convert_element_type3A = arith.extui %lt3A_33 : i1 to i32
      %cond3A = arith.constant 0 : i32
      %cond3A_34 = arith.cmpi ne, %convert_element_type3A, %cond3A : i32
      scf.if %cond3A_34 {
        %add3A_47 = arith.constant 1 : i32
        %add3A_48 = arith.addi %scan3A_31, %add3A_47 : i32
        %rem3A_49 = arith.constant 4 : i32
        %rem3A_50 = arith.remsi %add3A_48, %rem3A_49 : i32
        %add3A_51 = arith.constant 1 : i32
        %add3A_52 = arith.addi %scan3A_31, %add3A_51 : i32
        %dma_start3A_53 = arith.constant 0 : i32
        %dma_start3A_54 = arith.constant 0 : i32
        %dma_start3A_55 = tpu.memref_slice %arg9[%rem3A_50, %dma_start3A_53, %dma_start3A_54] : memref<4x128x40xf32, #tpu.memory_space<vmem>> -> memref<1x128x40xf32, #tpu.memory_space<vmem>>
        %dma_start3A_56 = tpu.memref_squeeze %dma_start3A_55 : memref<1x128x40xf32, #tpu.memory_space<vmem>> -> memref<128x40xf32, #tpu.memory_space<vmem>>
        %dma_start3A_57 = arith.constant 0 : i32
        %dma_start3A_58 = tpu.memref_slice %arg7[%add3A_52, %dma_start3A_57] : memref<157x128xi32, #tpu.memory_space<vmem>> -> memref<1x128xi32, #tpu.memory_space<vmem>>
        %dma_start3A_59 = tpu.memref_squeeze %dma_start3A_58 : memref<1x128xi32, #tpu.memory_space<vmem>> -> memref<128xi32, #tpu.memory_space<vmem>>
        %dma_start3A_60 = arith.constant 0 : i32
        %dma_start3A_61 = arith.constant 0 : i32
        %dma_start3A_62 = tpu.memref_slice %arg11[%dma_start3A_60, %dma_start3A_61] : memref<10080x40xf32, #tpu.memory_space<vmem_shared>> -> memref<10080x40xf32, #tpu.memory_space<vmem_shared>>
        %dma_start3A_63 = tpu.memref_slice %arg12[%rem3A_50] : memref<4x!tpu.dma_semaphore, #tpu.memory_space<semaphore_mem>> -> memref<1x!tpu.dma_semaphore, #tpu.memory_space<semaphore_mem>>
        %dma_start3A_64 = tpu.memref_squeeze %dma_start3A_63 : memref<1x!tpu.dma_semaphore, #tpu.memory_space<semaphore_mem>> -> memref<!tpu.dma_semaphore, #tpu.memory_space<semaphore_mem>>
        tpu.enqueue_indirect_dma source(%dma_start3A_62 : memref<10080x40xf32, #tpu.memory_space<vmem_shared>>) target(%dma_start3A_56 : memref<128x40xf32, #tpu.memory_space<vmem>>) offsets(%dma_start3A_59 : memref<128xi32, #tpu.memory_space<vmem>>) semaphore(%dma_start3A_64 : memref<!tpu.dma_semaphore, #tpu.memory_space<semaphore_mem>>)
      } else {
      }
      %rem3A = arith.constant 4 : i32
      %rem3A_35 = arith.remsi %scan3A_31, %rem3A : i32
      %dma_wait3A = arith.constant 0 : i32
      %dma_wait3A_36 = arith.constant 0 : i32
      %dma_wait3A_37 = tpu.memref_slice %arg9[%rem3A_35, %dma_wait3A, %dma_wait3A_36] : memref<4x128x40xf32, #tpu.memory_space<vmem>> -> memref<1x128x40xf32, #tpu.memory_space<vmem>>
      %dma_wait3A_38 = tpu.memref_squeeze %dma_wait3A_37 : memref<1x128x40xf32, #tpu.memory_space<vmem>> -> memref<128x40xf32, #tpu.memory_space<vmem>>
      %dma_wait3A_39 = arith.constant 0 : i32
      %dma_wait3A_40 = tpu.memref_slice %arg7[%scan3A_31, %dma_wait3A_39] : memref<157x128xi32, #tpu.memory_space<vmem>> -> memref<1x128xi32, #tpu.memory_space<vmem>>
      %dma_wait3A_41 = tpu.memref_squeeze %dma_wait3A_40 : memref<1x128xi32, #tpu.memory_space<vmem>> -> memref<128xi32, #tpu.memory_space<vmem>>
      %dma_wait3A_42 = arith.constant 0 : i32
      %dma_wait3A_43 = arith.constant 0 : i32
      %dma_wait3A_44 = tpu.memref_slice %arg11[%dma_wait3A_42, %dma_wait3A_43] : memref<10080x40xf32, #tpu.memory_space<vmem_shared>> -> memref<10080x40xf32, #tpu.memory_space<vmem_shared>>
      %dma_wait3A_45 = tpu.memref_slice %arg12[%rem3A_35] : memref<4x!tpu.dma_semaphore, #tpu.memory_space<semaphore_mem>> -> memref<1x!tpu.dma_semaphore, #tpu.memory_space<semaphore_mem>>
      %dma_wait3A_46 = tpu.memref_squeeze %dma_wait3A_45 : memref<1x!tpu.dma_semaphore, #tpu.memory_space<semaphore_mem>> -> memref<!tpu.dma_semaphore, #tpu.memory_space<semaphore_mem>>
      tpu.wait_indirect_dma semaphore(%dma_wait3A_46 : memref<!tpu.dma_semaphore, #tpu.memory_space<semaphore_mem>>) src(%dma_wait3A_44 : memref<10080x40xf32, #tpu.memory_space<vmem_shared>>) dst(%dma_wait3A_38 : memref<128x40xf32, #tpu.memory_space<vmem>>)
      "tpu.region"() ({
        %run_scoped3A = tpu.sem_alloc : memref<!tpu.dma_semaphore, #tpu.memory_space<semaphore_mem>>
        %dma_start3A_47 = arith.constant 0 : i32
        %dma_start3A_48 = arith.constant 0 : i32
        %dma_start3A_49 = tpu.memref_slice %arg9[%rem3A_35, %dma_start3A_47, %dma_start3A_48] : memref<4x128x40xf32, #tpu.memory_space<vmem>> -> memref<1x128x40xf32, #tpu.memory_space<vmem>>
        %dma_start3A_50 = tpu.memref_squeeze %dma_start3A_49 : memref<1x128x40xf32, #tpu.memory_space<vmem>> -> memref<128x40xf32, #tpu.memory_space<vmem>>
        %dma_start3A_51 = arith.constant 0 : i32
        %dma_start3A_52 = tpu.memref_slice %arg8[%scan3A_31, %dma_start3A_51] : memref<157x128xi32, #tpu.memory_space<vmem>> -> memref<1x128xi32, #tpu.memory_space<vmem>>
        %dma_start3A_53 = tpu.memref_squeeze %dma_start3A_52 : memref<1x128xi32, #tpu.memory_space<vmem>> -> memref<128xi32, #tpu.memory_space<vmem>>
        %dma_start3A_54 = arith.constant 0 : i32
        %dma_start3A_55 = arith.constant 0 : i32
        %dma_start3A_56 = tpu.memref_slice %arg10[%dma_start3A_54, %dma_start3A_55] : memref<10080x40xf32, #tpu.memory_space<vmem_shared>> -> memref<10080x40xf32, #tpu.memory_space<vmem_shared>>
        tpu.enqueue_indirect_dma source(%dma_start3A_50 : memref<128x40xf32, #tpu.memory_space<vmem>>) target(%dma_start3A_56 : memref<10080x40xf32, #tpu.memory_space<vmem_shared>>) offsets(%dma_start3A_53 : memref<128xi32, #tpu.memory_space<vmem>>) semaphore(%run_scoped3A : memref<!tpu.dma_semaphore, #tpu.memory_space<semaphore_mem>>) {add = true}
        %dma_wait3A_57 = arith.constant 0 : i32
        %dma_wait3A_58 = arith.constant 0 : i32
        %dma_wait3A_59 = tpu.memref_slice %arg9[%rem3A_35, %dma_wait3A_57, %dma_wait3A_58] : memref<4x128x40xf32, #tpu.memory_space<vmem>> -> memref<1x128x40xf32, #tpu.memory_space<vmem>>
        %dma_wait3A_60 = tpu.memref_squeeze %dma_wait3A_59 : memref<1x128x40xf32, #tpu.memory_space<vmem>> -> memref<128x40xf32, #tpu.memory_space<vmem>>
        %dma_wait3A_61 = arith.constant 0 : i32
        %dma_wait3A_62 = tpu.memref_slice %arg8[%scan3A_31, %dma_wait3A_61] : memref<157x128xi32, #tpu.memory_space<vmem>> -> memref<1x128xi32, #tpu.memory_space<vmem>>
        %dma_wait3A_63 = tpu.memref_squeeze %dma_wait3A_62 : memref<1x128xi32, #tpu.memory_space<vmem>> -> memref<128xi32, #tpu.memory_space<vmem>>
        %dma_wait3A_64 = arith.constant 0 : i32
        %dma_wait3A_65 = arith.constant 0 : i32
        %dma_wait3A_66 = tpu.memref_slice %arg10[%dma_wait3A_64, %dma_wait3A_65] : memref<10080x40xf32, #tpu.memory_space<vmem_shared>> -> memref<10080x40xf32, #tpu.memory_space<vmem_shared>>
        tpu.wait_indirect_dma semaphore(%run_scoped3A : memref<!tpu.dma_semaphore, #tpu.memory_space<semaphore_mem>>) src(%dma_wait3A_60 : memref<128x40xf32, #tpu.memory_space<vmem>>) dst(%dma_wait3A_66 : memref<10080x40xf32, #tpu.memory_space<vmem_shared>>)
        tpu.yield
      }) : () -> ()
    }
    %scan3A_25 = arith.constant 157 : i32
    %barrier3A_26 = arith.constant 0 : index
    tpu.barrier barrier_id(%barrier3A_26)
    %mul3A_27 = arith.constant 630 : i32
    %mul3A_28 = arith.muli %arg1, %mul3A_27 : i32
    %mul3A_29 = arith.constant 630 : i32
    %mul3A_30 = arith.muli %arg1, %mul3A_29 : i32
    "tpu.region"() ({
      %run_scoped3A = tpu.sem_alloc : memref<!tpu.dma_semaphore, #tpu.memory_space<semaphore_mem>>
      %dma_start3A_31 = arith.constant 0 : i32
      %dma_start3A_32 = tpu.memref_slice %arg6[%arg0, %mul3A_30, %dma_start3A_31] : memref<2x10080x40xf32, #tpu.memory_space<hbm>> -> memref<1x630x40xf32, #tpu.memory_space<hbm>>
      %dma_start3A_33 = tpu.memref_squeeze %dma_start3A_32 : memref<1x630x40xf32, #tpu.memory_space<hbm>> -> memref<630x40xf32, #tpu.memory_space<hbm>>
      %dma_start3A_34 = arith.constant 0 : i32
      %dma_start3A_35 = tpu.memref_slice %arg10[%mul3A_28, %dma_start3A_34] : memref<10080x40xf32, #tpu.memory_space<vmem_shared>> -> memref<630x40xf32, #tpu.memory_space<vmem_shared>>
      tpu.enqueue_dma source(%dma_start3A_35 : memref<630x40xf32, #tpu.memory_space<vmem_shared>>) target(%dma_start3A_33 : memref<630x40xf32, #tpu.memory_space<hbm>>) target_semaphore(%run_scoped3A : memref<!tpu.dma_semaphore, #tpu.memory_space<semaphore_mem>>)
      %dma_wait3A = arith.constant 0 : i32
      %dma_wait3A_36 = tpu.memref_slice %arg6[%arg0, %mul3A_30, %dma_wait3A] : memref<2x10080x40xf32, #tpu.memory_space<hbm>> -> memref<1x630x40xf32, #tpu.memory_space<hbm>>
      %dma_wait3A_37 = tpu.memref_squeeze %dma_wait3A_36 : memref<1x630x40xf32, #tpu.memory_space<hbm>> -> memref<630x40xf32, #tpu.memory_space<hbm>>
      %dma_wait3A_38 = arith.constant 0 : i32
      %dma_wait3A_39 = tpu.memref_slice %arg10[%mul3A_28, %dma_wait3A_38] : memref<10080x40xf32, #tpu.memory_space<vmem_shared>> -> memref<630x40xf32, #tpu.memory_space<vmem_shared>>
      tpu.wait_dma2 semaphore(%run_scoped3A : memref<!tpu.dma_semaphore, #tpu.memory_space<semaphore_mem>>) src(%dma_wait3A_39 : memref<630x40xf32, #tpu.memory_space<vmem_shared>>) dst(%dma_wait3A_37 : memref<630x40xf32, #tpu.memory_space<hbm>>)
      tpu.yield
    }) : () -> ()
    return
  }
}

module attributes {stable_mosaic.version = 14 : i64} {
  func.func @_rep_body(%arg0: i32, %arg1: memref<1008x1xi32, #tpu.memory_space<vmem>>, %arg2: memref<128x8xf32, #tpu.memory_space<vmem>>, %arg3: memref<1008x8xf32, #tpu.memory_space<vmem>>) attributes {dimension_semantics = [#tpu.dimension_semantics<arbitrary>], iteration_bounds = array<i64: 10>, scalar_prefetch = 0 : i64, scratch_operands = 0 : i64, tpu.core_type = #tpu.core_type<tc>, window_params = [{transform_indices = @transform_0, window_bounds = array<i64: 1008, 1>}, {pipeline_mode = #tpu.pipeline_mode<synchronous>, transform_indices = @transform_1, window_bounds = array<i64: 128, 8>}, {transform_indices = @transform_2, window_bounds = array<i64: 1008, 8>}]} {
    %get3A = arith.constant 0 : index
    %get3A_0 = arith.constant 0 : index
    %get3A_1 = vector.load %arg1[%get3A, %get3A_0] : memref<1008x1xi32, #tpu.memory_space<vmem>>, vector<1008x1xi32>
    %iota3A = tpu.iota {dimensions = array<i32: 1>} : vector<1008x128xi32>
    %eq3A = vector.broadcast %get3A_1 : vector<1008x1xi32> to vector<1008x128xi32>
    %eq3A_2 = arith.cmpi eq, %eq3A, %iota3A : vector<1008x128xi32>
    %jit3A = arith.constant 1.000000e+00 : f32
    %jit3A_3 = arith.constant 0.000000e+00 : f32
    %broadcast_in_dim3A = vector.broadcast %jit3A : f32 to vector<1008x128xf32>
    %broadcast_in_dim3A_4 = vector.broadcast %jit3A_3 : f32 to vector<1008x128xf32>
    %select_n3A = arith.select %eq3A_2, %broadcast_in_dim3A, %broadcast_in_dim3A_4 : vector<1008x128xi1>, vector<1008x128xf32>
    %get3A_5 = arith.constant 0 : index
    %get3A_6 = arith.constant 0 : index
    %get3A_7 = vector.load %arg2[%get3A_5, %get3A_6] : memref<128x8xf32, #tpu.memory_space<vmem>>, vector<128x8xf32>
    %dot_general3A = arith.constant dense<0.000000e+00> : vector<1008x8xf32>
    %dot_general3A_8 = tpu.matmul %select_n3A, %get3A_7, %dot_general3A {dimension_numbers = #tpu.dot_dimension_numbers<[1], [0], [0], [1], [0, 0, 1, 1], [], []>, transpose_lhs_hint = false} : vector<1008x128xf32>, vector<128x8xf32>, vector<1008x8xf32> -> vector<1008x8xf32>
    %swap3A = arith.constant 0 : index
    %swap3A_9 = arith.constant 0 : index
    %swap3A_10 = vector.load %arg3[%swap3A, %swap3A_9] : memref<1008x8xf32, #tpu.memory_space<vmem>>, vector<1008x8xf32>
    tpu.vector_store %arg3[%swap3A, %swap3A_9], %dot_general3A_8 {strides = array<i32>} : memref<1008x8xf32, #tpu.memory_space<vmem>>, vector<1008x8xf32>,
    return
  }
  func.func @transform_0(%arg0: i32) -> (i32, i32) {
    %c0_i32 = arith.constant 0 : i32
    %c0_i32_0 = arith.constant 0 : i32
    return %arg0, %c0_i32 : i32, i32
  }
  func.func @transform_1(%arg0: i32) -> (i32, i32) {
    %c0_i32 = arith.constant 0 : i32
    %c0_i32_0 = arith.constant 0 : i32
    %c0_i32_1 = arith.constant 0 : i32
    return %c0_i32, %c0_i32_0 : i32, i32
  }
  func.func @transform_2(%arg0: i32) -> (i32, i32) {
    %c0_i32 = arith.constant 0 : i32
    %c0_i32_0 = arith.constant 0 : i32
    return %arg0, %c0_i32 : i32, i32
  }
}

module attributes {stable_mosaic.version = 14 : i64} {
  func.func @_layer0_body(%arg0: i32, %arg1: memref<1008x128xf32, #tpu.memory_space<vmem>>, %arg2: memref<1008x8xf32, #tpu.memory_space<vmem>>, %arg3: memref<1008x1xi32, #tpu.memory_space<vmem>>, %arg4: memref<1x1x1008xi32, #tpu.memory_space<vmem>>, %arg5: memref<128x64xf32, #tpu.memory_space<vmem>>, %arg6: memref<8x64xf32, #tpu.memory_space<vmem>>, %arg7: memref<1x64xf32, #tpu.memory_space<vmem>>, %arg8: memref<64x64xf32, #tpu.memory_space<vmem>>, %arg9: memref<1x64xf32, #tpu.memory_space<vmem>>, %arg10: memref<80x10xf32, #tpu.memory_space<vmem>>, %arg11: memref<128x10xf32, #tpu.memory_space<vmem>>, %arg12: memref<2x1008x40xf32, #tpu.memory_space<vmem>>) attributes {dimension_semantics = [#tpu.dimension_semantics<arbitrary>], iteration_bounds = array<i64: 10>, scalar_prefetch = 0 : i64, scratch_operands = 0 : i64, tpu.core_type = #tpu.core_type<tc>, window_params = [{transform_indices = @transform_0, window_bounds = array<i64: 1008, 128>}, {transform_indices = @transform_1, window_bounds = array<i64: 1008, 8>}, {transform_indices = @transform_2, window_bounds = array<i64: 1008, 1>}, {transform_indices = @transform_3, window_bounds = array<i64: 1, 1, 1008>}, {pipeline_mode = #tpu.pipeline_mode<synchronous>, transform_indices = @transform_4, window_bounds = array<i64: 128, 64>}, {pipeline_mode = #tpu.pipeline_mode<synchronous>, transform_indices = @transform_5, window_bounds = array<i64: 8, 64>}, {pipeline_mode = #tpu.pipeline_mode<synchronous>, transform_indices = @transform_6, window_bounds = array<i64: 1, 64>}, {pipeline_mode = #tpu.pipeline_mode<synchronous>, transform_indices = @transform_7, window_bounds = array<i64: 64, 64>}, {pipeline_mode = #tpu.pipeline_mode<synchronous>, transform_indices = @transform_8, window_bounds = array<i64: 1, 64>}, {pipeline_mode = #tpu.pipeline_mode<synchronous>, transform_indices = @transform_9, window_bounds = array<i64: 80, 10>}, {pipeline_mode = #tpu.pipeline_mode<synchronous>, transform_indices = @transform_10, window_bounds = array<i64: 128, 10>}, {transform_indices = @transform_11, window_bounds = array<i64: 2, 1008, 40>}]} {
    %get3A = arith.constant 0 : index
    %get3A_0 = arith.constant 0 : index
    %get3A_1 = vector.load %arg1[%get3A, %get3A_0] : memref<1008x128xf32, #tpu.memory_space<vmem>>, vector<1008x128xf32>
    %get3A_2 = arith.constant 0 : index
    %get3A_3 = arith.constant 0 : index
    %get3A_4 = vector.load %arg3[%get3A_2, %get3A_3] : memref<1008x1xi32, #tpu.memory_space<vmem>>, vector<1008x1xi32>
    %get3A_5 = arith.constant 0 : index
    %get3A_6 = arith.constant 0 : index
    %get3A_7 = arith.constant 0 : index
    %get3A_8 = vector.load %arg4[%get3A_5, %get3A_6, %get3A_7] : memref<1x1x1008xi32, #tpu.memory_space<vmem>>, vector<1x1x1008xi32>
    %get3A_9 = vector.shape_cast %get3A_8 : vector<1x1x1008xi32> to vector<1x1008xi32>
    %get3A_10 = arith.constant 0 : index
    %get3A_11 = arith.constant 0 : index
    %get3A_12 = vector.load %arg2[%get3A_10, %get3A_11] : memref<1008x8xf32, #tpu.memory_space<vmem>>, vector<1008x8xf32>
    %get3A_13 = arith.constant 0 : index
    %get3A_14 = arith.constant 0 : index
    %get3A_15 = vector.load %arg5[%get3A_13, %get3A_14] : memref<128x64xf32, #tpu.memory_space<vmem>>, vector<128x64xf32>
    %dot_general3A = arith.constant dense<0.000000e+00> : vector<1008x64xf32>
    %dot_general3A_16 = tpu.matmul %get3A_1, %get3A_15, %dot_general3A {dimension_numbers = #tpu.dot_dimension_numbers<[1], [0], [0], [1], [0, 0, 1, 1], [], []>, transpose_lhs_hint = false} : vector<1008x128xf32>, vector<128x64xf32>, vector<1008x64xf32> -> vector<1008x64xf32>
    %get3A_17 = arith.constant 0 : index
    %get3A_18 = arith.constant 0 : index
    %get3A_19 = vector.load %arg6[%get3A_17, %get3A_18] : memref<8x64xf32, #tpu.memory_space<vmem>>, vector<8x64xf32>
    %dot_general3A_20 = arith.constant dense<0.000000e+00> : vector<1008x64xf32>
    %dot_general3A_21 = tpu.matmul %get3A_12, %get3A_19, %dot_general3A_20 {dimension_numbers = #tpu.dot_dimension_numbers<[1], [0], [0], [1], [0, 0, 1, 1], [], []>, transpose_lhs_hint = false} : vector<1008x8xf32>, vector<8x64xf32>, vector<1008x64xf32> -> vector<1008x64xf32>
    %add3A = arith.addf %dot_general3A_16, %dot_general3A_21 : vector<1008x64xf32>
    %get3A_22 = arith.constant 0 : index
    %get3A_23 = arith.constant 0 : index
    %get3A_24 = vector.load %arg7[%get3A_22, %get3A_23] : memref<1x64xf32, #tpu.memory_space<vmem>>, vector<1x64xf32>
    %add3A_25 = vector.broadcast %get3A_24 : vector<1x64xf32> to vector<1008x64xf32>
    %add3A_26 = arith.addf %add3A, %add3A_25 : vector<1008x64xf32>
    %max3A = arith.constant 0.000000e+00 : f32
    %max3A_27 = vector.broadcast %max3A : f32 to vector<1008x64xf32>
    %max3A_28 = arith.maximumf %add3A_26, %max3A_27 : vector<1008x64xf32>
    %get3A_29 = arith.constant 0 : index
    %get3A_30 = arith.constant 0 : index
    %get3A_31 = vector.load %arg8[%get3A_29, %get3A_30] : memref<64x64xf32, #tpu.memory_space<vmem>>, vector<64x64xf32>
    %dot_general3A_32 = arith.constant dense<0.000000e+00> : vector<1008x64xf32>
    %dot_general3A_33 = tpu.matmul %max3A_28, %get3A_31, %dot_general3A_32 {dimension_numbers = #tpu.dot_dimension_numbers<[1], [0], [0], [1], [0, 0, 1, 1], [], []>, transpose_lhs_hint = false} : vector<1008x64xf32>, vector<64x64xf32>, vector<1008x64xf32> -> vector<1008x64xf32>
    %get3A_34 = arith.constant 0 : index
    %get3A_35 = arith.constant 0 : index
    %get3A_36 = vector.load %arg9[%get3A_34, %get3A_35] : memref<1x64xf32, #tpu.memory_space<vmem>>, vector<1x64xf32>
    %add3A_37 = vector.broadcast %get3A_36 : vector<1x64xf32> to vector<1008x64xf32>
    %add3A_38 = arith.addf %dot_general3A_33, %add3A_37 : vector<1008x64xf32>
    %max3A_39 = arith.constant 0.000000e+00 : f32
    %max3A_40 = vector.broadcast %max3A_39 : f32 to vector<1008x64xf32>
    %max3A_41 = arith.maximumf %add3A_38, %max3A_40 : vector<1008x64xf32>
    %ge3A = arith.constant 0 : i32
    %ge3A_42 = vector.broadcast %ge3A : i32 to vector<1008x1xi32>
    %ge3A_43 = arith.cmpi sge, %get3A_4, %ge3A_42 : vector<1008x1xi32>
    %jit3A = arith.constant 0.000000e+00 : f32
    %broadcast_in_dim3A = vector.shape_cast %ge3A_43 : vector<1008x1xi1> to vector<1008x1xi1>
    %broadcast_in_dim3A_44 = vector.broadcast %broadcast_in_dim3A : vector<1008x1xi1> to vector<1008x64xi1>
    %broadcast_in_dim3A_45 = vector.broadcast %jit3A : f32 to vector<1008x64xf32>
    %select_n3A = arith.select %broadcast_in_dim3A_44, %max3A_41, %broadcast_in_dim3A_45 : vector<1008x64xi1>, vector<1008x64xf32>
    %ge3A_46 = arith.constant 0 : i32
    %ge3A_47 = vector.broadcast %ge3A_46 : i32 to vector<1008x1xi32>
    %ge3A_48 = arith.cmpi sge, %get3A_4, %ge3A_47 : vector<1008x1xi32>
    %jit3A_49 = arith.constant 1.000000e+00 : f32
    %jit3A_50 = arith.constant 0.000000e+00 : f32
    %broadcast_in_dim3A_51 = vector.broadcast %jit3A_49 : f32 to vector<1008x1xf32>
    %broadcast_in_dim3A_52 = vector.broadcast %jit3A_50 : f32 to vector<1008x1xf32>
    %select_n3A_53 = arith.select %ge3A_48, %broadcast_in_dim3A_51, %broadcast_in_dim3A_52 : vector<1008x1xi1>, vector<1008x1xf32>
    %broadcast_in_dim3A_54 = arith.constant 0.000000e+00 : f32
    %broadcast_in_dim3A_55 = vector.broadcast %broadcast_in_dim3A_54 : f32 to vector<1008x7xf32>
    %concatenate3A = tpu.concatenate %select_n3A, %get3A_12, %select_n3A_53, %broadcast_in_dim3A_55 in 1 : vector<1008x64xf32>, vector<1008x8xf32>, vector<1008x1xf32>, vector<1008x7xf32> -> vector<1008x80xf32>
    %iota3A = tpu.iota {dimensions = array<i32: 0>} : vector<128x1008xi32>
    %eq3A = vector.broadcast %get3A_9 : vector<1x1008xi32> to vector<128x1008xi32>
    %eq3A_56 = arith.cmpi eq, %eq3A, %iota3A : vector<128x1008xi32>
    %jit3A_57 = arith.constant 1.000000e+00 : f32
    %jit3A_58 = arith.constant 0.000000e+00 : f32
    %broadcast_in_dim3A_59 = vector.broadcast %jit3A_57 : f32 to vector<128x1008xf32>
    %broadcast_in_dim3A_60 = vector.broadcast %jit3A_58 : f32 to vector<128x1008xf32>
    %select_n3A_61 = arith.select %eq3A_56, %broadcast_in_dim3A_59, %broadcast_in_dim3A_60 : vector<128x1008xi1>, vector<128x1008xf32>
    %dot_general3A_62 = arith.constant dense<0.000000e+00> : vector<128x80xf32>
    %dot_general3A_63 = tpu.matmul %select_n3A_61, %concatenate3A, %dot_general3A_62 {dimension_numbers = #tpu.dot_dimension_numbers<[1], [0], [0], [1], [0, 0, 1, 1], [], []>, transpose_lhs_hint = false} : vector<128x1008xf32>, vector<1008x80xf32>, vector<128x80xf32> -> vector<128x80xf32>
    %eq3A_64 = arith.constant 0 : i32
    %eq3A_65 = arith.cmpi eq, %arg0, %eq3A_64 : i32
    %convert_element_type3A = arith.extui %eq3A_65 : i1 to i32
    %cond3A = arith.constant 0 : i32
    %cond3A_66 = arith.cmpi ne, %convert_element_type3A, %cond3A : i32
    scf.if %cond3A_66 {
      %broadcast_in_dim3A_91 = arith.constant 0.000000e+00 : f32
      %broadcast_in_dim3A_92 = vector.broadcast %broadcast_in_dim3A_91 : f32 to vector<128x10xf32>
      %swap3A_93 = arith.constant 0 : index
      %swap3A_94 = arith.constant 0 : index
      %swap3A_95 = vector.load %arg11[%swap3A_93, %swap3A_94] : memref<128x10xf32, #tpu.memory_space<vmem>>, vector<128x10xf32>
      tpu.vector_store %arg11[%swap3A_93, %swap3A_94], %broadcast_in_dim3A_92 {strides = array<i32>} : memref<128x10xf32, #tpu.memory_space<vmem>>, vector<128x10xf32>,
    } else {
    }
    %get3A_67 = arith.constant 0 : index
    %get3A_68 = arith.constant 0 : index
    %get3A_69 = vector.load %arg11[%get3A_67, %get3A_68] : memref<128x10xf32, #tpu.memory_space<vmem>>, vector<128x10xf32>
    %get3A_70 = arith.constant 0 : index
    %get3A_71 = arith.constant 0 : index
    %get3A_72 = vector.load %arg10[%get3A_70, %get3A_71] : memref<80x10xf32, #tpu.memory_space<vmem>>, vector<80x10xf32>
    %dot_general3A_73 = arith.constant dense<0.000000e+00> : vector<128x10xf32>
    %dot_general3A_74 = tpu.matmul %dot_general3A_63, %get3A_72, %dot_general3A_73 {dimension_numbers = #tpu.dot_dimension_numbers<[1], [0], [0], [1], [0, 0, 1, 1], [], []>, transpose_lhs_hint = false} : vector<128x80xf32>, vector<80x10xf32>, vector<128x10xf32> -> vector<128x10xf32>
    %add3A_75 = arith.addf %get3A_69, %dot_general3A_74 : vector<128x10xf32>
    %swap3A = arith.constant 0 : index
    %swap3A_76 = arith.constant 0 : index
    %swap3A_77 = vector.load %arg11[%swap3A, %swap3A_76] : memref<128x10xf32, #tpu.memory_space<vmem>>, vector<128x10xf32>
    tpu.vector_store %arg11[%swap3A, %swap3A_76], %add3A_75 {strides = array<i32>} : memref<128x10xf32, #tpu.memory_space<vmem>>, vector<128x10xf32>,
    %slice3A = vector.extract_strided_slice %concatenate3A {offsets = [0, 0], sizes = [1008, 40], strides = [1, 1]} : vector<1008x80xf32> to vector<1008x40xf32>
    %swap3A_78 = arith.constant 0 : index
    %swap3A_79 = arith.constant 0 : index
    %swap3A_80 = arith.constant 0 : index
    %swap3A_81 = vector.load %arg12[%swap3A_78, %swap3A_79, %swap3A_80] : memref<2x1008x40xf32, #tpu.memory_space<vmem>>, vector<1x1008x40xf32>
    %swap3A_82 = vector.shape_cast %swap3A_81 : vector<1x1008x40xf32> to vector<1008x40xf32>
    %swap3A_83 = vector.shape_cast %slice3A : vector<1008x40xf32> to vector<1x1008x40xf32>
    tpu.vector_store %arg12[%swap3A_78, %swap3A_79, %swap3A_80], %swap3A_83 {strides = array<i32>} : memref<2x1008x40xf32, #tpu.memory_space<vmem>>, vector<1x1008x40xf32>,
    %slice3A_84 = vector.extract_strided_slice %concatenate3A {offsets = [0, 40], sizes = [1008, 40], strides = [1, 1]} : vector<1008x80xf32> to vector<1008x40xf32>
    %swap3A_85 = arith.constant 1 : index
    %swap3A_86 = arith.constant 0 : index
    %swap3A_87 = arith.constant 0 : index
    %swap3A_88 = vector.load %arg12[%swap3A_85, %swap3A_86, %swap3A_87] : memref<2x1008x40xf32, #tpu.memory_space<vmem>>, vector<1x1008x40xf32>
    %swap3A_89 = vector.shape_cast %swap3A_88 : vector<1x1008x40xf32> to vector<1008x40xf32>
    %swap3A_90 = vector.shape_cast %slice3A_84 : vector<1008x40xf32> to vector<1x1008x40xf32>
    tpu.vector_store %arg12[%swap3A_85, %swap3A_86, %swap3A_87], %swap3A_90 {strides = array<i32>} : memref<2x1008x40xf32, #tpu.memory_space<vmem>>, vector<1x1008x40xf32>,
    return
  }
  func.func @transform_0(%arg0: i32) -> (i32, i32) {
    %c0_i32 = arith.constant 0 : i32
    %c0_i32_0 = arith.constant 0 : i32
    return %arg0, %c0_i32 : i32, i32
  }
  func.func @transform_1(%arg0: i32) -> (i32, i32) {
    %c0_i32 = arith.constant 0 : i32
    %c0_i32_0 = arith.constant 0 : i32
    return %arg0, %c0_i32 : i32, i32
  }
  func.func @transform_2(%arg0: i32) -> (i32, i32) {
    %c0_i32 = arith.constant 0 : i32
    %c0_i32_0 = arith.constant 0 : i32
    return %arg0, %c0_i32 : i32, i32
  }
  func.func @transform_3(%arg0: i32) -> (i32, i32, i32) {
    %c0_i32 = arith.constant 0 : i32
    %c0_i32_0 = arith.constant 0 : i32
    %c0_i32_1 = arith.constant 0 : i32
    return %arg0, %c0_i32, %c0_i32_0 : i32, i32, i32
  }
  func.func @transform_4(%arg0: i32) -> (i32, i32) {
    %c0_i32 = arith.constant 0 : i32
    %c0_i32_0 = arith.constant 0 : i32
    %c0_i32_1 = arith.constant 0 : i32
    return %c0_i32, %c0_i32_0 : i32, i32
  }
  func.func @transform_5(%arg0: i32) -> (i32, i32) {
    %c0_i32 = arith.constant 0 : i32
    %c0_i32_0 = arith.constant 0 : i32
    %c0_i32_1 = arith.constant 0 : i32
    return %c0_i32, %c0_i32_0 : i32, i32
  }
  func.func @transform_6(%arg0: i32) -> (i32, i32) {
    %c0_i32 = arith.constant 0 : i32
    %c0_i32_0 = arith.constant 0 : i32
    %c0_i32_1 = arith.constant 0 : i32
    return %c0_i32, %c0_i32_0 : i32, i32
  }
  func.func @transform_7(%arg0: i32) -> (i32, i32) {
    %c0_i32 = arith.constant 0 : i32
    %c0_i32_0 = arith.constant 0 : i32
    %c0_i32_1 = arith.constant 0 : i32
    return %c0_i32, %c0_i32_0 : i32, i32
  }
  func.func @transform_8(%arg0: i32) -> (i32, i32) {
    %c0_i32 = arith.constant 0 : i32
    %c0_i32_0 = arith.constant 0 : i32
    %c0_i32_1 = arith.constant 0 : i32
    return %c0_i32, %c0_i32_0 : i32, i32
  }
  func.func @transform_9(%arg0: i32) -> (i32, i32) {
    %c0_i32 = arith.constant 0 : i32
    %c0_i32_0 = arith.constant 0 : i32
    %c0_i32_1 = arith.constant 0 : i32
    return %c0_i32, %c0_i32_0 : i32, i32
  }
  func.func @transform_10(%arg0: i32) -> (i32, i32) {
    %c0_i32 = arith.constant 0 : i32
    %c0_i32_0 = arith.constant 0 : i32
    %c0_i32_1 = arith.constant 0 : i32
    return %c0_i32, %c0_i32_0 : i32, i32
  }
  func.func @transform_11(%arg0: i32) -> (i32, i32, i32) {
    %c0_i32 = arith.constant 0 : i32
    %c0_i32_0 = arith.constant 0 : i32
    %c0_i32_1 = arith.constant 0 : i32
    return %c0_i32, %arg0, %c0_i32_0 : i32, i32, i32
  }
}

module attributes {stable_mosaic.version = 14 : i64} {
  func.func @_layer_body(%arg0: i32, %arg1: memref<2x1008x40xf32, #tpu.memory_space<vmem>>, %arg2: memref<2x1008x40xf32, #tpu.memory_space<vmem>>, %arg3: memref<1008x1xi32, #tpu.memory_space<vmem>>, %arg4: memref<1x1x1008xi32, #tpu.memory_space<vmem>>, %arg5: memref<128x8xf32, #tpu.memory_space<vmem>>, %arg6: memref<80x64xf32, #tpu.memory_space<vmem>>, %arg7: memref<1x64xf32, #tpu.memory_space<vmem>>, %arg8: memref<64x64xf32, #tpu.memory_space<vmem>>, %arg9: memref<1x64xf32, #tpu.memory_space<vmem>>, %arg10: memref<64x10xf32, #tpu.memory_space<vmem>>, %arg11: memref<8x10xf32, #tpu.memory_space<vmem>>, %arg12: memref<1x10xf32, #tpu.memory_space<vmem>>, %arg13: memref<128x10xf32, #tpu.memory_space<vmem>>, %arg14: memref<2x1008x40xf32, #tpu.memory_space<vmem>>) attributes {dimension_semantics = [#tpu.dimension_semantics<arbitrary>], iteration_bounds = array<i64: 10>, scalar_prefetch = 0 : i64, scratch_operands = 0 : i64, tpu.core_type = #tpu.core_type<tc>, window_params = [{transform_indices = @transform_0, window_bounds = array<i64: 2, 1008, 40>}, {transform_indices = @transform_1, window_bounds = array<i64: 2, 1008, 40>}, {transform_indices = @transform_2, window_bounds = array<i64: 1008, 1>}, {transform_indices = @transform_3, window_bounds = array<i64: 1, 1, 1008>}, {pipeline_mode = #tpu.pipeline_mode<synchronous>, transform_indices = @transform_4, window_bounds = array<i64: 128, 8>}, {pipeline_mode = #tpu.pipeline_mode<synchronous>, transform_indices = @transform_5, window_bounds = array<i64: 80, 64>}, {pipeline_mode = #tpu.pipeline_mode<synchronous>, transform_indices = @transform_6, window_bounds = array<i64: 1, 64>}, {pipeline_mode = #tpu.pipeline_mode<synchronous>, transform_indices = @transform_7, window_bounds = array<i64: 64, 64>}, {pipeline_mode = #tpu.pipeline_mode<synchronous>, transform_indices = @transform_8, window_bounds = array<i64: 1, 64>}, {pipeline_mode = #tpu.pipeline_mode<synchronous>, transform_indices = @transform_9, window_bounds = array<i64: 64, 10>}, {pipeline_mode = #tpu.pipeline_mode<synchronous>, transform_indices = @transform_10, window_bounds = array<i64: 8, 10>}, {pipeline_mode = #tpu.pipeline_mode<synchronous>, transform_indices = @transform_11, window_bounds = array<i64: 1, 10>}, {pipeline_mode = #tpu.pipeline_mode<synchronous>, transform_indices = @transform_12, window_bounds = array<i64: 128, 10>}, {transform_indices = @transform_13, window_bounds = array<i64: 2, 1008, 40>}]} {
    %get3A = arith.constant 0 : index
    %get3A_0 = arith.constant 0 : index
    %get3A_1 = arith.constant 0 : index
    %get3A_2 = vector.load %arg1[%get3A, %get3A_0, %get3A_1] : memref<2x1008x40xf32, #tpu.memory_space<vmem>>, vector<1x1008x40xf32>
    %get3A_3 = vector.shape_cast %get3A_2 : vector<1x1008x40xf32> to vector<1008x40xf32>
    %get3A_4 = arith.constant 0 : index
    %get3A_5 = arith.constant 0 : index
    %get3A_6 = arith.constant 0 : index
    %get3A_7 = vector.load %arg2[%get3A_4, %get3A_5, %get3A_6] : memref<2x1008x40xf32, #tpu.memory_space<vmem>>, vector<1x1008x40xf32>
    %get3A_8 = vector.shape_cast %get3A_7 : vector<1x1008x40xf32> to vector<1008x40xf32>
    %add3A = arith.addf %get3A_3, %get3A_8 : vector<1008x40xf32>
    %get3A_9 = arith.constant 1 : index
    %get3A_10 = arith.constant 0 : index
    %get3A_11 = arith.constant 0 : index
    %get3A_12 = vector.load %arg1[%get3A_9, %get3A_10, %get3A_11] : memref<2x1008x40xf32, #tpu.memory_space<vmem>>, vector<1x1008x40xf32>
    %get3A_13 = vector.shape_cast %get3A_12 : vector<1x1008x40xf32> to vector<1008x40xf32>
    %get3A_14 = arith.constant 1 : index
    %get3A_15 = arith.constant 0 : index
    %get3A_16 = arith.constant 0 : index
    %get3A_17 = vector.load %arg2[%get3A_14, %get3A_15, %get3A_16] : memref<2x1008x40xf32, #tpu.memory_space<vmem>>, vector<1x1008x40xf32>
    %get3A_18 = vector.shape_cast %get3A_17 : vector<1x1008x40xf32> to vector<1008x40xf32>
    %add3A_19 = arith.addf %get3A_13, %get3A_18 : vector<1008x40xf32>
    %concatenate3A = tpu.concatenate %add3A, %add3A_19 in 1 : vector<1008x40xf32>, vector<1008x40xf32> -> vector<1008x80xf32>
    %get3A_20 = arith.constant 0 : index
    %get3A_21 = arith.constant 0 : index
    %get3A_22 = vector.load %arg6[%get3A_20, %get3A_21] : memref<80x64xf32, #tpu.memory_space<vmem>>, vector<80x64xf32>
    %dot_general3A = arith.constant dense<0.000000e+00> : vector<1008x64xf32>
    %dot_general3A_23 = tpu.matmul %concatenate3A, %get3A_22, %dot_general3A {dimension_numbers = #tpu.dot_dimension_numbers<[1], [0], [0], [1], [0, 0, 1, 1], [], []>, transpose_lhs_hint = false} : vector<1008x80xf32>, vector<80x64xf32>, vector<1008x64xf32> -> vector<1008x64xf32>
    %get3A_24 = arith.constant 0 : index
    %get3A_25 = arith.constant 0 : index
    %get3A_26 = vector.load %arg7[%get3A_24, %get3A_25] : memref<1x64xf32, #tpu.memory_space<vmem>>, vector<1x64xf32>
    %add3A_27 = vector.broadcast %get3A_26 : vector<1x64xf32> to vector<1008x64xf32>
    %add3A_28 = arith.addf %dot_general3A_23, %add3A_27 : vector<1008x64xf32>
    %max3A = arith.constant 0.000000e+00 : f32
    %max3A_29 = vector.broadcast %max3A : f32 to vector<1008x64xf32>
    %max3A_30 = arith.maximumf %add3A_28, %max3A_29 : vector<1008x64xf32>
    %get3A_31 = arith.constant 0 : index
    %get3A_32 = arith.constant 0 : index
    %get3A_33 = vector.load %arg8[%get3A_31, %get3A_32] : memref<64x64xf32, #tpu.memory_space<vmem>>, vector<64x64xf32>
    %dot_general3A_34 = arith.constant dense<0.000000e+00> : vector<1008x64xf32>
    %dot_general3A_35 = tpu.matmul %max3A_30, %get3A_33, %dot_general3A_34 {dimension_numbers = #tpu.dot_dimension_numbers<[1], [0], [0], [1], [0, 0, 1, 1], [], []>, transpose_lhs_hint = false} : vector<1008x64xf32>, vector<64x64xf32>, vector<1008x64xf32> -> vector<1008x64xf32>
    %get3A_36 = arith.constant 0 : index
    %get3A_37 = arith.constant 0 : index
    %get3A_38 = vector.load %arg9[%get3A_36, %get3A_37] : memref<1x64xf32, #tpu.memory_space<vmem>>, vector<1x64xf32>
    %add3A_39 = vector.broadcast %get3A_38 : vector<1x64xf32> to vector<1008x64xf32>
    %add3A_40 = arith.addf %dot_general3A_35, %add3A_39 : vector<1008x64xf32>
    %max3A_41 = arith.constant 0.000000e+00 : f32
    %max3A_42 = vector.broadcast %max3A_41 : f32 to vector<1008x64xf32>
    %max3A_43 = arith.maximumf %add3A_40, %max3A_42 : vector<1008x64xf32>
    %get3A_44 = arith.constant 0 : index
    %get3A_45 = arith.constant 0 : index
    %get3A_46 = vector.load %arg3[%get3A_44, %get3A_45] : memref<1008x1xi32, #tpu.memory_space<vmem>>, vector<1008x1xi32>
    %ge3A = arith.constant 0 : i32
    %ge3A_47 = vector.broadcast %ge3A : i32 to vector<1008x1xi32>
    %ge3A_48 = arith.cmpi sge, %get3A_46, %ge3A_47 : vector<1008x1xi32>
    %jit3A = arith.constant 0.000000e+00 : f32
    %broadcast_in_dim3A = vector.shape_cast %ge3A_48 : vector<1008x1xi1> to vector<1008x1xi1>
    %broadcast_in_dim3A_49 = vector.broadcast %broadcast_in_dim3A : vector<1008x1xi1> to vector<1008x64xi1>
    %broadcast_in_dim3A_50 = vector.broadcast %jit3A : f32 to vector<1008x64xf32>
    %select_n3A = arith.select %broadcast_in_dim3A_49, %max3A_43, %broadcast_in_dim3A_50 : vector<1008x64xi1>, vector<1008x64xf32>
    %iota3A = tpu.iota {dimensions = array<i32: 0>} : vector<128x1008xi32>
    %get3A_51 = arith.constant 0 : index
    %get3A_52 = arith.constant 0 : index
    %get3A_53 = arith.constant 0 : index
    %get3A_54 = vector.load %arg4[%get3A_51, %get3A_52, %get3A_53] : memref<1x1x1008xi32, #tpu.memory_space<vmem>>, vector<1x1x1008xi32>
    %get3A_55 = vector.shape_cast %get3A_54 : vector<1x1x1008xi32> to vector<1x1008xi32>
    %eq3A = vector.broadcast %get3A_55 : vector<1x1008xi32> to vector<128x1008xi32>
    %eq3A_56 = arith.cmpi eq, %eq3A, %iota3A : vector<128x1008xi32>
    %jit3A_57 = arith.constant 1.000000e+00 : f32
    %jit3A_58 = arith.constant 0.000000e+00 : f32
    %broadcast_in_dim3A_59 = vector.broadcast %jit3A_57 : f32 to vector<128x1008xf32>
    %broadcast_in_dim3A_60 = vector.broadcast %jit3A_58 : f32 to vector<128x1008xf32>
    %select_n3A_61 = arith.select %eq3A_56, %broadcast_in_dim3A_59, %broadcast_in_dim3A_60 : vector<128x1008xi1>, vector<128x1008xf32>
    %dot_general3A_62 = arith.constant dense<0.000000e+00> : vector<128x64xf32>
    %dot_general3A_63 = tpu.matmul %select_n3A_61, %select_n3A, %dot_general3A_62 {dimension_numbers = #tpu.dot_dimension_numbers<[1], [0], [0], [1], [0, 0, 1, 1], [], []>, transpose_lhs_hint = false} : vector<128x1008xf32>, vector<1008x64xf32>, vector<128x64xf32> -> vector<128x64xf32>
    %eq3A_64 = arith.constant 0 : i32
    %eq3A_65 = arith.cmpi eq, %arg0, %eq3A_64 : i32
    %convert_element_type3A = arith.extui %eq3A_65 : i1 to i32
    %cond3A = arith.constant 0 : i32
    %cond3A_66 = arith.cmpi ne, %convert_element_type3A, %cond3A : i32
    scf.if %cond3A_66 {
      %get3A_100 = arith.constant 0 : index
      %get3A_101 = arith.constant 0 : index
      %get3A_102 = vector.load %arg5[%get3A_100, %get3A_101] : memref<128x8xf32, #tpu.memory_space<vmem>>, vector<128x8xf32>
      %get3A_103 = arith.constant 0 : index
      %get3A_104 = arith.constant 0 : index
      %get3A_105 = vector.load %arg11[%get3A_103, %get3A_104] : memref<8x10xf32, #tpu.memory_space<vmem>>, vector<8x10xf32>
      %dot_general3A_106 = arith.constant dense<0.000000e+00> : vector<128x10xf32>
      %dot_general3A_107 = tpu.matmul %get3A_102, %get3A_105, %dot_general3A_106 {dimension_numbers = #tpu.dot_dimension_numbers<[1], [0], [0], [1], [0, 0, 1, 1], [], []>, transpose_lhs_hint = false} : vector<128x8xf32>, vector<8x10xf32>, vector<128x10xf32> -> vector<128x10xf32>
      %get3A_108 = arith.constant 0 : index
      %get3A_109 = arith.constant 0 : index
      %get3A_110 = vector.load %arg12[%get3A_108, %get3A_109] : memref<1x10xf32, #tpu.memory_space<vmem>>, vector<1x10xf32>
      %add3A_111 = vector.broadcast %get3A_110 : vector<1x10xf32> to vector<128x10xf32>
      %add3A_112 = arith.addf %dot_general3A_107, %add3A_111 : vector<128x10xf32>
      %swap3A_113 = arith.constant 0 : index
      %swap3A_114 = arith.constant 0 : index
      %swap3A_115 = vector.load %arg13[%swap3A_113, %swap3A_114] : memref<128x10xf32, #tpu.memory_space<vmem>>, vector<128x10xf32>
      tpu.vector_store %arg13[%swap3A_113, %swap3A_114], %add3A_112 {strides = array<i32>} : memref<128x10xf32, #tpu.memory_space<vmem>>, vector<128x10xf32>,
    } else {
    }
    %get3A_67 = arith.constant 0 : index
    %get3A_68 = arith.constant 0 : index
    %get3A_69 = vector.load %arg13[%get3A_67, %get3A_68] : memref<128x10xf32, #tpu.memory_space<vmem>>, vector<128x10xf32>
    %get3A_70 = arith.constant 0 : index
    %get3A_71 = arith.constant 0 : index
    %get3A_72 = vector.load %arg10[%get3A_70, %get3A_71] : memref<64x10xf32, #tpu.memory_space<vmem>>, vector<64x10xf32>
    %dot_general3A_73 = arith.constant dense<0.000000e+00> : vector<128x10xf32>
    %dot_general3A_74 = tpu.matmul %dot_general3A_63, %get3A_72, %dot_general3A_73 {dimension_numbers = #tpu.dot_dimension_numbers<[1], [0], [0], [1], [0, 0, 1, 1], [], []>, transpose_lhs_hint = false} : vector<128x64xf32>, vector<64x10xf32>, vector<128x10xf32> -> vector<128x10xf32>
    %add3A_75 = arith.addf %get3A_69, %dot_general3A_74 : vector<128x10xf32>
    %swap3A = arith.constant 0 : index
    %swap3A_76 = arith.constant 0 : index
    %swap3A_77 = vector.load %arg13[%swap3A, %swap3A_76] : memref<128x10xf32, #tpu.memory_space<vmem>>, vector<128x10xf32>
    tpu.vector_store %arg13[%swap3A, %swap3A_76], %add3A_75 {strides = array<i32>} : memref<128x10xf32, #tpu.memory_space<vmem>>, vector<128x10xf32>,
    %slice3A = vector.extract_strided_slice %select_n3A {offsets = [0, 0], sizes = [1008, 40], strides = [1, 1]} : vector<1008x64xf32> to vector<1008x40xf32>
    %swap3A_78 = arith.constant 0 : index
    %swap3A_79 = arith.constant 0 : index
    %swap3A_80 = arith.constant 0 : index
    %swap3A_81 = vector.load %arg14[%swap3A_78, %swap3A_79, %swap3A_80] : memref<2x1008x40xf32, #tpu.memory_space<vmem>>, vector<1x1008x40xf32>
    %swap3A_82 = vector.shape_cast %swap3A_81 : vector<1x1008x40xf32> to vector<1008x40xf32>
    %swap3A_83 = vector.shape_cast %slice3A : vector<1008x40xf32> to vector<1x1008x40xf32>
    tpu.vector_store %arg14[%swap3A_78, %swap3A_79, %swap3A_80], %swap3A_83 {strides = array<i32>} : memref<2x1008x40xf32, #tpu.memory_space<vmem>>, vector<1x1008x40xf32>,
    %slice3A_84 = vector.extract_strided_slice %select_n3A {offsets = [0, 40], sizes = [1008, 24], strides = [1, 1]} : vector<1008x64xf32> to vector<1008x24xf32>
    %get3A_85 = arith.constant 1 : index
    %get3A_86 = arith.constant 0 : index
    %get3A_87 = arith.constant 0 : index
    %get3A_88 = vector.load %arg1[%get3A_85, %get3A_86, %get3A_87] : memref<2x1008x40xf32, #tpu.memory_space<vmem>>, vector<1x1008x40xf32>
    %get3A_89 = vector.shape_cast %get3A_88 : vector<1x1008x40xf32> to vector<1008x40xf32>
    %slice3A_90 = vector.extract_strided_slice %get3A_89 {offsets = [0, 24], sizes = [1008, 8], strides = [1, 1]} : vector<1008x40xf32> to vector<1008x8xf32>
    %broadcast_in_dim3A_91 = arith.constant 0.000000e+00 : f32
    %broadcast_in_dim3A_92 = vector.broadcast %broadcast_in_dim3A_91 : f32 to vector<1008x8xf32>
    %concatenate3A_93 = tpu.concatenate %slice3A_84, %slice3A_90, %broadcast_in_dim3A_92 in 1 : vector<1008x24xf32>, vector<1008x8xf32>, vector<1008x8xf32> -> vector<1008x40xf32>
    %swap3A_94 = arith.constant 1 : index
    %swap3A_95 = arith.constant 0 : index
    %swap3A_96 = arith.constant 0 : index
    %swap3A_97 = vector.load %arg14[%swap3A_94, %swap3A_95, %swap3A_96] : memref<2x1008x40xf32, #tpu.memory_space<vmem>>, vector<1x1008x40xf32>
    %swap3A_98 = vector.shape_cast %swap3A_97 : vector<1x1008x40xf32> to vector<1008x40xf32>
    %swap3A_99 = vector.shape_cast %concatenate3A_93 : vector<1008x40xf32> to vector<1x1008x40xf32>
    tpu.vector_store %arg14[%swap3A_94, %swap3A_95, %swap3A_96], %swap3A_99 {strides = array<i32>} : memref<2x1008x40xf32, #tpu.memory_space<vmem>>, vector<1x1008x40xf32>,
    return
  }
  func.func @transform_0(%arg0: i32) -> (i32, i32, i32) {
    %c0_i32 = arith.constant 0 : i32
    %c0_i32_0 = arith.constant 0 : i32
    %c0_i32_1 = arith.constant 0 : i32
    return %c0_i32, %arg0, %c0_i32_0 : i32, i32, i32
  }
  func.func @transform_1(%arg0: i32) -> (i32, i32, i32) {
    %c0_i32 = arith.constant 0 : i32
    %c0_i32_0 = arith.constant 0 : i32
    %c0_i32_1 = arith.constant 0 : i32
    return %c0_i32, %arg0, %c0_i32_0 : i32, i32, i32
  }
  func.func @transform_2(%arg0: i32) -> (i32, i32) {
    %c0_i32 = arith.constant 0 : i32
    %c0_i32_0 = arith.constant 0 : i32
    return %arg0, %c0_i32 : i32, i32
  }
  func.func @transform_3(%arg0: i32) -> (i32, i32, i32) {
    %c0_i32 = arith.constant 0 : i32
    %c0_i32_0 = arith.constant 0 : i32
    %c0_i32_1 = arith.constant 0 : i32
    return %arg0, %c0_i32, %c0_i32_0 : i32, i32, i32
  }
  func.func @transform_4(%arg0: i32) -> (i32, i32) {
    %c0_i32 = arith.constant 0 : i32
    %c0_i32_0 = arith.constant 0 : i32
    %c0_i32_1 = arith.constant 0 : i32
    return %c0_i32, %c0_i32_0 : i32, i32
  }
  func.func @transform_5(%arg0: i32) -> (i32, i32) {
    %c0_i32 = arith.constant 0 : i32
    %c0_i32_0 = arith.constant 0 : i32
    %c0_i32_1 = arith.constant 0 : i32
    return %c0_i32, %c0_i32_0 : i32, i32
  }
  func.func @transform_6(%arg0: i32) -> (i32, i32) {
    %c0_i32 = arith.constant 0 : i32
    %c0_i32_0 = arith.constant 0 : i32
    %c0_i32_1 = arith.constant 0 : i32
    return %c0_i32, %c0_i32_0 : i32, i32
  }
  func.func @transform_7(%arg0: i32) -> (i32, i32) {
    %c0_i32 = arith.constant 0 : i32
    %c0_i32_0 = arith.constant 0 : i32
    %c0_i32_1 = arith.constant 0 : i32
    return %c0_i32, %c0_i32_0 : i32, i32
  }
  func.func @transform_8(%arg0: i32) -> (i32, i32) {
    %c0_i32 = arith.constant 0 : i32
    %c0_i32_0 = arith.constant 0 : i32
    %c0_i32_1 = arith.constant 0 : i32
    return %c0_i32, %c0_i32_0 : i32, i32
  }
  func.func @transform_9(%arg0: i32) -> (i32, i32) {
    %c0_i32 = arith.constant 0 : i32
    %c0_i32_0 = arith.constant 0 : i32
    %c0_i32_1 = arith.constant 0 : i32
    return %c0_i32, %c0_i32_0 : i32, i32
  }
  func.func @transform_10(%arg0: i32) -> (i32, i32) {
    %c0_i32 = arith.constant 0 : i32
    %c0_i32_0 = arith.constant 0 : i32
    %c0_i32_1 = arith.constant 0 : i32
    return %c0_i32, %c0_i32_0 : i32, i32
  }
  func.func @transform_11(%arg0: i32) -> (i32, i32) {
    %c0_i32 = arith.constant 0 : i32
    %c0_i32_0 = arith.constant 0 : i32
    %c0_i32_1 = arith.constant 0 : i32
    return %c0_i32, %c0_i32_0 : i32, i32
  }
  func.func @transform_12(%arg0: i32) -> (i32, i32) {
    %c0_i32 = arith.constant 0 : i32
    %c0_i32_0 = arith.constant 0 : i32
    %c0_i32_1 = arith.constant 0 : i32
    return %c0_i32, %c0_i32_0 : i32, i32
  }
  func.func @transform_13(%arg0: i32) -> (i32, i32, i32) {
    %c0_i32 = arith.constant 0 : i32
    %c0_i32_0 = arith.constant 0 : i32
    %c0_i32_1 = arith.constant 0 : i32
    return %c0_i32, %arg0, %c0_i32_0 : i32, i32, i32
  }
}

module attributes {stable_mosaic.version = 14 : i64} {
  func.func @_layer_body(%arg0: i32, %arg1: memref<2x1008x40xf32, #tpu.memory_space<vmem>>, %arg2: memref<2x1008x40xf32, #tpu.memory_space<vmem>>, %arg3: memref<1008x1xi32, #tpu.memory_space<vmem>>, %arg4: memref<1x1x1008xi32, #tpu.memory_space<vmem>>, %arg5: memref<128x8xf32, #tpu.memory_space<vmem>>, %arg6: memref<80x64xf32, #tpu.memory_space<vmem>>, %arg7: memref<1x64xf32, #tpu.memory_space<vmem>>, %arg8: memref<64x64xf32, #tpu.memory_space<vmem>>, %arg9: memref<1x64xf32, #tpu.memory_space<vmem>>, %arg10: memref<64x10xf32, #tpu.memory_space<vmem>>, %arg11: memref<8x10xf32, #tpu.memory_space<vmem>>, %arg12: memref<1x10xf32, #tpu.memory_space<vmem>>, %arg13: memref<128x10xf32, #tpu.memory_space<vmem>>, %arg14: memref<2x1008x40xf32, #tpu.memory_space<vmem>>) attributes {dimension_semantics = [#tpu.dimension_semantics<arbitrary>], iteration_bounds = array<i64: 10>, scalar_prefetch = 0 : i64, scratch_operands = 0 : i64, tpu.core_type = #tpu.core_type<tc>, window_params = [{transform_indices = @transform_0, window_bounds = array<i64: 2, 1008, 40>}, {transform_indices = @transform_1, window_bounds = array<i64: 2, 1008, 40>}, {transform_indices = @transform_2, window_bounds = array<i64: 1008, 1>}, {transform_indices = @transform_3, window_bounds = array<i64: 1, 1, 1008>}, {pipeline_mode = #tpu.pipeline_mode<synchronous>, transform_indices = @transform_4, window_bounds = array<i64: 128, 8>}, {pipeline_mode = #tpu.pipeline_mode<synchronous>, transform_indices = @transform_5, window_bounds = array<i64: 80, 64>}, {pipeline_mode = #tpu.pipeline_mode<synchronous>, transform_indices = @transform_6, window_bounds = array<i64: 1, 64>}, {pipeline_mode = #tpu.pipeline_mode<synchronous>, transform_indices = @transform_7, window_bounds = array<i64: 64, 64>}, {pipeline_mode = #tpu.pipeline_mode<synchronous>, transform_indices = @transform_8, window_bounds = array<i64: 1, 64>}, {pipeline_mode = #tpu.pipeline_mode<synchronous>, transform_indices = @transform_9, window_bounds = array<i64: 64, 10>}, {pipeline_mode = #tpu.pipeline_mode<synchronous>, transform_indices = @transform_10, window_bounds = array<i64: 8, 10>}, {pipeline_mode = #tpu.pipeline_mode<synchronous>, transform_indices = @transform_11, window_bounds = array<i64: 1, 10>}, {pipeline_mode = #tpu.pipeline_mode<synchronous>, transform_indices = @transform_12, window_bounds = array<i64: 128, 10>}, {transform_indices = @transform_13, window_bounds = array<i64: 2, 1008, 40>}]} {
    %get3A = arith.constant 0 : index
    %get3A_0 = arith.constant 0 : index
    %get3A_1 = arith.constant 0 : index
    %get3A_2 = vector.load %arg1[%get3A, %get3A_0, %get3A_1] : memref<2x1008x40xf32, #tpu.memory_space<vmem>>, vector<1x1008x40xf32>
    %get3A_3 = vector.shape_cast %get3A_2 : vector<1x1008x40xf32> to vector<1008x40xf32>
    %get3A_4 = arith.constant 0 : index
    %get3A_5 = arith.constant 0 : index
    %get3A_6 = arith.constant 0 : index
    %get3A_7 = vector.load %arg2[%get3A_4, %get3A_5, %get3A_6] : memref<2x1008x40xf32, #tpu.memory_space<vmem>>, vector<1x1008x40xf32>
    %get3A_8 = vector.shape_cast %get3A_7 : vector<1x1008x40xf32> to vector<1008x40xf32>
    %add3A = arith.addf %get3A_3, %get3A_8 : vector<1008x40xf32>
    %get3A_9 = arith.constant 1 : index
    %get3A_10 = arith.constant 0 : index
    %get3A_11 = arith.constant 0 : index
    %get3A_12 = vector.load %arg1[%get3A_9, %get3A_10, %get3A_11] : memref<2x1008x40xf32, #tpu.memory_space<vmem>>, vector<1x1008x40xf32>
    %get3A_13 = vector.shape_cast %get3A_12 : vector<1x1008x40xf32> to vector<1008x40xf32>
    %get3A_14 = arith.constant 1 : index
    %get3A_15 = arith.constant 0 : index
    %get3A_16 = arith.constant 0 : index
    %get3A_17 = vector.load %arg2[%get3A_14, %get3A_15, %get3A_16] : memref<2x1008x40xf32, #tpu.memory_space<vmem>>, vector<1x1008x40xf32>
    %get3A_18 = vector.shape_cast %get3A_17 : vector<1x1008x40xf32> to vector<1008x40xf32>
    %add3A_19 = arith.addf %get3A_13, %get3A_18 : vector<1008x40xf32>
    %concatenate3A = tpu.concatenate %add3A, %add3A_19 in 1 : vector<1008x40xf32>, vector<1008x40xf32> -> vector<1008x80xf32>
    %get3A_20 = arith.constant 0 : index
    %get3A_21 = arith.constant 0 : index
    %get3A_22 = vector.load %arg6[%get3A_20, %get3A_21] : memref<80x64xf32, #tpu.memory_space<vmem>>, vector<80x64xf32>
    %dot_general3A = arith.constant dense<0.000000e+00> : vector<1008x64xf32>
    %dot_general3A_23 = tpu.matmul %concatenate3A, %get3A_22, %dot_general3A {dimension_numbers = #tpu.dot_dimension_numbers<[1], [0], [0], [1], [0, 0, 1, 1], [], []>, transpose_lhs_hint = false} : vector<1008x80xf32>, vector<80x64xf32>, vector<1008x64xf32> -> vector<1008x64xf32>
    %get3A_24 = arith.constant 0 : index
    %get3A_25 = arith.constant 0 : index
    %get3A_26 = vector.load %arg7[%get3A_24, %get3A_25] : memref<1x64xf32, #tpu.memory_space<vmem>>, vector<1x64xf32>
    %add3A_27 = vector.broadcast %get3A_26 : vector<1x64xf32> to vector<1008x64xf32>
    %add3A_28 = arith.addf %dot_general3A_23, %add3A_27 : vector<1008x64xf32>
    %max3A = arith.constant 0.000000e+00 : f32
    %max3A_29 = vector.broadcast %max3A : f32 to vector<1008x64xf32>
    %max3A_30 = arith.maximumf %add3A_28, %max3A_29 : vector<1008x64xf32>
    %get3A_31 = arith.constant 0 : index
    %get3A_32 = arith.constant 0 : index
    %get3A_33 = vector.load %arg8[%get3A_31, %get3A_32] : memref<64x64xf32, #tpu.memory_space<vmem>>, vector<64x64xf32>
    %dot_general3A_34 = arith.constant dense<0.000000e+00> : vector<1008x64xf32>
    %dot_general3A_35 = tpu.matmul %max3A_30, %get3A_33, %dot_general3A_34 {dimension_numbers = #tpu.dot_dimension_numbers<[1], [0], [0], [1], [0, 0, 1, 1], [], []>, transpose_lhs_hint = false} : vector<1008x64xf32>, vector<64x64xf32>, vector<1008x64xf32> -> vector<1008x64xf32>
    %get3A_36 = arith.constant 0 : index
    %get3A_37 = arith.constant 0 : index
    %get3A_38 = vector.load %arg9[%get3A_36, %get3A_37] : memref<1x64xf32, #tpu.memory_space<vmem>>, vector<1x64xf32>
    %add3A_39 = vector.broadcast %get3A_38 : vector<1x64xf32> to vector<1008x64xf32>
    %add3A_40 = arith.addf %dot_general3A_35, %add3A_39 : vector<1008x64xf32>
    %max3A_41 = arith.constant 0.000000e+00 : f32
    %max3A_42 = vector.broadcast %max3A_41 : f32 to vector<1008x64xf32>
    %max3A_43 = arith.maximumf %add3A_40, %max3A_42 : vector<1008x64xf32>
    %get3A_44 = arith.constant 0 : index
    %get3A_45 = arith.constant 0 : index
    %get3A_46 = vector.load %arg3[%get3A_44, %get3A_45] : memref<1008x1xi32, #tpu.memory_space<vmem>>, vector<1008x1xi32>
    %ge3A = arith.constant 0 : i32
    %ge3A_47 = vector.broadcast %ge3A : i32 to vector<1008x1xi32>
    %ge3A_48 = arith.cmpi sge, %get3A_46, %ge3A_47 : vector<1008x1xi32>
    %jit3A = arith.constant 0.000000e+00 : f32
    %broadcast_in_dim3A = vector.shape_cast %ge3A_48 : vector<1008x1xi1> to vector<1008x1xi1>
    %broadcast_in_dim3A_49 = vector.broadcast %broadcast_in_dim3A : vector<1008x1xi1> to vector<1008x64xi1>
    %broadcast_in_dim3A_50 = vector.broadcast %jit3A : f32 to vector<1008x64xf32>
    %select_n3A = arith.select %broadcast_in_dim3A_49, %max3A_43, %broadcast_in_dim3A_50 : vector<1008x64xi1>, vector<1008x64xf32>
    %iota3A = tpu.iota {dimensions = array<i32: 0>} : vector<128x1008xi32>
    %get3A_51 = arith.constant 0 : index
    %get3A_52 = arith.constant 0 : index
    %get3A_53 = arith.constant 0 : index
    %get3A_54 = vector.load %arg4[%get3A_51, %get3A_52, %get3A_53] : memref<1x1x1008xi32, #tpu.memory_space<vmem>>, vector<1x1x1008xi32>
    %get3A_55 = vector.shape_cast %get3A_54 : vector<1x1x1008xi32> to vector<1x1008xi32>
    %eq3A = vector.broadcast %get3A_55 : vector<1x1008xi32> to vector<128x1008xi32>
    %eq3A_56 = arith.cmpi eq, %eq3A, %iota3A : vector<128x1008xi32>
    %jit3A_57 = arith.constant 1.000000e+00 : f32
    %jit3A_58 = arith.constant 0.000000e+00 : f32
    %broadcast_in_dim3A_59 = vector.broadcast %jit3A_57 : f32 to vector<128x1008xf32>
    %broadcast_in_dim3A_60 = vector.broadcast %jit3A_58 : f32 to vector<128x1008xf32>
    %select_n3A_61 = arith.select %eq3A_56, %broadcast_in_dim3A_59, %broadcast_in_dim3A_60 : vector<128x1008xi1>, vector<128x1008xf32>
    %dot_general3A_62 = arith.constant dense<0.000000e+00> : vector<128x64xf32>
    %dot_general3A_63 = tpu.matmul %select_n3A_61, %select_n3A, %dot_general3A_62 {dimension_numbers = #tpu.dot_dimension_numbers<[1], [0], [0], [1], [0, 0, 1, 1], [], []>, transpose_lhs_hint = false} : vector<128x1008xf32>, vector<1008x64xf32>, vector<128x64xf32> -> vector<128x64xf32>
    %eq3A_64 = arith.constant 0 : i32
    %eq3A_65 = arith.cmpi eq, %arg0, %eq3A_64 : i32
    %convert_element_type3A = arith.extui %eq3A_65 : i1 to i32
    %cond3A = arith.constant 0 : i32
    %cond3A_66 = arith.cmpi ne, %convert_element_type3A, %cond3A : i32
    scf.if %cond3A_66 {
      %get3A_100 = arith.constant 0 : index
      %get3A_101 = arith.constant 0 : index
      %get3A_102 = vector.load %arg5[%get3A_100, %get3A_101] : memref<128x8xf32, #tpu.memory_space<vmem>>, vector<128x8xf32>
      %get3A_103 = arith.constant 0 : index
      %get3A_104 = arith.constant 0 : index
      %get3A_105 = vector.load %arg11[%get3A_103, %get3A_104] : memref<8x10xf32, #tpu.memory_space<vmem>>, vector<8x10xf32>
      %dot_general3A_106 = arith.constant dense<0.000000e+00> : vector<128x10xf32>
      %dot_general3A_107 = tpu.matmul %get3A_102, %get3A_105, %dot_general3A_106 {dimension_numbers = #tpu.dot_dimension_numbers<[1], [0], [0], [1], [0, 0, 1, 1], [], []>, transpose_lhs_hint = false} : vector<128x8xf32>, vector<8x10xf32>, vector<128x10xf32> -> vector<128x10xf32>
      %get3A_108 = arith.constant 0 : index
      %get3A_109 = arith.constant 0 : index
      %get3A_110 = vector.load %arg12[%get3A_108, %get3A_109] : memref<1x10xf32, #tpu.memory_space<vmem>>, vector<1x10xf32>
      %add3A_111 = vector.broadcast %get3A_110 : vector<1x10xf32> to vector<128x10xf32>
      %add3A_112 = arith.addf %dot_general3A_107, %add3A_111 : vector<128x10xf32>
      %swap3A_113 = arith.constant 0 : index
      %swap3A_114 = arith.constant 0 : index
      %swap3A_115 = vector.load %arg13[%swap3A_113, %swap3A_114] : memref<128x10xf32, #tpu.memory_space<vmem>>, vector<128x10xf32>
      tpu.vector_store %arg13[%swap3A_113, %swap3A_114], %add3A_112 {strides = array<i32>} : memref<128x10xf32, #tpu.memory_space<vmem>>, vector<128x10xf32>,
    } else {
    }
    %get3A_67 = arith.constant 0 : index
    %get3A_68 = arith.constant 0 : index
    %get3A_69 = vector.load %arg13[%get3A_67, %get3A_68] : memref<128x10xf32, #tpu.memory_space<vmem>>, vector<128x10xf32>
    %get3A_70 = arith.constant 0 : index
    %get3A_71 = arith.constant 0 : index
    %get3A_72 = vector.load %arg10[%get3A_70, %get3A_71] : memref<64x10xf32, #tpu.memory_space<vmem>>, vector<64x10xf32>
    %dot_general3A_73 = arith.constant dense<0.000000e+00> : vector<128x10xf32>
    %dot_general3A_74 = tpu.matmul %dot_general3A_63, %get3A_72, %dot_general3A_73 {dimension_numbers = #tpu.dot_dimension_numbers<[1], [0], [0], [1], [0, 0, 1, 1], [], []>, transpose_lhs_hint = false} : vector<128x64xf32>, vector<64x10xf32>, vector<128x10xf32> -> vector<128x10xf32>
    %add3A_75 = arith.addf %get3A_69, %dot_general3A_74 : vector<128x10xf32>
    %swap3A = arith.constant 0 : index
    %swap3A_76 = arith.constant 0 : index
    %swap3A_77 = vector.load %arg13[%swap3A, %swap3A_76] : memref<128x10xf32, #tpu.memory_space<vmem>>, vector<128x10xf32>
    tpu.vector_store %arg13[%swap3A, %swap3A_76], %add3A_75 {strides = array<i32>} : memref<128x10xf32, #tpu.memory_space<vmem>>, vector<128x10xf32>,
    %slice3A = vector.extract_strided_slice %select_n3A {offsets = [0, 0], sizes = [1008, 40], strides = [1, 1]} : vector<1008x64xf32> to vector<1008x40xf32>
    %swap3A_78 = arith.constant 0 : index
    %swap3A_79 = arith.constant 0 : index
    %swap3A_80 = arith.constant 0 : index
    %swap3A_81 = vector.load %arg14[%swap3A_78, %swap3A_79, %swap3A_80] : memref<2x1008x40xf32, #tpu.memory_space<vmem>>, vector<1x1008x40xf32>
    %swap3A_82 = vector.shape_cast %swap3A_81 : vector<1x1008x40xf32> to vector<1008x40xf32>
    %swap3A_83 = vector.shape_cast %slice3A : vector<1008x40xf32> to vector<1x1008x40xf32>
    tpu.vector_store %arg14[%swap3A_78, %swap3A_79, %swap3A_80], %swap3A_83 {strides = array<i32>} : memref<2x1008x40xf32, #tpu.memory_space<vmem>>, vector<1x1008x40xf32>,
    %slice3A_84 = vector.extract_strided_slice %select_n3A {offsets = [0, 40], sizes = [1008, 24], strides = [1, 1]} : vector<1008x64xf32> to vector<1008x24xf32>
    %get3A_85 = arith.constant 1 : index
    %get3A_86 = arith.constant 0 : index
    %get3A_87 = arith.constant 0 : index
    %get3A_88 = vector.load %arg1[%get3A_85, %get3A_86, %get3A_87] : memref<2x1008x40xf32, #tpu.memory_space<vmem>>, vector<1x1008x40xf32>
    %get3A_89 = vector.shape_cast %get3A_88 : vector<1x1008x40xf32> to vector<1008x40xf32>
    %slice3A_90 = vector.extract_strided_slice %get3A_89 {offsets = [0, 24], sizes = [1008, 8], strides = [1, 1]} : vector<1008x40xf32> to vector<1008x8xf32>
    %broadcast_in_dim3A_91 = arith.constant 0.000000e+00 : f32
    %broadcast_in_dim3A_92 = vector.broadcast %broadcast_in_dim3A_91 : f32 to vector<1008x8xf32>
    %concatenate3A_93 = tpu.concatenate %slice3A_84, %slice3A_90, %broadcast_in_dim3A_92 in 1 : vector<1008x24xf32>, vector<1008x8xf32>, vector<1008x8xf32> -> vector<1008x40xf32>
    %swap3A_94 = arith.constant 1 : index
    %swap3A_95 = arith.constant 0 : index
    %swap3A_96 = arith.constant 0 : index
    %swap3A_97 = vector.load %arg14[%swap3A_94, %swap3A_95, %swap3A_96] : memref<2x1008x40xf32, #tpu.memory_space<vmem>>, vector<1x1008x40xf32>
    %swap3A_98 = vector.shape_cast %swap3A_97 : vector<1x1008x40xf32> to vector<1008x40xf32>
    %swap3A_99 = vector.shape_cast %concatenate3A_93 : vector<1008x40xf32> to vector<1x1008x40xf32>
    tpu.vector_store %arg14[%swap3A_94, %swap3A_95, %swap3A_96], %swap3A_99 {strides = array<i32>} : memref<2x1008x40xf32, #tpu.memory_space<vmem>>, vector<1x1008x40xf32>,
    return
  }
  func.func @transform_0(%arg0: i32) -> (i32, i32, i32) {
    %c0_i32 = arith.constant 0 : i32
    %c0_i32_0 = arith.constant 0 : i32
    %c0_i32_1 = arith.constant 0 : i32
    return %c0_i32, %arg0, %c0_i32_0 : i32, i32, i32
  }
  func.func @transform_1(%arg0: i32) -> (i32, i32, i32) {
    %c0_i32 = arith.constant 0 : i32
    %c0_i32_0 = arith.constant 0 : i32
    %c0_i32_1 = arith.constant 0 : i32
    return %c0_i32, %arg0, %c0_i32_0 : i32, i32, i32
  }
  func.func @transform_2(%arg0: i32) -> (i32, i32) {
    %c0_i32 = arith.constant 0 : i32
    %c0_i32_0 = arith.constant 0 : i32
    return %arg0, %c0_i32 : i32, i32
  }
  func.func @transform_3(%arg0: i32) -> (i32, i32, i32) {
    %c0_i32 = arith.constant 0 : i32
    %c0_i32_0 = arith.constant 0 : i32
    %c0_i32_1 = arith.constant 0 : i32
    return %arg0, %c0_i32, %c0_i32_0 : i32, i32, i32
  }
  func.func @transform_4(%arg0: i32) -> (i32, i32) {
    %c0_i32 = arith.constant 0 : i32
    %c0_i32_0 = arith.constant 0 : i32
    %c0_i32_1 = arith.constant 0 : i32
    return %c0_i32, %c0_i32_0 : i32, i32
  }
  func.func @transform_5(%arg0: i32) -> (i32, i32) {
    %c0_i32 = arith.constant 0 : i32
    %c0_i32_0 = arith.constant 0 : i32
    %c0_i32_1 = arith.constant 0 : i32
    return %c0_i32, %c0_i32_0 : i32, i32
  }
  func.func @transform_6(%arg0: i32) -> (i32, i32) {
    %c0_i32 = arith.constant 0 : i32
    %c0_i32_0 = arith.constant 0 : i32
    %c0_i32_1 = arith.constant 0 : i32
    return %c0_i32, %c0_i32_0 : i32, i32
  }
  func.func @transform_7(%arg0: i32) -> (i32, i32) {
    %c0_i32 = arith.constant 0 : i32
    %c0_i32_0 = arith.constant 0 : i32
    %c0_i32_1 = arith.constant 0 : i32
    return %c0_i32, %c0_i32_0 : i32, i32
  }
  func.func @transform_8(%arg0: i32) -> (i32, i32) {
    %c0_i32 = arith.constant 0 : i32
    %c0_i32_0 = arith.constant 0 : i32
    %c0_i32_1 = arith.constant 0 : i32
    return %c0_i32, %c0_i32_0 : i32, i32
  }
  func.func @transform_9(%arg0: i32) -> (i32, i32) {
    %c0_i32 = arith.constant 0 : i32
    %c0_i32_0 = arith.constant 0 : i32
    %c0_i32_1 = arith.constant 0 : i32
    return %c0_i32, %c0_i32_0 : i32, i32
  }
  func.func @transform_10(%arg0: i32) -> (i32, i32) {
    %c0_i32 = arith.constant 0 : i32
    %c0_i32_0 = arith.constant 0 : i32
    %c0_i32_1 = arith.constant 0 : i32
    return %c0_i32, %c0_i32_0 : i32, i32
  }
  func.func @transform_11(%arg0: i32) -> (i32, i32) {
    %c0_i32 = arith.constant 0 : i32
    %c0_i32_0 = arith.constant 0 : i32
    %c0_i32_1 = arith.constant 0 : i32
    return %c0_i32, %c0_i32_0 : i32, i32
  }
  func.func @transform_12(%arg0: i32) -> (i32, i32) {
    %c0_i32 = arith.constant 0 : i32
    %c0_i32_0 = arith.constant 0 : i32
    %c0_i32_1 = arith.constant 0 : i32
    return %c0_i32, %c0_i32_0 : i32, i32
  }
  func.func @transform_13(%arg0: i32) -> (i32, i32, i32) {
    %c0_i32 = arith.constant 0 : i32
    %c0_i32_0 = arith.constant 0 : i32
    %c0_i32_1 = arith.constant 0 : i32
    return %c0_i32, %arg0, %c0_i32_0 : i32, i32, i32
  }
}

</mosaic_0001>

<sc_bundles>
// kernel: kernel.12.cloned.1.call-start
scs
__scs_entry_jumppad:
0x0: {  	(pc) =	sbr.rel $0x88, $3  }
0x1: {  	(tag) =	ssettag $0x0;
	lr =	simm.s32 $0x1  }
0x2: {  	[smem:$0x3F57] =	sst lr;
	_ =	strace $0xD0000000  }
0x3: {  	_ = 	snop  }
0x4: {  	_ = 	snop  }
0x5: {  	_ = 	snop  }
0x6: {  	_ = 	snop  }
0x7: {  	_ = 	snop  }
__scs_overlays_trampoline_lowered:
0x8: {  	[smem:$0x3F66] =	sst s0  }
0x9: {  	[smem:$0x3F67] =	sst s1  }
0xa: {  	[smem:$0x3F68] =	sst s2  }
0xb: {  	[smem:$0x3F69] =	sst s3  }
0xc: {  	[smem:$0x3F6A] =	sst s4  }
0xd: {  	[smem:$0x3F6B] =	sst s5  }
0xe: {  	[smem:$0x3F6C] =	sst s6  }
0xf: {  	[smem:$0x3F6D] =	sst s7  }
0x10: {  	[smem:$0x3F6E] =	sst s8  }
0x11: {  	[smem:$0x3F6F] =	sst s9;
	s0 =	simm.s32 @!p0 $0x0  }
0x12: {  	s1 =	sld [smem:$0x3F55];
	s0 =	simm.s32 @p0 $0x1  }
0x13: {  	[smem:$0x3F70] =	sst s0;
	s0 =	simm.s32 @!p1 $0x0  }
0x14: {  	s2 =	sld [smem:$0x3F54];
	s0 =	simm.s32 @p1 $0x1  }
0x15: {  	[smem:$0x3F71] =	sst s0;
	s0 =	simm.s32 @!p2 $0x0  }
0x16: {  	s3 =	sld [smem:$0x3FDB];
	s0 =	simm.s32 @p2 $0x1  }
0x17: {  	s4 =	simm.s32 $0x1BF5;
	[smem:$0x3F73] =	sst s0  }
0x18: {  	s0 =	sld [smem:$0x3F56];
	_ =	swait.ge [sflag:s4], $0x0  }
0x19: {  	s7 =	sld [smem:$0x3F57]  }
0x1a: {  	s8 =	sadd.s32 $0xFFFFE003, lr  }
0x1b: {  	s9 =	sadd.s32 $0xFFFFFEF7, lr;
	s5 =	simm.s32 $0xFFFFFFFF;
	p2 =	slt.u32 s8, $0xFFFFF086  }
0x1c: {  	p1 =	slt.u32 s9, $0xF7A;
	s5 =	simm.s32 @!p2 $0x0  }
0x1d: {  	s5 =	simm.s32 @p1 $0x1;
	p0 =	seq.s32 s7, s2  }
0x1e: {  	s7 =	smul.u32 @!p0 $0xF7A, s2;
	p2 =	seq.s32 @!p0 s5, $0x0  }
0x1f: {  	s9 =	smul.u32 $0xF7A, s1;
	s8 =	simm.s32 @!p0 $0x1BF5;
	p2 =	por !p2, p0  }
0x20: {  	[sflag:s8] =	ssyncset.s32 @!p0 $0xFFFFF086;
	s6 =	sadd.s32 @!p0 s3, s7;
	s7 =	simm.s32 @!p0 $0x108  }
0x21: {  	s3 =	sadd.s32 s3, s9;
	s6 =	sadd.s32 @!p0 $0x88, s6;
	s7 =	simm.s32 @p2 $0x1082  }
0x22: {  	[simem:s7], [sflag:s8] =	dma.local @!p0 [hbm:s6], $0xF7A  }
0x23: {  	s9 =	sor.u32 $0xD0000000, s2;
	s6 =	simm.s32 $0x108;
	_ =	swait.ge @!p0 [sflag:s8], $0x0  }
0x24: {  	s3 =	sadd.s32 $0x88, s3;
	s6 =	simm.s32 @!p1 $0x1082;
	[sflag:s4] =	ssyncset.s32 $0xFFFFF086  }
0x25: {  	[simem:s6], [sflag:s4] =	dma.local [hbm:s3], $0xF7A  }
0x26: {  	[smem:$0x3F57] =	sst s1;
	(tag) =	ssettag s2;
	_ =	strace s9  }
0x27: {  	s1 =	sld [smem:$0x3F67]  }
0x28: {  	s2 =	sld [smem:$0x3F68]  }
0x29: {  	s4 =	sld [smem:$0x3F6A]  }
0x2a: {  	p0 =	seq.s32 s5, $0x0;
	s5 =	sld [smem:$0x3F6B]  }
0x2b: {  	s6 =	sld [smem:$0x3F6C]  }
0x2c: {  	s7 =	sld [smem:$0x3F6D]  }
0x2d: {  	s3 =	simm.s32 $0x108;
	s8 =	sld [smem:$0x3F6E]  }
0x2e: {  	s3 =	simm.s32 @!p0 $0x1082;
	s9 =	sld [smem:$0x3F6F]  }
0x2f: {  	lr =	sadd.s32 s0, s3;
	s0 =	sld [smem:$0x3F66]  }
0x30: {  	s3 =	sld [smem:$0x3F69]  }
0x31: {  	[smem:$0x3F72] =	sst s10  }
0x32: {  	s10 =	sld [smem:$0x3F70];
	_ =	sdelay $0x3  }
0x33: {  	p0 =	seq.s32 s10, $0x1;
	s10 =	sld [smem:$0x3F72];
	_ =	sdelay $0x3  }
0x34: {  	[smem:$0x3F72] =	sst s10  }
0x35: {  	s10 =	sld [smem:$0x3F71];
	_ =	sdelay $0x3  }
0x36: {  	p1 =	seq.s32 s10, $0x1;
	s10 =	sld [smem:$0x3F72];
	_ =	sdelay $0x3  }
0x37: {  	[smem:$0x3F72] =	sst s10  }
0x38: {  	s10 =	sld [smem:$0x3F73]  }
0x39: {  	_ = 	snop;
	(pc) =	sbr.ind lr, $3  }
0x3a: {  	_ = 	snop  }
0x3b: {  	_ = 	snop  }
0x3c: {  	p2 =	seq.s32 s10, $0x1;
	s10 =	sld [smem:$0x3F72]  }
0x3d: {  	_ =	shalt  }
0x3e: {  	_ =	shalt  }
0x3f: {  	_ =	shalt  }
0x40: {  	_ =	shalt  }
0x41: {  	_ =	shalt  }
0x42: {  	_ =	shalt  }
0x43: {  	_ =	shalt  }
0x44: {  	_ =	shalt  }
0x45: {  	_ =	shalt  }
0x46: {  	_ =	shalt  }
0x47: {  	_ =	shalt  }
0x48: {  	_ =	shalt  }
0x49: {  	_ =	shalt  }
0x4a: {  	_ =	shalt  }
0x4b: {  	_ =	shalt  }
0x4c: {  	_ =	shalt  }
0x4d: {  	_ =	shalt  }
0x4e: {  	_ =	shalt  }
0x4f: {  	_ =	shalt  }
0x50: {  	_ =	shalt  }
0x51: {  	_ =	shalt  }
0x52: {  	_ =	shalt  }
0x53: {  	_ =	shalt  }
0x54: {  	_ =	shalt  }
0x55: {  	_ =	shalt  }
0x56: {  	_ =	shalt  }
0x57: {  	_ =	shalt  }
0x58: {  	_ =	shalt  }
0x59: {  	_ =	shalt  }
0x5a: {  	_ =	shalt  }
0x5b: {  	_ =	shalt  }
0x5c: {  	_ =	shalt  }
0x5d: {  	_ =	shalt  }
0x5e: {  	_ =	shalt  }
0x5f: {  	_ =	shalt  }
0x60: {  	_ =	shalt  }
0x61: {  	_ =	shalt  }
0x62: {  	_ =	shalt  }
0x63: {  	_ =	shalt  }
0x64: {  	_ =	shalt  }
0x65: {  	_ =	shalt  }
0x66: {  	_ =	shalt  }
0x67: {  	_ =	shalt  }
0x68: {  	_ =	shalt  }
0x69: {  	_ =	shalt  }
0x6a: {  	_ =	shalt  }
0x6b: {  	_ =	shalt  }
0x6c: {  	_ =	shalt  }
0x6d: {  	_ =	shalt  }
0x6e: {  	_ =	shalt  }
0x6f: {  	_ =	shalt  }
0x70: {  	_ =	shalt  }
0x71: {  	_ =	shalt  }
0x72: {  	_ =	shalt  }
0x73: {  	_ =	shalt  }
0x74: {  	_ =	shalt  }
0x75: {  	_ =	shalt  }
0x76: {  	_ =	shalt  }
0x77: {  	_ =	shalt  }
0x78: {  	_ =	shalt  }
0x79: {  	_ =	shalt  }
0x7a: {  	_ =	shalt  }
0x7b: {  	_ =	shalt  }
0x7c: {  	_ =	shalt  }
0x7d: {  	_ =	shalt  }
0x7e: {  	_ =	shalt  }
0x7f: {  	_ =	shalt  }
0x80: {  	_ =	shalt  }
0x81: {  	_ =	shalt  }
0x82: {  	_ =	shalt  }
0x83: {  	_ =	shalt  }
0x84: {  	_ =	shalt  }
0x85: {  	_ =	shalt  }
0x86: {  	_ =	shalt  }
0x87: {  	_ =	shalt  }
.Lfunc_end0:
.L_simem_size_0:
called_computation_lowered:
.L_overlay_start_0:
0x88: {  	s2 =	sld [smem:$0x3FD9]  }
0x89: {  	s3 =	sld [smem:$0x3FFE];
	_ =	sdelay $0x1  }
0x8a: {  	s1 =	srdreg.scid  }
0x8b: {  	s0 =	sand.u32 $0x1, s1  }
0x8c: {  	s16 =	sshll.u32 s0, $0xA;
	s2 =	sadd.s32 s3, s2  }
0x8d: {  	s2 =	sadd.s32 s2, s16  }
0x8e: {  	[smem:$0x3F7E] =	sst s2  }
0x8f: {  	_ = 	snop  }
0x90: {  	(tm) =	ssettm $0x1  }
0x91: {  	s17 =	sld [smem:$0x3FFB];
	_ =	sdelay $0x3  }
0x92: {  	_ =	strace s17  }
0x93: {  	s2 =	sld [smem:$0x3FFC];
	_ =	sdelay $0x3  }
0x94: {  	_ =	strace s2  }
0x95: {  	s2 =	sld [smem:$0x3FFD];
	_ =	sdelay $0x3  }
0x96: {  	_ =	strace s2  }
0x97: {  	_ =	strace $0x8FFFFFFF  }
0x98: {  	s18 =	sld [smem:$0x3FDB];
	_ =	sdelay $0x1  }
0x99: {  	s19 =	simm.s32 $_scs_section_size  }
0x9a: {  	s4 =	simm.s32 $_size__tile_overlayer_lowered;
	s5 =	simm.s32 $_tile_overlayer_lowered  }
0x9b: {  	s22 =	simm.s32 $0x1BFF;
	s21 =	sshll.u32 s5, $0x1;
	s2 =	sadd.s32 s19, s18  }
0x9c: {  	s6 =	simm.s32 $0x0;
	s20 =	sshll.u32 s4, $0x1;
	s4 =	sadd.s32 s21, s2  }
0x9d: {  	[timem:s6], [sflag:s22] =	dma.local [hbm:s4], s20  }
0x9e: {  	_ =	swait.ge [sflag:s22], s20  }
0x9f: {  	s3 =	ssub.s32 $0x0, s20;
	[sflag:s22] =	ssyncset.done $0x0  }
0xa0: {  	[sflag:s22] =	ssyncadd.s32 s3;
	_ =	sdelay $0x1  }
0xa1: {  	s23 =	simm.s32 $0x1B8B  }
0xa2: {  	_ =	swait.ge [sflag:s23], $0x1  }
0xa3: {  	[sflag:s23] =	ssyncset.done $0x0  }
0xa4: {  	s25 =	simm.s32 $0x1B8E;
	s24 =	sld [smem:$0x3FFE];
	[sflag:s23] =	ssyncadd.s32 $0xFFFFFFFF  }
0xa5: {  	s26 =	simm.s32 $execute0_lowered;
	[smem:$0x3FD2] =	sst s25  }
0xa6: {  	s4 =	sshll.u32 s26, $0x1;
	_ =	strace $0x80000046;
	[dreg:$0x1] =	wrdreg $0xFFFFFFFF  }
0xa7: {  	s28 =	simm.s32 $_size_execute0_lowered;
	s2 =	sadd.s32 s2, s4;
	[dreg:$0x0] =	wrdreg $0x0  }
0xa8: {  	s4 =	sshll.u32 s28, $0x1;
	[dreg:$0x2] =	wrdreg s2  }
0xa9: {  	[dreg:$0x3] =	wrdreg s4  }
0xaa: {  	[dreg:$0x4] =	wrdreg $0xC0  }
0xab: {  	_ =	task [dreg:s6], $0x5FFFF  }
0xac: {  	[dreg:$0x1] =	wrdreg $0xFFFFFFFF  }
0xad: {  	[dreg:$0x0] =	wrdreg $0x60  }
0xae: {  	[dreg:$0x2] =	wrdreg s24  }
0xaf: {  	[dreg:$0x3] =	wrdreg $0xED000  }
0xb0: {  	[dreg:$0x4] =	wrdreg $0x14F700  }
0xb1: {  	[dreg:$0x5] =	wrdreg $0x9  }
0xb2: {  	_ =	task.clear_ibuf [dreg:s6], $0x6FFFF;
	_ =	strace $0x90000046  }
0xb3: {  	s29 =	simm.s32 $0x9;
	_ =	strace $0x80000048  }
0xb4: {  	_ =	swait.ge [sflag:s29], $0x1  }
0xb5: {  	[sflag:s29] =	ssyncadd.s32 $0xFFFFFFFF  }
0xb6: {  	_ =	strace $0x90000048  }
0xb7: {  	_ =	sfence  }
0xb8: {  	s30 =	sld [smem:$0x0];
	_ =	sdelay $0x2  }
0xb9: {  	s31 =	sshll.u32 s1, $0xD;
	s1 =	sshrl.u32 s1, $0x2  }
0xba: {  	s3 =	sand.u32 $0x4000, s31;
	s1 =	sadd.s32 s1, s30  }
0xbb: {  	s0 =	sor.u32 s3, s0;
	s1 =	sshll.u32 s1, $0x11  }
0xbc: {  	s0 =	sor.u32 s1, s0  }
0xbd: {  	s0 =	sadd.s32 $0x8F2B, s0  }
0xbe: {  	[sflag:s0] =	ssyncadd.remote.s32 $0x1  }
0xbf: {  	_ =	sfence.sel $0xFFFF  }
0xc0: {  	[dreg:$0x0] =	wrdreg $0xFFFFFFFF;
	(pc) =	sbr.abs _section_cstart, $3  }
0xc1: {  	[dreg:$0x1] =	wrdreg $0xFFFFFFFF  }
0xc2: {  	_ =	task.clear_ibuf [dreg:s6], $0x2FFFF;
	_ =	strace $0x9FFFFFFF  }
0xc3: {  	(tm) =	ssettm $0x7FFFFFFF  }
tec
execute0_lowered:
.L_overlay_start_1:
0x0: {  	(tag) =	ssettag $0x1  }
0x1: {  	s5 =	rddreg [dreg:$0x0]  }
0x2: {  	s2 =	rddreg [dreg:$0x1]  }
0x3: {  	s3 =	rddreg [dreg:$0x2]  }
0x4: {  	s0 =	rddreg [dreg:$0x3]  }
0x5: {  	s1 =	stileid.u32;
	s7 =	srdreg.scid;
	s4 =	simm.s32 $0x0  }
0x6: {  	s15 =	simm.s32 $0x9D00;
	s16 =	simm.s32 $0x80;
	s17 =	simm.s32 $0x1  }
0x7: {  	s18 =	simm.s32 $0x9C80;
	s19 =	simm.s32 $0x0;
	s6 =	smul.u32 $0x9D0, s1  }
0x8: {  	s8 =	smul.u32 $0x6270, s1;
	s7 =	sand.u32 $0x1, s7;
	[smem:$0x7FF] =	sst s4  }
0x9: {  	s31 =	sshll.u32 s1, $0x6;
	s9 =	smul.u32 $0x62700, s7;
	_ =	strace $0x80000047  }
0xa: {  	s7 =	ssub.s32 $0x2, s7;
	s10 =	sadd.s32 s6, s5;
	s30 =	sshrl.u32 s8, $0x3  }
0xb: {  	s11 =	sshrl.u32 s7, $0x1;
	s13 =	sadd.s32 s8, s2;
	s14 =	sadd.s32 s8, s3  }
0xc: {  	s29 =	sadd.s32 s8, s9;
	s9 =	sadd.s32 s30, s5;
	s11 =	ssub.s32 s7, s11  }
0xd: {  	s8 =	sadd.s32 $0x7CE00, s10;
	s14 =	sshrl.u32 s14, $0x3;
	s6 =	sshrl.u32 s29, $0x3  }
0xe: {  	s11 =	smax.u32 s11, $0x1;
	s12 =	sadd.s32 s6, s5;
	s5 =	sadd.s32 $0x86C00, s9  }
0xf: {  	s6 =	sor.u32 $0x1C05, s31;
	s9 =	sadd.s32 $0x73000, s10;
	s7 =	sadd.s32 $0x5A600, s12  }
0x10: {  	s10 =	sadd.s32 $0x93200, s12;
	s12 =	sshrl.u32 s13, $0x3;
	s13 =	simm.s32 $0x5  }
.LBB2_1:
0x11: {  	[spmem:s12], [sflag:s6] =	dma.local [hbm:s5], $0xC4E  }
0x12: {  	_ =	swait.ge [sflag:s13], $0xC4E  }
0x13: {  	[sflag:s13] =	ssyncset.done $0x0  }
0x14: {  	[sflag:s13] =	ssyncadd.s32 $0xFFFFF3B2  }
0x15: {  	[spmem:s14], [sflag:s6] =	dma.local [hbm:s7], $0xC4E  }
0x16: {  	_ =	swait.ge [sflag:s13], $0xC4E  }
0x17: {  	[sflag:s13] =	ssyncset.done $0x0  }
0x18: {  	[sflag:s13] =	ssyncadd.s32 $0xFFFFF3B2  }
0x19: {  	[tilespmem:s4], [sflag:$0x5] =	stream.linear.gather [hbm4b:s8+s4], $0x4E80, $0x38;
	[tilespmem:$0x1B1E0] =	vst v63  }
0x1a: {  	_ =	swait.ge [sflag:s13], $0x4E80  }
0x1b: {  	[sflag:s13] =	ssyncset.done $0x0  }
0x1c: {  	s20 =	simm.s32 $0x4E80;
	[sflag:s13] =	ssyncadd.s32 $0xFFFFB180  }
0x1d: {  	[tilespmem:s20], [sflag:$0x5] =	stream.linear.gather [hbm4b:s9+s4], $0x4E80, $0x38;
	[tilespmem:$0x1B1E0] =	vst v63  }
0x1e: {  	s21 =	sand.u32 $0x3, s17;
	_ =	swait.ge [sflag:s13], $0x4E80  }
0x1f: {  	s23 =	simm.s32 $0x0;
	s22 =	smul.u32 $0x5000, s21;
	[sflag:s13] =	ssyncset.done $0x0  }
0x20: {  	s23 =	sand.u32 $0x3, s23;
	[sflag:s13] =	ssyncadd.s32 $0xFFFFB180  }
0x21: {  	s21 =	sadd.s32 $0x1, s21;
	s22 =	sshrl.u32 s22, $0x2;
	[bflag:$0x0] =	sbarrier.arrive $0xFFFF  }
0x22: {  	[tilespmem:s15], [sflag:$0x1] =	stream.indirect.gather [spmem:s3], $0x28, s4, s16, $0xb8;
	[tilespmem:$0x1B1E0] =	vst v63  }
0x23: {  	s24 =	smul.u32 $0x5000, s23;
	s25 =	sadd.s32 $0x1, s23;
	s22 =	sadd.s32 $0x9D00, s22  }
0x24: {  	[tilespmem:s22], [sflag:s21] =	stream.indirect.gather [spmem:s3], $0x28, s16, s16, $0xb8;
	[tilespmem:$0x1B1E0] =	vst v63  }
0x25: {  	s23 =	simm.s32 $0x2;
	_ =	swait.ge [sflag:s25], $0x1400  }
0x26: {  	s31 =	sshrl.u32 s24, $0x2;
	s24 =	simm.s32 $0x3;
	[sflag:s25] =	ssyncset.done $0x0  }
0x27: {  	s21 =	sadd.s32 $0x9D00, s31;
	s22 =	sand.u32 $0x3, s23;
	[sflag:s25] =	ssyncadd.s32 $0xFFFFEC00  }
0x28: {  	[spmem:s2] =	stream.indirect.scatter.add.f32 [tilespmem:s21], [sflag:$0x5], $0x28, s20, s16, $0xb8;
	[tilespmem:$0x1B1E0] =	vst v63  }
0x29: {  	s25 =	smul.u32 $0x5000, s22;
	s21 =	simm.s32 $0x100;
	_ =	swait.ge [sflag:s13], $0x1400  }
.LBB2_2:
0x2a: {  	[sflag:s13] =	ssyncset.done $0x0  }
0x2b: {  	s20 =	sadd.s32 $0x80, s20;
	s26 =	smov.u32 s24;
	s28 =	sadd.s32 $0x1, s24  }
0x2c: {  	s23 =	sadd.s32 $0xFFFFFFFF, s23;
	s25 =	sshrl.u32 s25, $0x2;
	[sflag:s13] =	ssyncadd.s32 $0xFFFFEC00  }
0x2d: {  	s22 =	sadd.s32 $0x1, s22;
	s23 =	sand.u32 $0x3, s23;
	s25 =	sadd.s32 $0x9D00, s25  }
0x2e: {  	p0 =	sne.s32 s24, $0x9C;
	s24 =	smul.u32 $0x5000, s23;
	s29 =	sadd.s32 $0x1, s23  }
0x2f: {  	[tilespmem:s25], [sflag:s22] =	stream.indirect.gather [spmem:s3], $0x28, s21, s16, $0xb8;
	[tilespmem:$0x1B1E0] =	vst v63  }
.Ltmp0:
0x30: {  	s22 =	sshrl.u32 s24, $0x2;
	_ =	swait.ge [sflag:s29], $0x1400;
	(pc) =	sbr.rel @p0 .LBB2_2-.Ltmp0, $4  }
0x31: {  	s23 =	smov.u32 s26;
	s24 =	sadd.s32 $0x9D00, s22;
	[sflag:s29] =	ssyncset.done $0x0  }
0x32: {  	s21 =	sadd.s32 $0x80, s21;
	s22 =	sand.u32 $0x3, s23;
	[sflag:s29] =	ssyncadd.s32 $0xFFFFEC00  }
0x33: {  	[spmem:s2] =	stream.indirect.scatter.add.f32 [tilespmem:s24], [sflag:$0x5], $0x28, s20, s16, $0xb8;
	[tilespmem:$0x1B1E0] =	vst v63  }
0x34: {  	s25 =	smul.u32 $0x5000, s22;
	s24 =	smov.u32 s28;
	_ =	swait.ge [sflag:s13], $0x1400  }
0x35: {  	[sflag:s13] =	ssyncset.done $0x0;
	s23 =	sadd.s32 $0xFFFFFFFF, s23;
	s22 =	sadd.s32 $0x1, s22  }
0x36: {  	s24 =	sshrl.u32 s25, $0x2;
	[sflag:s13] =	ssyncadd.s32 $0xFFFFEC00;
	s23 =	sand.u32 $0x3, s23  }
0x37: {  	s24 =	sadd.s32 $0x9D00, s24;
	s30 =	smul.u32 $0x5000, s23;
	s23 =	sadd.s32 $0x1, s23  }
0x38: {  	[tilespmem:s24], [sflag:s22] =	stream.indirect.gather [spmem:s3], $0x28, s21, s16, $0xb8;
	[tilespmem:$0x1B1E0] =	vst v63  }
0x39: {  	_ =	swait.ge [sflag:s23], $0x1400  }
0x3a: {  	s31 =	sshrl.u32 s30, $0x2;
	[sflag:s23] =	ssyncset.done $0x0  }
0x3b: {  	s20 =	sadd.s32 $0x80, s20;
	s21 =	sadd.s32 $0x9D00, s31;
	[sflag:s23] =	ssyncadd.s32 $0xFFFFEC00  }
0x3c: {  	[spmem:s2] =	stream.indirect.scatter.add.f32 [tilespmem:s21], [sflag:$0x5], $0x28, s20, s16, $0xb8;
	[tilespmem:$0x1B1E0] =	vst v63  }
0x3d: {  	_ =	swait.ge [sflag:s13], $0x1400  }
0x3e: {  	[sflag:s13] =	ssyncset.done $0x0  }
0x3f: {  	[sflag:s13] =	ssyncadd.s32 $0xFFFFEC00  }
0x40: {  	_ =	swait.ge [sflag:s17], $0x1400  }
0x41: {  	[sflag:s17] =	ssyncset.done $0x0  }
0x42: {  	[sflag:s17] =	ssyncadd.s32 $0xFFFFEC00  }
0x43: {  	[spmem:s2] =	stream.indirect.scatter.add.f32 [tilespmem:s15], [sflag:$0x5], $0x28, s18, s16, $0xb8;
	[tilespmem:$0x1B1E0] =	vst v63  }
0x44: {  	_ =	swait.ge [sflag:s13], $0x1400  }
0x45: {  	s19 =	sadd.s32 $0x1, s19;
	[sflag:s13] =	ssyncset.done $0x0  }
0x46: {  	p0 =	sne.s32 s19, s11;
	[sflag:s13] =	ssyncadd.s32 $0xFFFFEC00  }
.Ltmp1:
0x47: {  	[bflag:$0x0] =	sbarrier.arrive $0xFFFF;
	(pc) =	sbr.rel @p0 .LBB2_1-.Ltmp1, $4  }
0x48: {  	[hbm:s10], [sflag:s6] =	dma.local [spmem:s12], $0xC4E  }
0x49: {  	_ =	swait.ge [sflag:s13], $0xC4E  }
0x4a: {  	[sflag:s13] =	ssyncset.done $0x0  }
0x4b: {  	[sflag:s13] =	ssyncadd.s32 $0xFFFFF3B2  }
0x4c: {  	_ =	sfence.sel $0x180000  }
0x4d: {  	[bflag:$0x0] =	sbarrier.arrive $0xFFFF  }
0x4e: {  	p0 =	sne.s32 s1, $0x0;
	_ =	strace $0x90000047  }
0x4f: {  	s0 =	sadd.s32 @!p0 $0x100000, s0;
	[bflag:$0x2] =	sbarrier.arrive $0xFFFF  }
0x50: {  	[sflag:s0] =	ssyncadd.tile.s32 @!p0 $0x1;
	_ =	shalt  }
.Lfunc_end2:
_tile_overlayer_lowered:
.L_overlay_start_2:
0x51: {  	(tag) =	ssettag $0x2  }
0x52: {  	s0 =	rddreg [dreg:$0x0];
	s2 =	stileid.u32  }
0x53: {  	s1 =	rddreg [dreg:$0x1];
	p0 =	sne.s32 s2, $0x0  }
0x54: {  	s3 =	rddreg [dreg:$0x2];
	[bflag:$0x3] =	sbarrier.arrive $0xFFFF;
	s2 =	simm.s32 @!p0 $0x1C05  }
0x55: {  	[timem:s3], [sflag:s2] =	dma.local @!p0 [hbm:s0], s1  }
0x56: {  	s0 =	simm.s32 @!p0 $0x5  }
0x57: {  	_ =	swait.ge @!p0 [sflag:s0], s1  }
0x58: {  	s1 =	ssub.s32 @!p0 $0x0, s1;
	[sflag:s0] =	ssyncset.done @!p0 $0x0  }
0x59: {  	[sflag:s0] =	ssyncadd.s32 @!p0 s1  }
0x5a: {  	[bflag:$0x3] =	sbarrier.arrive $0xFFFF  }
0x5b: {  	_ =	shalt  }

// kernel: kernel.15.cloned.1.call-start
scs
__scs_entry_jumppad:
0x0: {  	(pc) =	sbr.rel $0x88, $3  }
0x1: {  	(tag) =	ssettag $0x0;
	lr =	simm.s32 $0x1  }
0x2: {  	[smem:$0x3F57] =	sst lr;
	_ =	strace $0xD0000000  }
0x3: {  	_ = 	snop  }
0x4: {  	_ = 	snop  }
0x5: {  	_ = 	snop  }
0x6: {  	_ = 	snop  }
0x7: {  	_ = 	snop  }
__scs_overlays_trampoline_lowered:
0x8: {  	[smem:$0x3F66] =	sst s0  }
0x9: {  	[smem:$0x3F67] =	sst s1  }
0xa: {  	[smem:$0x3F68] =	sst s2  }
0xb: {  	[smem:$0x3F69] =	sst s3  }
0xc: {  	[smem:$0x3F6A] =	sst s4  }
0xd: {  	[smem:$0x3F6B] =	sst s5  }
0xe: {  	[smem:$0x3F6C] =	sst s6  }
0xf: {  	[smem:$0x3F6D] =	sst s7  }
0x10: {  	[smem:$0x3F6E] =	sst s8  }
0x11: {  	[smem:$0x3F6F] =	sst s9;
	s0 =	simm.s32 @!p0 $0x0  }
0x12: {  	s1 =	sld [smem:$0x3F55];
	s0 =	simm.s32 @p0 $0x1  }
0x13: {  	[smem:$0x3F70] =	sst s0;
	s0 =	simm.s32 @!p1 $0x0  }
0x14: {  	s2 =	sld [smem:$0x3F54];
	s0 =	simm.s32 @p1 $0x1  }
0x15: {  	[smem:$0x3F71] =	sst s0;
	s0 =	simm.s32 @!p2 $0x0  }
0x16: {  	s3 =	sld [smem:$0x3FDB];
	s0 =	simm.s32 @p2 $0x1  }
0x17: {  	s4 =	simm.s32 $0x1BF5;
	[smem:$0x3F73] =	sst s0  }
0x18: {  	s0 =	sld [smem:$0x3F56];
	_ =	swait.ge [sflag:s4], $0x0  }
0x19: {  	s7 =	sld [smem:$0x3F57]  }
0x1a: {  	s8 =	sadd.s32 $0xFFFFE003, lr  }
0x1b: {  	s9 =	sadd.s32 $0xFFFFFEF7, lr;
	s5 =	simm.s32 $0xFFFFFFFF;
	p2 =	slt.u32 s8, $0xFFFFF086  }
0x1c: {  	p1 =	slt.u32 s9, $0xF7A;
	s5 =	simm.s32 @!p2 $0x0  }
0x1d: {  	s5 =	simm.s32 @p1 $0x1;
	p0 =	seq.s32 s7, s2  }
0x1e: {  	s7 =	smul.u32 @!p0 $0xF7A, s2;
	p2 =	seq.s32 @!p0 s5, $0x0  }
0x1f: {  	s9 =	smul.u32 $0xF7A, s1;
	s8 =	simm.s32 @!p0 $0x1BF5;
	p2 =	por !p2, p0  }
0x20: {  	[sflag:s8] =	ssyncset.s32 @!p0 $0xFFFFF086;
	s6 =	sadd.s32 @!p0 s3, s7;
	s7 =	simm.s32 @!p0 $0x108  }
0x21: {  	s3 =	sadd.s32 s3, s9;
	s6 =	sadd.s32 @!p0 $0x88, s6;
	s7 =	simm.s32 @p2 $0x1082  }
0x22: {  	[simem:s7], [sflag:s8] =	dma.local @!p0 [hbm:s6], $0xF7A  }
0x23: {  	s9 =	sor.u32 $0xD0000000, s2;
	s6 =	simm.s32 $0x108;
	_ =	swait.ge @!p0 [sflag:s8], $0x0  }
0x24: {  	s3 =	sadd.s32 $0x88, s3;
	s6 =	simm.s32 @!p1 $0x1082;
	[sflag:s4] =	ssyncset.s32 $0xFFFFF086  }
0x25: {  	[simem:s6], [sflag:s4] =	dma.local [hbm:s3], $0xF7A  }
0x26: {  	[smem:$0x3F57] =	sst s1;
	(tag) =	ssettag s2;
	_ =	strace s9  }
0x27: {  	s1 =	sld [smem:$0x3F67]  }
0x28: {  	s2 =	sld [smem:$0x3F68]  }
0x29: {  	s4 =	sld [smem:$0x3F6A]  }
0x2a: {  	p0 =	seq.s32 s5, $0x0;
	s5 =	sld [smem:$0x3F6B]  }
0x2b: {  	s6 =	sld [smem:$0x3F6C]  }
0x2c: {  	s7 =	sld [smem:$0x3F6D]  }
0x2d: {  	s3 =	simm.s32 $0x108;
	s8 =	sld [smem:$0x3F6E]  }
0x2e: {  	s3 =	simm.s32 @!p0 $0x1082;
	s9 =	sld [smem:$0x3F6F]  }
0x2f: {  	lr =	sadd.s32 s0, s3;
	s0 =	sld [smem:$0x3F66]  }
0x30: {  	s3 =	sld [smem:$0x3F69]  }
0x31: {  	[smem:$0x3F72] =	sst s10  }
0x32: {  	s10 =	sld [smem:$0x3F70];
	_ =	sdelay $0x3  }
0x33: {  	p0 =	seq.s32 s10, $0x1;
	s10 =	sld [smem:$0x3F72];
	_ =	sdelay $0x3  }
0x34: {  	[smem:$0x3F72] =	sst s10  }
0x35: {  	s10 =	sld [smem:$0x3F71];
	_ =	sdelay $0x3  }
0x36: {  	p1 =	seq.s32 s10, $0x1;
	s10 =	sld [smem:$0x3F72];
	_ =	sdelay $0x3  }
0x37: {  	[smem:$0x3F72] =	sst s10  }
0x38: {  	s10 =	sld [smem:$0x3F73]  }
0x39: {  	_ = 	snop;
	(pc) =	sbr.ind lr, $3  }
0x3a: {  	_ = 	snop  }
0x3b: {  	_ = 	snop  }
0x3c: {  	p2 =	seq.s32 s10, $0x1;
	s10 =	sld [smem:$0x3F72]  }
0x3d: {  	_ =	shalt  }
0x3e: {  	_ =	shalt  }
0x3f: {  	_ =	shalt  }
0x40: {  	_ =	shalt  }
0x41: {  	_ =	shalt  }
0x42: {  	_ =	shalt  }
0x43: {  	_ =	shalt  }
0x44: {  	_ =	shalt  }
0x45: {  	_ =	shalt  }
0x46: {  	_ =	shalt  }
0x47: {  	_ =	shalt  }
0x48: {  	_ =	shalt  }
0x49: {  	_ =	shalt  }
0x4a: {  	_ =	shalt  }
0x4b: {  	_ =	shalt  }
0x4c: {  	_ =	shalt  }
0x4d: {  	_ =	shalt  }
0x4e: {  	_ =	shalt  }
0x4f: {  	_ =	shalt  }
0x50: {  	_ =	shalt  }
0x51: {  	_ =	shalt  }
0x52: {  	_ =	shalt  }
0x53: {  	_ =	shalt  }
0x54: {  	_ =	shalt  }
0x55: {  	_ =	shalt  }
0x56: {  	_ =	shalt  }
0x57: {  	_ =	shalt  }
0x58: {  	_ =	shalt  }
0x59: {  	_ =	shalt  }
0x5a: {  	_ =	shalt  }
0x5b: {  	_ =	shalt  }
0x5c: {  	_ =	shalt  }
0x5d: {  	_ =	shalt  }
0x5e: {  	_ =	shalt  }
0x5f: {  	_ =	shalt  }
0x60: {  	_ =	shalt  }
0x61: {  	_ =	shalt  }
0x62: {  	_ =	shalt  }
0x63: {  	_ =	shalt  }
0x64: {  	_ =	shalt  }
0x65: {  	_ =	shalt  }
0x66: {  	_ =	shalt  }
0x67: {  	_ =	shalt  }
0x68: {  	_ =	shalt  }
0x69: {  	_ =	shalt  }
0x6a: {  	_ =	shalt  }
0x6b: {  	_ =	shalt  }
0x6c: {  	_ =	shalt  }
0x6d: {  	_ =	shalt  }
0x6e: {  	_ =	shalt  }
0x6f: {  	_ =	shalt  }
0x70: {  	_ =	shalt  }
0x71: {  	_ =	shalt  }
0x72: {  	_ =	shalt  }
0x73: {  	_ =	shalt  }
0x74: {  	_ =	shalt  }
0x75: {  	_ =	shalt  }
0x76: {  	_ =	shalt  }
0x77: {  	_ =	shalt  }
0x78: {  	_ =	shalt  }
0x79: {  	_ =	shalt  }
0x7a: {  	_ =	shalt  }
0x7b: {  	_ =	shalt  }
0x7c: {  	_ =	shalt  }
0x7d: {  	_ =	shalt  }
0x7e: {  	_ =	shalt  }
0x7f: {  	_ =	shalt  }
0x80: {  	_ =	shalt  }
0x81: {  	_ =	shalt  }
0x82: {  	_ =	shalt  }
0x83: {  	_ =	shalt  }
0x84: {  	_ =	shalt  }
0x85: {  	_ =	shalt  }
0x86: {  	_ =	shalt  }
0x87: {  	_ =	shalt  }
.Lfunc_end0:
.L_simem_size_0:
called_computation.1_lowered:
.L_overlay_start_0:
0x88: {  	s2 =	sld [smem:$0x3FD9]  }
0x89: {  	s3 =	sld [smem:$0x3FFE];
	_ =	sdelay $0x1  }
0x8a: {  	s1 =	srdreg.scid  }
0x8b: {  	s0 =	sand.u32 $0x1, s1  }
0x8c: {  	s16 =	sshll.u32 s0, $0xA;
	s2 =	sadd.s32 s3, s2  }
0x8d: {  	s2 =	sadd.s32 s2, s16  }
0x8e: {  	[smem:$0x3F7E] =	sst s2  }
0x8f: {  	_ = 	snop  }
0x90: {  	(tm) =	ssettm $0x1  }
0x91: {  	s17 =	sld [smem:$0x3FFB];
	_ =	sdelay $0x3  }
0x92: {  	_ =	strace s17  }
0x93: {  	s2 =	sld [smem:$0x3FFC];
	_ =	sdelay $0x3  }
0x94: {  	_ =	strace s2  }
0x95: {  	s2 =	sld [smem:$0x3FFD];
	_ =	sdelay $0x3  }
0x96: {  	_ =	strace s2  }
0x97: {  	_ =	strace $0x8FFFFFFF  }
0x98: {  	s18 =	sld [smem:$0x3FDB];
	_ =	sdelay $0x1  }
0x99: {  	s19 =	simm.s32 $_scs_section_size  }
0x9a: {  	s4 =	simm.s32 $_size__tile_overlayer_lowered;
	s5 =	simm.s32 $_tile_overlayer_lowered  }
0x9b: {  	s22 =	simm.s32 $0x1BFF;
	s21 =	sshll.u32 s5, $0x1;
	s2 =	sadd.s32 s19, s18  }
0x9c: {  	s6 =	simm.s32 $0x0;
	s20 =	sshll.u32 s4, $0x1;
	s4 =	sadd.s32 s21, s2  }
0x9d: {  	[timem:s6], [sflag:s22] =	dma.local [hbm:s4], s20  }
0x9e: {  	_ =	swait.ge [sflag:s22], s20  }
0x9f: {  	s3 =	ssub.s32 $0x0, s20;
	[sflag:s22] =	ssyncset.done $0x0  }
0xa0: {  	[sflag:s22] =	ssyncadd.s32 s3;
	_ =	sdelay $0x1  }
0xa1: {  	s23 =	simm.s32 $0x1B8B  }
0xa2: {  	_ =	swait.ge [sflag:s23], $0x1  }
0xa3: {  	[sflag:s23] =	ssyncset.done $0x0  }
0xa4: {  	s25 =	simm.s32 $0x1B8E;
	s24 =	sld [smem:$0x3FFE];
	[sflag:s23] =	ssyncadd.s32 $0xFFFFFFFF  }
0xa5: {  	s26 =	simm.s32 $execute0_lowered;
	[smem:$0x3FD2] =	sst s25  }
0xa6: {  	s4 =	sshll.u32 s26, $0x1;
	_ =	strace $0x80000049;
	[dreg:$0x1] =	wrdreg $0xFFFFFFFF  }
0xa7: {  	s28 =	simm.s32 $_size_execute0_lowered;
	s2 =	sadd.s32 s2, s4;
	[dreg:$0x0] =	wrdreg $0x0  }
0xa8: {  	s4 =	sshll.u32 s28, $0x1;
	[dreg:$0x2] =	wrdreg s2  }
0xa9: {  	[dreg:$0x3] =	wrdreg s4  }
0xaa: {  	[dreg:$0x4] =	wrdreg $0xC0  }
0xab: {  	_ =	task [dreg:s6], $0x5FFFF  }
0xac: {  	[dreg:$0x1] =	wrdreg $0xFFFFFFFF  }
0xad: {  	[dreg:$0x0] =	wrdreg $0x60  }
0xae: {  	[dreg:$0x2] =	wrdreg s24  }
0xaf: {  	[dreg:$0x3] =	wrdreg $0xED000  }
0xb0: {  	[dreg:$0x4] =	wrdreg $0x14F700  }
0xb1: {  	[dreg:$0x5] =	wrdreg $0x9  }
0xb2: {  	_ =	task.clear_ibuf [dreg:s6], $0x6FFFF;
	_ =	strace $0x90000049  }
0xb3: {  	s29 =	simm.s32 $0x9;
	_ =	strace $0x8000004B  }
0xb4: {  	_ =	swait.ge [sflag:s29], $0x1  }
0xb5: {  	[sflag:s29] =	ssyncadd.s32 $0xFFFFFFFF  }
0xb6: {  	_ =	strace $0x9000004B  }
0xb7: {  	_ =	sfence  }
0xb8: {  	s30 =	sld [smem:$0x0];
	_ =	sdelay $0x2  }
0xb9: {  	s31 =	sshll.u32 s1, $0xD;
	s1 =	sshrl.u32 s1, $0x2  }
0xba: {  	s3 =	sand.u32 $0x4000, s31;
	s1 =	sadd.s32 s1, s30  }
0xbb: {  	s0 =	sor.u32 s3, s0;
	s1 =	sshll.u32 s1, $0x11  }
0xbc: {  	s0 =	sor.u32 s1, s0  }
0xbd: {  	s0 =	sadd.s32 $0x8F2B, s0  }
0xbe: {  	[sflag:s0] =	ssyncadd.remote.s32 $0x1  }
0xbf: {  	_ =	sfence.sel $0xFFFF  }
0xc0: {  	[dreg:$0x0] =	wrdreg $0xFFFFFFFF;
	(pc) =	sbr.abs _section_cstart, $3  }
0xc1: {  	[dreg:$0x1] =	wrdreg $0xFFFFFFFF  }
0xc2: {  	_ =	task.clear_ibuf [dreg:s6], $0x2FFFF;
	_ =	strace $0x9FFFFFFF  }
0xc3: {  	(tm) =	ssettm $0x7FFFFFFF  }
tec
execute0_lowered:
.L_overlay_start_1:
0x0: {  	(tag) =	ssettag $0x1  }
0x1: {  	s5 =	rddreg [dreg:$0x0]  }
0x2: {  	s2 =	rddreg [dreg:$0x1]  }
0x3: {  	s3 =	rddreg [dreg:$0x2]  }
0x4: {  	s0 =	rddreg [dreg:$0x3]  }
0x5: {  	s1 =	stileid.u32;
	s7 =	srdreg.scid;
	s4 =	simm.s32 $0x0  }
0x6: {  	s15 =	simm.s32 $0x9D00;
	s16 =	simm.s32 $0x80;
	s17 =	simm.s32 $0x1  }
0x7: {  	s18 =	simm.s32 $0x9C80;
	s19 =	simm.s32 $0x0;
	s6 =	smul.u32 $0x9D0, s1  }
0x8: {  	s8 =	smul.u32 $0x6270, s1;
	s7 =	sand.u32 $0x1, s7;
	[smem:$0x7FF] =	sst s4  }
0x9: {  	s31 =	sshll.u32 s1, $0x6;
	s9 =	smul.u32 $0x62700, s7;
	_ =	strace $0x8000004A  }
0xa: {  	s7 =	ssub.s32 $0x2, s7;
	s10 =	sadd.s32 s6, s5;
	s30 =	sshrl.u32 s8, $0x3  }
0xb: {  	s11 =	sshrl.u32 s7, $0x1;
	s13 =	sadd.s32 s8, s2;
	s14 =	sadd.s32 s8, s3  }
0xc: {  	s29 =	sadd.s32 s8, s9;
	s9 =	sadd.s32 s30, s5;
	s11 =	ssub.s32 s7, s11  }
0xd: {  	s8 =	sadd.s32 $0x7CE00, s10;
	s14 =	sshrl.u32 s14, $0x3;
	s6 =	sshrl.u32 s29, $0x3  }
0xe: {  	s11 =	smax.u32 s11, $0x1;
	s12 =	sadd.s32 s6, s5;
	s5 =	sadd.s32 $0x86C00, s9  }
0xf: {  	s6 =	sor.u32 $0x1C05, s31;
	s9 =	sadd.s32 $0x73000, s10;
	s7 =	sadd.s32 $0x5A600, s12  }
0x10: {  	s10 =	sadd.s32 $0x93200, s12;
	s12 =	sshrl.u32 s13, $0x3;
	s13 =	simm.s32 $0x5  }
.LBB2_1:
0x11: {  	[spmem:s12], [sflag:s6] =	dma.local [hbm:s5], $0xC4E  }
0x12: {  	_ =	swait.ge [sflag:s13], $0xC4E  }
0x13: {  	[sflag:s13] =	ssyncset.done $0x0  }
0x14: {  	[sflag:s13] =	ssyncadd.s32 $0xFFFFF3B2  }
0x15: {  	[spmem:s14], [sflag:s6] =	dma.local [hbm:s7], $0xC4E  }
0x16: {  	_ =	swait.ge [sflag:s13], $0xC4E  }
0x17: {  	[sflag:s13] =	ssyncset.done $0x0  }
0x18: {  	[sflag:s13] =	ssyncadd.s32 $0xFFFFF3B2  }
0x19: {  	[tilespmem:s4], [sflag:$0x5] =	stream.linear.gather [hbm4b:s8+s4], $0x4E80, $0x38;
	[tilespmem:$0x1B1E0] =	vst v63  }
0x1a: {  	_ =	swait.ge [sflag:s13], $0x4E80  }
0x1b: {  	[sflag:s13] =	ssyncset.done $0x0  }
0x1c: {  	s20 =	simm.s32 $0x4E80;
	[sflag:s13] =	ssyncadd.s32 $0xFFFFB180  }
0x1d: {  	[tilespmem:s20], [sflag:$0x5] =	stream.linear.gather [hbm4b:s9+s4], $0x4E80, $0x38;
	[tilespmem:$0x1B1E0] =	vst v63  }
0x1e: {  	s21 =	sand.u32 $0x3, s17;
	_ =	swait.ge [sflag:s13], $0x4E80  }
0x1f: {  	s23 =	simm.s32 $0x0;
	s22 =	smul.u32 $0x5000, s21;
	[sflag:s13] =	ssyncset.done $0x0  }
0x20: {  	s23 =	sand.u32 $0x3, s23;
	[sflag:s13] =	ssyncadd.s32 $0xFFFFB180  }
0x21: {  	s21 =	sadd.s32 $0x1, s21;
	s22 =	sshrl.u32 s22, $0x2;
	[bflag:$0x0] =	sbarrier.arrive $0xFFFF  }
0x22: {  	[tilespmem:s15], [sflag:$0x1] =	stream.indirect.gather [spmem:s3], $0x28, s4, s16, $0xb8;
	[tilespmem:$0x1B1E0] =	vst v63  }
0x23: {  	s24 =	smul.u32 $0x5000, s23;
	s25 =	sadd.s32 $0x1, s23;
	s22 =	sadd.s32 $0x9D00, s22  }
0x24: {  	[tilespmem:s22], [sflag:s21] =	stream.indirect.gather [spmem:s3], $0x28, s16, s16, $0xb8;
	[tilespmem:$0x1B1E0] =	vst v63  }
0x25: {  	s23 =	simm.s32 $0x2;
	_ =	swait.ge [sflag:s25], $0x1400  }
0x26: {  	s31 =	sshrl.u32 s24, $0x2;
	s24 =	simm.s32 $0x3;
	[sflag:s25] =	ssyncset.done $0x0  }
0x27: {  	s21 =	sadd.s32 $0x9D00, s31;
	s22 =	sand.u32 $0x3, s23;
	[sflag:s25] =	ssyncadd.s32 $0xFFFFEC00  }
0x28: {  	[spmem:s2] =	stream.indirect.scatter.add.f32 [tilespmem:s21], [sflag:$0x5], $0x28, s20, s16, $0xb8;
	[tilespmem:$0x1B1E0] =	vst v63  }
0x29: {  	s25 =	smul.u32 $0x5000, s22;
	s21 =	simm.s32 $0x100;
	_ =	swait.ge [sflag:s13], $0x1400  }
.LBB2_2:
0x2a: {  	[sflag:s13] =	ssyncset.done $0x0  }
0x2b: {  	s20 =	sadd.s32 $0x80, s20;
	s26 =	smov.u32 s24;
	s28 =	sadd.s32 $0x1, s24  }
0x2c: {  	s23 =	sadd.s32 $0xFFFFFFFF, s23;
	s25 =	sshrl.u32 s25, $0x2;
	[sflag:s13] =	ssyncadd.s32 $0xFFFFEC00  }
0x2d: {  	s22 =	sadd.s32 $0x1, s22;
	s23 =	sand.u32 $0x3, s23;
	s25 =	sadd.s32 $0x9D00, s25  }
0x2e: {  	p0 =	sne.s32 s24, $0x9C;
	s24 =	smul.u32 $0x5000, s23;
	s29 =	sadd.s32 $0x1, s23  }
0x2f: {  	[tilespmem:s25], [sflag:s22] =	stream.indirect.gather [spmem:s3], $0x28, s21, s16, $0xb8;
	[tilespmem:$0x1B1E0] =	vst v63  }
.Ltmp0:
0x30: {  	s22 =	sshrl.u32 s24, $0x2;
	_ =	swait.ge [sflag:s29], $0x1400;
	(pc) =	sbr.rel @p0 .LBB2_2-.Ltmp0, $4  }
0x31: {  	s23 =	smov.u32 s26;
	s24 =	sadd.s32 $0x9D00, s22;
	[sflag:s29] =	ssyncset.done $0x0  }
0x32: {  	s21 =	sadd.s32 $0x80, s21;
	s22 =	sand.u32 $0x3, s23;
	[sflag:s29] =	ssyncadd.s32 $0xFFFFEC00  }
0x33: {  	[spmem:s2] =	stream.indirect.scatter.add.f32 [tilespmem:s24], [sflag:$0x5], $0x28, s20, s16, $0xb8;
	[tilespmem:$0x1B1E0] =	vst v63  }
0x34: {  	s25 =	smul.u32 $0x5000, s22;
	s24 =	smov.u32 s28;
	_ =	swait.ge [sflag:s13], $0x1400  }
0x35: {  	[sflag:s13] =	ssyncset.done $0x0;
	s23 =	sadd.s32 $0xFFFFFFFF, s23;
	s22 =	sadd.s32 $0x1, s22  }
0x36: {  	s24 =	sshrl.u32 s25, $0x2;
	[sflag:s13] =	ssyncadd.s32 $0xFFFFEC00;
	s23 =	sand.u32 $0x3, s23  }
0x37: {  	s24 =	sadd.s32 $0x9D00, s24;
	s30 =	smul.u32 $0x5000, s23;
	s23 =	sadd.s32 $0x1, s23  }
0x38: {  	[tilespmem:s24], [sflag:s22] =	stream.indirect.gather [spmem:s3], $0x28, s21, s16, $0xb8;
	[tilespmem:$0x1B1E0] =	vst v63  }
0x39: {  	_ =	swait.ge [sflag:s23], $0x1400  }
0x3a: {  	s31 =	sshrl.u32 s30, $0x2;
	[sflag:s23] =	ssyncset.done $0x0  }
0x3b: {  	s20 =	sadd.s32 $0x80, s20;
	s21 =	sadd.s32 $0x9D00, s31;
	[sflag:s23] =	ssyncadd.s32 $0xFFFFEC00  }
0x3c: {  	[spmem:s2] =	stream.indirect.scatter.add.f32 [tilespmem:s21], [sflag:$0x5], $0x28, s20, s16, $0xb8;
	[tilespmem:$0x1B1E0] =	vst v63  }
0x3d: {  	_ =	swait.ge [sflag:s13], $0x1400  }
0x3e: {  	[sflag:s13] =	ssyncset.done $0x0  }
0x3f: {  	[sflag:s13] =	ssyncadd.s32 $0xFFFFEC00  }
0x40: {  	_ =	swait.ge [sflag:s17], $0x1400  }
0x41: {  	[sflag:s17] =	ssyncset.done $0x0  }
0x42: {  	[sflag:s17] =	ssyncadd.s32 $0xFFFFEC00  }
0x43: {  	[spmem:s2] =	stream.indirect.scatter.add.f32 [tilespmem:s15], [sflag:$0x5], $0x28, s18, s16, $0xb8;
	[tilespmem:$0x1B1E0] =	vst v63  }
0x44: {  	_ =	swait.ge [sflag:s13], $0x1400  }
0x45: {  	s19 =	sadd.s32 $0x1, s19;
	[sflag:s13] =	ssyncset.done $0x0  }
0x46: {  	p0 =	sne.s32 s19, s11;
	[sflag:s13] =	ssyncadd.s32 $0xFFFFEC00  }
.Ltmp1:
0x47: {  	[bflag:$0x0] =	sbarrier.arrive $0xFFFF;
	(pc) =	sbr.rel @p0 .LBB2_1-.Ltmp1, $4  }
0x48: {  	[hbm:s10], [sflag:s6] =	dma.local [spmem:s12], $0xC4E  }
0x49: {  	_ =	swait.ge [sflag:s13], $0xC4E  }
0x4a: {  	[sflag:s13] =	ssyncset.done $0x0  }
0x4b: {  	[sflag:s13] =	ssyncadd.s32 $0xFFFFF3B2  }
0x4c: {  	_ =	sfence.sel $0x180000  }
0x4d: {  	[bflag:$0x0] =	sbarrier.arrive $0xFFFF  }
0x4e: {  	p0 =	sne.s32 s1, $0x0;
	_ =	strace $0x9000004A  }
0x4f: {  	s0 =	sadd.s32 @!p0 $0x100000, s0;
	[bflag:$0x2] =	sbarrier.arrive $0xFFFF  }
0x50: {  	[sflag:s0] =	ssyncadd.tile.s32 @!p0 $0x1;
	_ =	shalt  }
.Lfunc_end2:
_tile_overlayer_lowered:
.L_overlay_start_2:
0x51: {  	(tag) =	ssettag $0x2  }
0x52: {  	s0 =	rddreg [dreg:$0x0];
	s2 =	stileid.u32  }
0x53: {  	s1 =	rddreg [dreg:$0x1];
	p0 =	sne.s32 s2, $0x0  }
0x54: {  	s3 =	rddreg [dreg:$0x2];
	[bflag:$0x3] =	sbarrier.arrive $0xFFFF;
	s2 =	simm.s32 @!p0 $0x1C05  }
0x55: {  	[timem:s3], [sflag:s2] =	dma.local @!p0 [hbm:s0], s1  }
0x56: {  	s0 =	simm.s32 @!p0 $0x5  }
0x57: {  	_ =	swait.ge @!p0 [sflag:s0], s1  }
0x58: {  	s1 =	ssub.s32 @!p0 $0x0, s1;
	[sflag:s0] =	ssyncset.done @!p0 $0x0  }
0x59: {  	[sflag:s0] =	ssyncadd.s32 @!p0 s1  }
0x5a: {  	[bflag:$0x3] =	sbarrier.arrive $0xFFFF  }
0x5b: {  	_ =	shalt  }

// kernel: kernel.18.cloned.1.call-start
scs
__scs_entry_jumppad:
0x0: {  	(pc) =	sbr.rel $0x88, $3  }
0x1: {  	(tag) =	ssettag $0x0;
	lr =	simm.s32 $0x1  }
0x2: {  	[smem:$0x3F57] =	sst lr;
	_ =	strace $0xD0000000  }
0x3: {  	_ = 	snop  }
0x4: {  	_ = 	snop  }
0x5: {  	_ = 	snop  }
0x6: {  	_ = 	snop  }
0x7: {  	_ = 	snop  }
__scs_overlays_trampoline_lowered:
0x8: {  	[smem:$0x3F66] =	sst s0  }
0x9: {  	[smem:$0x3F67] =	sst s1  }
0xa: {  	[smem:$0x3F68] =	sst s2  }
0xb: {  	[smem:$0x3F69] =	sst s3  }
0xc: {  	[smem:$0x3F6A] =	sst s4  }
0xd: {  	[smem:$0x3F6B] =	sst s5  }
0xe: {  	[smem:$0x3F6C] =	sst s6  }
0xf: {  	[smem:$0x3F6D] =	sst s7  }
0x10: {  	[smem:$0x3F6E] =	sst s8  }
0x11: {  	[smem:$0x3F6F] =	sst s9;
	s0 =	simm.s32 @!p0 $0x0  }
0x12: {  	s1 =	sld [smem:$0x3F55];
	s0 =	simm.s32 @p0 $0x1  }
0x13: {  	[smem:$0x3F70] =	sst s0;
	s0 =	simm.s32 @!p1 $0x0  }
0x14: {  	s2 =	sld [smem:$0x3F54];
	s0 =	simm.s32 @p1 $0x1  }
0x15: {  	[smem:$0x3F71] =	sst s0;
	s0 =	simm.s32 @!p2 $0x0  }
0x16: {  	s3 =	sld [smem:$0x3FDB];
	s0 =	simm.s32 @p2 $0x1  }
0x17: {  	s4 =	simm.s32 $0x1BF5;
	[smem:$0x3F73] =	sst s0  }
0x18: {  	s0 =	sld [smem:$0x3F56];
	_ =	swait.ge [sflag:s4], $0x0  }
0x19: {  	s7 =	sld [smem:$0x3F57]  }
0x1a: {  	s8 =	sadd.s32 $0xFFFFE003, lr  }
0x1b: {  	s9 =	sadd.s32 $0xFFFFFEF7, lr;
	s5 =	simm.s32 $0xFFFFFFFF;
	p2 =	slt.u32 s8, $0xFFFFF086  }
0x1c: {  	p1 =	slt.u32 s9, $0xF7A;
	s5 =	simm.s32 @!p2 $0x0  }
0x1d: {  	s5 =	simm.s32 @p1 $0x1;
	p0 =	seq.s32 s7, s2  }
0x1e: {  	s7 =	smul.u32 @!p0 $0xF7A, s2;
	p2 =	seq.s32 @!p0 s5, $0x0  }
0x1f: {  	s9 =	smul.u32 $0xF7A, s1;
	s8 =	simm.s32 @!p0 $0x1BF5;
	p2 =	por !p2, p0  }
0x20: {  	[sflag:s8] =	ssyncset.s32 @!p0 $0xFFFFF086;
	s6 =	sadd.s32 @!p0 s3, s7;
	s7 =	simm.s32 @!p0 $0x108  }
0x21: {  	s3 =	sadd.s32 s3, s9;
	s6 =	sadd.s32 @!p0 $0x88, s6;
	s7 =	simm.s32 @p2 $0x1082  }
0x22: {  	[simem:s7], [sflag:s8] =	dma.local @!p0 [hbm:s6], $0xF7A  }
0x23: {  	s9 =	sor.u32 $0xD0000000, s2;
	s6 =	simm.s32 $0x108;
	_ =	swait.ge @!p0 [sflag:s8], $0x0  }
0x24: {  	s3 =	sadd.s32 $0x88, s3;
	s6 =	simm.s32 @!p1 $0x1082;
	[sflag:s4] =	ssyncset.s32 $0xFFFFF086  }
0x25: {  	[simem:s6], [sflag:s4] =	dma.local [hbm:s3], $0xF7A  }
0x26: {  	[smem:$0x3F57] =	sst s1;
	(tag) =	ssettag s2;
	_ =	strace s9  }
0x27: {  	s1 =	sld [smem:$0x3F67]  }
0x28: {  	s2 =	sld [smem:$0x3F68]  }
0x29: {  	s4 =	sld [smem:$0x3F6A]  }
0x2a: {  	p0 =	seq.s32 s5, $0x0;
	s5 =	sld [smem:$0x3F6B]  }
0x2b: {  	s6 =	sld [smem:$0x3F6C]  }
0x2c: {  	s7 =	sld [smem:$0x3F6D]  }
0x2d: {  	s3 =	simm.s32 $0x108;
	s8 =	sld [smem:$0x3F6E]  }
0x2e: {  	s3 =	simm.s32 @!p0 $0x1082;
	s9 =	sld [smem:$0x3F6F]  }
0x2f: {  	lr =	sadd.s32 s0, s3;
	s0 =	sld [smem:$0x3F66]  }
0x30: {  	s3 =	sld [smem:$0x3F69]  }
0x31: {  	[smem:$0x3F72] =	sst s10  }
0x32: {  	s10 =	sld [smem:$0x3F70];
	_ =	sdelay $0x3  }
0x33: {  	p0 =	seq.s32 s10, $0x1;
	s10 =	sld [smem:$0x3F72];
	_ =	sdelay $0x3  }
0x34: {  	[smem:$0x3F72] =	sst s10  }
0x35: {  	s10 =	sld [smem:$0x3F71];
	_ =	sdelay $0x3  }
0x36: {  	p1 =	seq.s32 s10, $0x1;
	s10 =	sld [smem:$0x3F72];
	_ =	sdelay $0x3  }
0x37: {  	[smem:$0x3F72] =	sst s10  }
0x38: {  	s10 =	sld [smem:$0x3F73]  }
0x39: {  	_ = 	snop;
	(pc) =	sbr.ind lr, $3  }
0x3a: {  	_ = 	snop  }
0x3b: {  	_ = 	snop  }
0x3c: {  	p2 =	seq.s32 s10, $0x1;
	s10 =	sld [smem:$0x3F72]  }
0x3d: {  	_ =	shalt  }
0x3e: {  	_ =	shalt  }
0x3f: {  	_ =	shalt  }
0x40: {  	_ =	shalt  }
0x41: {  	_ =	shalt  }
0x42: {  	_ =	shalt  }
0x43: {  	_ =	shalt  }
0x44: {  	_ =	shalt  }
0x45: {  	_ =	shalt  }
0x46: {  	_ =	shalt  }
0x47: {  	_ =	shalt  }
0x48: {  	_ =	shalt  }
0x49: {  	_ =	shalt  }
0x4a: {  	_ =	shalt  }
0x4b: {  	_ =	shalt  }
0x4c: {  	_ =	shalt  }
0x4d: {  	_ =	shalt  }
0x4e: {  	_ =	shalt  }
0x4f: {  	_ =	shalt  }
0x50: {  	_ =	shalt  }
0x51: {  	_ =	shalt  }
0x52: {  	_ =	shalt  }
0x53: {  	_ =	shalt  }
0x54: {  	_ =	shalt  }
0x55: {  	_ =	shalt  }
0x56: {  	_ =	shalt  }
0x57: {  	_ =	shalt  }
0x58: {  	_ =	shalt  }
0x59: {  	_ =	shalt  }
0x5a: {  	_ =	shalt  }
0x5b: {  	_ =	shalt  }
0x5c: {  	_ =	shalt  }
0x5d: {  	_ =	shalt  }
0x5e: {  	_ =	shalt  }
0x5f: {  	_ =	shalt  }
0x60: {  	_ =	shalt  }
0x61: {  	_ =	shalt  }
0x62: {  	_ =	shalt  }
0x63: {  	_ =	shalt  }
0x64: {  	_ =	shalt  }
0x65: {  	_ =	shalt  }
0x66: {  	_ =	shalt  }
0x67: {  	_ =	shalt  }
0x68: {  	_ =	shalt  }
0x69: {  	_ =	shalt  }
0x6a: {  	_ =	shalt  }
0x6b: {  	_ =	shalt  }
0x6c: {  	_ =	shalt  }
0x6d: {  	_ =	shalt  }
0x6e: {  	_ =	shalt  }
0x6f: {  	_ =	shalt  }
0x70: {  	_ =	shalt  }
0x71: {  	_ =	shalt  }
0x72: {  	_ =	shalt  }
0x73: {  	_ =	shalt  }
0x74: {  	_ =	shalt  }
0x75: {  	_ =	shalt  }
0x76: {  	_ =	shalt  }
0x77: {  	_ =	shalt  }
0x78: {  	_ =	shalt  }
0x79: {  	_ =	shalt  }
0x7a: {  	_ =	shalt  }
0x7b: {  	_ =	shalt  }
0x7c: {  	_ =	shalt  }
0x7d: {  	_ =	shalt  }
0x7e: {  	_ =	shalt  }
0x7f: {  	_ =	shalt  }
0x80: {  	_ =	shalt  }
0x81: {  	_ =	shalt  }
0x82: {  	_ =	shalt  }
0x83: {  	_ =	shalt  }
0x84: {  	_ =	shalt  }
0x85: {  	_ =	shalt  }
0x86: {  	_ =	shalt  }
0x87: {  	_ =	shalt  }
.Lfunc_end0:
.L_simem_size_0:
called_computation.2_lowered:
.L_overlay_start_0:
0x88: {  	s2 =	sld [smem:$0x3FD9]  }
0x89: {  	s3 =	sld [smem:$0x3FFE];
	_ =	sdelay $0x1  }
0x8a: {  	s1 =	srdreg.scid  }
0x8b: {  	s0 =	sand.u32 $0x1, s1  }
0x8c: {  	s16 =	sshll.u32 s0, $0xA;
	s2 =	sadd.s32 s3, s2  }
0x8d: {  	s2 =	sadd.s32 s2, s16  }
0x8e: {  	[smem:$0x3F7E] =	sst s2  }
0x8f: {  	_ = 	snop  }
0x90: {  	(tm) =	ssettm $0x1  }
0x91: {  	s17 =	sld [smem:$0x3FFB];
	_ =	sdelay $0x3  }
0x92: {  	_ =	strace s17  }
0x93: {  	s2 =	sld [smem:$0x3FFC];
	_ =	sdelay $0x3  }
0x94: {  	_ =	strace s2  }
0x95: {  	s2 =	sld [smem:$0x3FFD];
	_ =	sdelay $0x3  }
0x96: {  	_ =	strace s2  }
0x97: {  	_ =	strace $0x8FFFFFFF  }
0x98: {  	s18 =	sld [smem:$0x3FDB];
	_ =	sdelay $0x1  }
0x99: {  	s19 =	simm.s32 $_scs_section_size  }
0x9a: {  	s4 =	simm.s32 $_size__tile_overlayer_lowered;
	s5 =	simm.s32 $_tile_overlayer_lowered  }
0x9b: {  	s22 =	simm.s32 $0x1BFF;
	s21 =	sshll.u32 s5, $0x1;
	s2 =	sadd.s32 s19, s18  }
0x9c: {  	s6 =	simm.s32 $0x0;
	s20 =	sshll.u32 s4, $0x1;
	s4 =	sadd.s32 s21, s2  }
0x9d: {  	[timem:s6], [sflag:s22] =	dma.local [hbm:s4], s20  }
0x9e: {  	_ =	swait.ge [sflag:s22], s20  }
0x9f: {  	s3 =	ssub.s32 $0x0, s20;
	[sflag:s22] =	ssyncset.done $0x0  }
0xa0: {  	[sflag:s22] =	ssyncadd.s32 s3;
	_ =	sdelay $0x1  }
0xa1: {  	s23 =	simm.s32 $0x1B8B  }
0xa2: {  	_ =	swait.ge [sflag:s23], $0x1  }
0xa3: {  	[sflag:s23] =	ssyncset.done $0x0  }
0xa4: {  	s25 =	simm.s32 $0x1B8E;
	s24 =	sld [smem:$0x3FFE];
	[sflag:s23] =	ssyncadd.s32 $0xFFFFFFFF  }
0xa5: {  	s26 =	simm.s32 $execute0_lowered;
	[smem:$0x3FD2] =	sst s25  }
0xa6: {  	s4 =	sshll.u32 s26, $0x1;
	_ =	strace $0x8000004C;
	[dreg:$0x1] =	wrdreg $0xFFFFFFFF  }
0xa7: {  	s28 =	simm.s32 $_size_execute0_lowered;
	s2 =	sadd.s32 s2, s4;
	[dreg:$0x0] =	wrdreg $0x0  }
0xa8: {  	s4 =	sshll.u32 s28, $0x1;
	[dreg:$0x2] =	wrdreg s2  }
0xa9: {  	[dreg:$0x3] =	wrdreg s4  }
0xaa: {  	[dreg:$0x4] =	wrdreg $0xC0  }
0xab: {  	_ =	task [dreg:s6], $0x5FFFF  }
0xac: {  	[dreg:$0x1] =	wrdreg $0xFFFFFFFF  }
0xad: {  	[dreg:$0x0] =	wrdreg $0x60  }
0xae: {  	[dreg:$0x2] =	wrdreg s24  }
0xaf: {  	[dreg:$0x3] =	wrdreg $0xED000  }
0xb0: {  	[dreg:$0x4] =	wrdreg $0x14F700  }
0xb1: {  	[dreg:$0x5] =	wrdreg $0x9  }
0xb2: {  	_ =	task.clear_ibuf [dreg:s6], $0x6FFFF;
	_ =	strace $0x9000004C  }
0xb3: {  	s29 =	simm.s32 $0x9;
	_ =	strace $0x8000004E  }
0xb4: {  	_ =	swait.ge [sflag:s29], $0x1  }
0xb5: {  	[sflag:s29] =	ssyncadd.s32 $0xFFFFFFFF  }
0xb6: {  	_ =	strace $0x9000004E  }
0xb7: {  	_ =	sfence  }
0xb8: {  	s30 =	sld [smem:$0x0];
	_ =	sdelay $0x2  }
0xb9: {  	s31 =	sshll.u32 s1, $0xD;
	s1 =	sshrl.u32 s1, $0x2  }
0xba: {  	s3 =	sand.u32 $0x4000, s31;
	s1 =	sadd.s32 s1, s30  }
0xbb: {  	s0 =	sor.u32 s3, s0;
	s1 =	sshll.u32 s1, $0x11  }
0xbc: {  	s0 =	sor.u32 s1, s0  }
0xbd: {  	s0 =	sadd.s32 $0x8F2B, s0  }
0xbe: {  	[sflag:s0] =	ssyncadd.remote.s32 $0x1  }
0xbf: {  	_ =	sfence.sel $0xFFFF  }
0xc0: {  	[dreg:$0x0] =	wrdreg $0xFFFFFFFF;
	(pc) =	sbr.abs _section_cstart, $3  }
0xc1: {  	[dreg:$0x1] =	wrdreg $0xFFFFFFFF  }
0xc2: {  	_ =	task.clear_ibuf [dreg:s6], $0x2FFFF;
	_ =	strace $0x9FFFFFFF  }
0xc3: {  	(tm) =	ssettm $0x7FFFFFFF  }
tec
execute0_lowered:
.L_overlay_start_1:
0x0: {  	(tag) =	ssettag $0x1  }
0x1: {  	s5 =	rddreg [dreg:$0x0]  }
0x2: {  	s2 =	rddreg [dreg:$0x1]  }
0x3: {  	s3 =	rddreg [dreg:$0x2]  }
0x4: {  	s0 =	rddreg [dreg:$0x3]  }
0x5: {  	s1 =	stileid.u32;
	s7 =	srdreg.scid;
	s4 =	simm.s32 $0x0  }
0x6: {  	s15 =	simm.s32 $0x9D00;
	s16 =	simm.s32 $0x80;
	s17 =	simm.s32 $0x1  }
0x7: {  	s18 =	simm.s32 $0x9C80;
	s19 =	simm.s32 $0x0;
	s6 =	smul.u32 $0x9D0, s1  }
0x8: {  	s8 =	smul.u32 $0x6270, s1;
	s7 =	sand.u32 $0x1, s7;
	[smem:$0x7FF] =	sst s4  }
0x9: {  	s31 =	sshll.u32 s1, $0x6;
	s9 =	smul.u32 $0x62700, s7;
	_ =	strace $0x8000004D  }
0xa: {  	s7 =	ssub.s32 $0x2, s7;
	s10 =	sadd.s32 s6, s5;
	s30 =	sshrl.u32 s8, $0x3  }
0xb: {  	s11 =	sshrl.u32 s7, $0x1;
	s13 =	sadd.s32 s8, s2;
	s14 =	sadd.s32 s8, s3  }
0xc: {  	s29 =	sadd.s32 s8, s9;
	s9 =	sadd.s32 s30, s5;
	s11 =	ssub.s32 s7, s11  }
0xd: {  	s8 =	sadd.s32 $0x7CE00, s10;
	s14 =	sshrl.u32 s14, $0x3;
	s6 =	sshrl.u32 s29, $0x3  }
0xe: {  	s11 =	smax.u32 s11, $0x1;
	s12 =	sadd.s32 s6, s5;
	s5 =	sadd.s32 $0x86C00, s9  }
0xf: {  	s6 =	sor.u32 $0x1C05, s31;
	s9 =	sadd.s32 $0x73000, s10;
	s7 =	sadd.s32 $0x5A600, s12  }
0x10: {  	s10 =	sadd.s32 $0x93200, s12;
	s12 =	sshrl.u32 s13, $0x3;
	s13 =	simm.s32 $0x5  }
.LBB2_1:
0x11: {  	[spmem:s12], [sflag:s6] =	dma.local [hbm:s5], $0xC4E  }
0x12: {  	_ =	swait.ge [sflag:s13], $0xC4E  }
0x13: {  	[sflag:s13] =	ssyncset.done $0x0  }
0x14: {  	[sflag:s13] =	ssyncadd.s32 $0xFFFFF3B2  }
0x15: {  	[spmem:s14], [sflag:s6] =	dma.local [hbm:s7], $0xC4E  }
0x16: {  	_ =	swait.ge [sflag:s13], $0xC4E  }
0x17: {  	[sflag:s13] =	ssyncset.done $0x0  }
0x18: {  	[sflag:s13] =	ssyncadd.s32 $0xFFFFF3B2  }
0x19: {  	[tilespmem:s4], [sflag:$0x5] =	stream.linear.gather [hbm4b:s8+s4], $0x4E80, $0x38;
	[tilespmem:$0x1B1E0] =	vst v63  }
0x1a: {  	_ =	swait.ge [sflag:s13], $0x4E80  }
0x1b: {  	[sflag:s13] =	ssyncset.done $0x0  }
0x1c: {  	s20 =	simm.s32 $0x4E80;
	[sflag:s13] =	ssyncadd.s32 $0xFFFFB180  }
0x1d: {  	[tilespmem:s20], [sflag:$0x5] =	stream.linear.gather [hbm4b:s9+s4], $0x4E80, $0x38;
	[tilespmem:$0x1B1E0] =	vst v63  }
0x1e: {  	s21 =	sand.u32 $0x3, s17;
	_ =	swait.ge [sflag:s13], $0x4E80  }
0x1f: {  	s23 =	simm.s32 $0x0;
	s22 =	smul.u32 $0x5000, s21;
	[sflag:s13] =	ssyncset.done $0x0  }
0x20: {  	s23 =	sand.u32 $0x3, s23;
	[sflag:s13] =	ssyncadd.s32 $0xFFFFB180  }
0x21: {  	s21 =	sadd.s32 $0x1, s21;
	s22 =	sshrl.u32 s22, $0x2;
	[bflag:$0x0] =	sbarrier.arrive $0xFFFF  }
0x22: {  	[tilespmem:s15], [sflag:$0x1] =	stream.indirect.gather [spmem:s3], $0x28, s4, s16, $0xb8;
	[tilespmem:$0x1B1E0] =	vst v63  }
0x23: {  	s24 =	smul.u32 $0x5000, s23;
	s25 =	sadd.s32 $0x1, s23;
	s22 =	sadd.s32 $0x9D00, s22  }
0x24: {  	[tilespmem:s22], [sflag:s21] =	stream.indirect.gather [spmem:s3], $0x28, s16, s16, $0xb8;
	[tilespmem:$0x1B1E0] =	vst v63  }
0x25: {  	s23 =	simm.s32 $0x2;
	_ =	swait.ge [sflag:s25], $0x1400  }
0x26: {  	s31 =	sshrl.u32 s24, $0x2;
	s24 =	simm.s32 $0x3;
	[sflag:s25] =	ssyncset.done $0x0  }
0x27: {  	s21 =	sadd.s32 $0x9D00, s31;
	s22 =	sand.u32 $0x3, s23;
	[sflag:s25] =	ssyncadd.s32 $0xFFFFEC00  }
0x28: {  	[spmem:s2] =	stream.indirect.scatter.add.f32 [tilespmem:s21], [sflag:$0x5], $0x28, s20, s16, $0xb8;
	[tilespmem:$0x1B1E0] =	vst v63  }
0x29: {  	s25 =	smul.u32 $0x5000, s22;
	s21 =	simm.s32 $0x100;
	_ =	swait.ge [sflag:s13], $0x1400  }
.LBB2_2:
0x2a: {  	[sflag:s13] =	ssyncset.done $0x0  }
0x2b: {  	s20 =	sadd.s32 $0x80, s20;
	s26 =	smov.u32 s24;
	s28 =	sadd.s32 $0x1, s24  }
0x2c: {  	s23 =	sadd.s32 $0xFFFFFFFF, s23;
	s25 =	sshrl.u32 s25, $0x2;
	[sflag:s13] =	ssyncadd.s32 $0xFFFFEC00  }
0x2d: {  	s22 =	sadd.s32 $0x1, s22;
	s23 =	sand.u32 $0x3, s23;
	s25 =	sadd.s32 $0x9D00, s25  }
0x2e: {  	p0 =	sne.s32 s24, $0x9C;
	s24 =	smul.u32 $0x5000, s23;
	s29 =	sadd.s32 $0x1, s23  }
0x2f: {  	[tilespmem:s25], [sflag:s22] =	stream.indirect.gather [spmem:s3], $0x28, s21, s16, $0xb8;
	[tilespmem:$0x1B1E0] =	vst v63  }
.Ltmp0:
0x30: {  	s22 =	sshrl.u32 s24, $0x2;
	_ =	swait.ge [sflag:s29], $0x1400;
	(pc) =	sbr.rel @p0 .LBB2_2-.Ltmp0, $4  }
0x31: {  	s23 =	smov.u32 s26;
	s24 =	sadd.s32 $0x9D00, s22;
	[sflag:s29] =	ssyncset.done $0x0  }
0x32: {  	s21 =	sadd.s32 $0x80, s21;
	s22 =	sand.u32 $0x3, s23;
	[sflag:s29] =	ssyncadd.s32 $0xFFFFEC00  }
0x33: {  	[spmem:s2] =	stream.indirect.scatter.add.f32 [tilespmem:s24], [sflag:$0x5], $0x28, s20, s16, $0xb8;
	[tilespmem:$0x1B1E0] =	vst v63  }
0x34: {  	s25 =	smul.u32 $0x5000, s22;
	s24 =	smov.u32 s28;
	_ =	swait.ge [sflag:s13], $0x1400  }
0x35: {  	[sflag:s13] =	ssyncset.done $0x0;
	s23 =	sadd.s32 $0xFFFFFFFF, s23;
	s22 =	sadd.s32 $0x1, s22  }
0x36: {  	s24 =	sshrl.u32 s25, $0x2;
	[sflag:s13] =	ssyncadd.s32 $0xFFFFEC00;
	s23 =	sand.u32 $0x3, s23  }
0x37: {  	s24 =	sadd.s32 $0x9D00, s24;
	s30 =	smul.u32 $0x5000, s23;
	s23 =	sadd.s32 $0x1, s23  }
0x38: {  	[tilespmem:s24], [sflag:s22] =	stream.indirect.gather [spmem:s3], $0x28, s21, s16, $0xb8;
	[tilespmem:$0x1B1E0] =	vst v63  }
0x39: {  	_ =	swait.ge [sflag:s23], $0x1400  }
0x3a: {  	s31 =	sshrl.u32 s30, $0x2;
	[sflag:s23] =	ssyncset.done $0x0  }
0x3b: {  	s20 =	sadd.s32 $0x80, s20;
	s21 =	sadd.s32 $0x9D00, s31;
	[sflag:s23] =	ssyncadd.s32 $0xFFFFEC00  }
0x3c: {  	[spmem:s2] =	stream.indirect.scatter.add.f32 [tilespmem:s21], [sflag:$0x5], $0x28, s20, s16, $0xb8;
	[tilespmem:$0x1B1E0] =	vst v63  }
0x3d: {  	_ =	swait.ge [sflag:s13], $0x1400  }
0x3e: {  	[sflag:s13] =	ssyncset.done $0x0  }
0x3f: {  	[sflag:s13] =	ssyncadd.s32 $0xFFFFEC00  }
0x40: {  	_ =	swait.ge [sflag:s17], $0x1400  }
0x41: {  	[sflag:s17] =	ssyncset.done $0x0  }
0x42: {  	[sflag:s17] =	ssyncadd.s32 $0xFFFFEC00  }
0x43: {  	[spmem:s2] =	stream.indirect.scatter.add.f32 [tilespmem:s15], [sflag:$0x5], $0x28, s18, s16, $0xb8;
	[tilespmem:$0x1B1E0] =	vst v63  }
0x44: {  	_ =	swait.ge [sflag:s13], $0x1400  }
0x45: {  	s19 =	sadd.s32 $0x1, s19;
	[sflag:s13] =	ssyncset.done $0x0  }
0x46: {  	p0 =	sne.s32 s19, s11;
	[sflag:s13] =	ssyncadd.s32 $0xFFFFEC00  }
.Ltmp1:
0x47: {  	[bflag:$0x0] =	sbarrier.arrive $0xFFFF;
	(pc) =	sbr.rel @p0 .LBB2_1-.Ltmp1, $4  }
0x48: {  	[hbm:s10], [sflag:s6] =	dma.local [spmem:s12], $0xC4E  }
0x49: {  	_ =	swait.ge [sflag:s13], $0xC4E  }
0x4a: {  	[sflag:s13] =	ssyncset.done $0x0  }
0x4b: {  	[sflag:s13] =	ssyncadd.s32 $0xFFFFF3B2  }
0x4c: {  	_ =	sfence.sel $0x180000  }
0x4d: {  	[bflag:$0x0] =	sbarrier.arrive $0xFFFF  }
0x4e: {  	p0 =	sne.s32 s1, $0x0;
	_ =	strace $0x9000004D  }
0x4f: {  	s0 =	sadd.s32 @!p0 $0x100000, s0;
	[bflag:$0x2] =	sbarrier.arrive $0xFFFF  }
0x50: {  	[sflag:s0] =	ssyncadd.tile.s32 @!p0 $0x1;
	_ =	shalt  }
.Lfunc_end2:
_tile_overlayer_lowered:
.L_overlay_start_2:
0x51: {  	(tag) =	ssettag $0x2  }
0x52: {  	s0 =	rddreg [dreg:$0x0];
	s2 =	stileid.u32  }
0x53: {  	s1 =	rddreg [dreg:$0x1];
	p0 =	sne.s32 s2, $0x0  }
0x54: {  	s3 =	rddreg [dreg:$0x2];
	[bflag:$0x3] =	sbarrier.arrive $0xFFFF;
	s2 =	simm.s32 @!p0 $0x1C05  }
0x55: {  	[timem:s3], [sflag:s2] =	dma.local @!p0 [hbm:s0], s1  }
0x56: {  	s0 =	simm.s32 @!p0 $0x5  }
0x57: {  	_ =	swait.ge @!p0 [sflag:s0], s1  }
0x58: {  	s1 =	ssub.s32 @!p0 $0x0, s1;
	[sflag:s0] =	ssyncset.done @!p0 $0x0  }
0x59: {  	[sflag:s0] =	ssyncadd.s32 @!p0 s1  }
0x5a: {  	[bflag:$0x3] =	sbarrier.arrive $0xFFFF  }
0x5b: {  	_ =	shalt  }

// kernel: kernel.21.cloned.1.call-start
scs
__scs_entry_jumppad:
0x0: {  	(pc) =	sbr.rel $0x88, $3  }
0x1: {  	(tag) =	ssettag $0x0;
	lr =	simm.s32 $0x1  }
0x2: {  	[smem:$0x3F57] =	sst lr;
	_ =	strace $0xD0000000  }
0x3: {  	_ = 	snop  }
0x4: {  	_ = 	snop  }
0x5: {  	_ = 	snop  }
0x6: {  	_ = 	snop  }
0x7: {  	_ = 	snop  }
__scs_overlays_trampoline_lowered:
0x8: {  	[smem:$0x3F66] =	sst s0  }
0x9: {  	[smem:$0x3F67] =	sst s1  }
0xa: {  	[smem:$0x3F68] =	sst s2  }
0xb: {  	[smem:$0x3F69] =	sst s3  }
0xc: {  	[smem:$0x3F6A] =	sst s4  }
0xd: {  	[smem:$0x3F6B] =	sst s5  }
0xe: {  	[smem:$0x3F6C] =	sst s6  }
0xf: {  	[smem:$0x3F6D] =	sst s7  }
0x10: {  	[smem:$0x3F6E] =	sst s8  }
0x11: {  	[smem:$0x3F6F] =	sst s9;
	s0 =	simm.s32 @!p0 $0x0  }
0x12: {  	s1 =	sld [smem:$0x3F55];
	s0 =	simm.s32 @p0 $0x1  }
0x13: {  	[smem:$0x3F70] =	sst s0;
	s0 =	simm.s32 @!p1 $0x0  }
0x14: {  	s2 =	sld [smem:$0x3F54];
	s0 =	simm.s32 @p1 $0x1  }
0x15: {  	[smem:$0x3F71] =	sst s0;
	s0 =	simm.s32 @!p2 $0x0  }
0x16: {  	s3 =	sld [smem:$0x3FDB];
	s0 =	simm.s32 @p2 $0x1  }
0x17: {  	s4 =	simm.s32 $0x1BF5;
	[smem:$0x3F73] =	sst s0  }
0x18: {  	s0 =	sld [smem:$0x3F56];
	_ =	swait.ge [sflag:s4], $0x0  }
0x19: {  	s7 =	sld [smem:$0x3F57]  }
0x1a: {  	s8 =	sadd.s32 $0xFFFFE003, lr  }
0x1b: {  	s9 =	sadd.s32 $0xFFFFFEF7, lr;
	s5 =	simm.s32 $0xFFFFFFFF;
	p2 =	slt.u32 s8, $0xFFFFF086  }
0x1c: {  	p1 =	slt.u32 s9, $0xF7A;
	s5 =	simm.s32 @!p2 $0x0  }
0x1d: {  	s5 =	simm.s32 @p1 $0x1;
	p0 =	seq.s32 s7, s2  }
0x1e: {  	s7 =	smul.u32 @!p0 $0xF7A, s2;
	p2 =	seq.s32 @!p0 s5, $0x0  }
0x1f: {  	s9 =	smul.u32 $0xF7A, s1;
	s8 =	simm.s32 @!p0 $0x1BF5;
	p2 =	por !p2, p0  }
0x20: {  	[sflag:s8] =	ssyncset.s32 @!p0 $0xFFFFF086;
	s6 =	sadd.s32 @!p0 s3, s7;
	s7 =	simm.s32 @!p0 $0x108  }
0x21: {  	s3 =	sadd.s32 s3, s9;
	s6 =	sadd.s32 @!p0 $0x88, s6;
	s7 =	simm.s32 @p2 $0x1082  }
0x22: {  	[simem:s7], [sflag:s8] =	dma.local @!p0 [hbm:s6], $0xF7A  }
0x23: {  	s9 =	sor.u32 $0xD0000000, s2;
	s6 =	simm.s32 $0x108;
	_ =	swait.ge @!p0 [sflag:s8], $0x0  }
0x24: {  	s3 =	sadd.s32 $0x88, s3;
	s6 =	simm.s32 @!p1 $0x1082;
	[sflag:s4] =	ssyncset.s32 $0xFFFFF086  }
0x25: {  	[simem:s6], [sflag:s4] =	dma.local [hbm:s3], $0xF7A  }
0x26: {  	[smem:$0x3F57] =	sst s1;
	(tag) =	ssettag s2;
	_ =	strace s9  }
0x27: {  	s1 =	sld [smem:$0x3F67]  }
0x28: {  	s2 =	sld [smem:$0x3F68]  }
0x29: {  	s4 =	sld [smem:$0x3F6A]  }
0x2a: {  	p0 =	seq.s32 s5, $0x0;
	s5 =	sld [smem:$0x3F6B]  }
0x2b: {  	s6 =	sld [smem:$0x3F6C]  }
0x2c: {  	s7 =	sld [smem:$0x3F6D]  }
0x2d: {  	s3 =	simm.s32 $0x108;
	s8 =	sld [smem:$0x3F6E]  }
0x2e: {  	s3 =	simm.s32 @!p0 $0x1082;
	s9 =	sld [smem:$0x3F6F]  }
0x2f: {  	lr =	sadd.s32 s0, s3;
	s0 =	sld [smem:$0x3F66]  }
0x30: {  	s3 =	sld [smem:$0x3F69]  }
0x31: {  	[smem:$0x3F72] =	sst s10  }
0x32: {  	s10 =	sld [smem:$0x3F70];
	_ =	sdelay $0x3  }
0x33: {  	p0 =	seq.s32 s10, $0x1;
	s10 =	sld [smem:$0x3F72];
	_ =	sdelay $0x3  }
0x34: {  	[smem:$0x3F72] =	sst s10  }
0x35: {  	s10 =	sld [smem:$0x3F71];
	_ =	sdelay $0x3  }
0x36: {  	p1 =	seq.s32 s10, $0x1;
	s10 =	sld [smem:$0x3F72];
	_ =	sdelay $0x3  }
0x37: {  	[smem:$0x3F72] =	sst s10  }
0x38: {  	s10 =	sld [smem:$0x3F73]  }
0x39: {  	_ = 	snop;
	(pc) =	sbr.ind lr, $3  }
0x3a: {  	_ = 	snop  }
0x3b: {  	_ = 	snop  }
0x3c: {  	p2 =	seq.s32 s10, $0x1;
	s10 =	sld [smem:$0x3F72]  }
0x3d: {  	_ =	shalt  }
0x3e: {  	_ =	shalt  }
0x3f: {  	_ =	shalt  }
0x40: {  	_ =	shalt  }
0x41: {  	_ =	shalt  }
0x42: {  	_ =	shalt  }
0x43: {  	_ =	shalt  }
0x44: {  	_ =	shalt  }
0x45: {  	_ =	shalt  }
0x46: {  	_ =	shalt  }
0x47: {  	_ =	shalt  }
0x48: {  	_ =	shalt  }
0x49: {  	_ =	shalt  }
0x4a: {  	_ =	shalt  }
0x4b: {  	_ =	shalt  }
0x4c: {  	_ =	shalt  }
0x4d: {  	_ =	shalt  }
0x4e: {  	_ =	shalt  }
0x4f: {  	_ =	shalt  }
0x50: {  	_ =	shalt  }
0x51: {  	_ =	shalt  }
0x52: {  	_ =	shalt  }
0x53: {  	_ =	shalt  }
0x54: {  	_ =	shalt  }
0x55: {  	_ =	shalt  }
0x56: {  	_ =	shalt  }
0x57: {  	_ =	shalt  }
0x58: {  	_ =	shalt  }
0x59: {  	_ =	shalt  }
0x5a: {  	_ =	shalt  }
0x5b: {  	_ =	shalt  }
0x5c: {  	_ =	shalt  }
0x5d: {  	_ =	shalt  }
0x5e: {  	_ =	shalt  }
0x5f: {  	_ =	shalt  }
0x60: {  	_ =	shalt  }
0x61: {  	_ =	shalt  }
0x62: {  	_ =	shalt  }
0x63: {  	_ =	shalt  }
0x64: {  	_ =	shalt  }
0x65: {  	_ =	shalt  }
0x66: {  	_ =	shalt  }
0x67: {  	_ =	shalt  }
0x68: {  	_ =	shalt  }
0x69: {  	_ =	shalt  }
0x6a: {  	_ =	shalt  }
0x6b: {  	_ =	shalt  }
0x6c: {  	_ =	shalt  }
0x6d: {  	_ =	shalt  }
0x6e: {  	_ =	shalt  }
0x6f: {  	_ =	shalt  }
0x70: {  	_ =	shalt  }
0x71: {  	_ =	shalt  }
0x72: {  	_ =	shalt  }
0x73: {  	_ =	shalt  }
0x74: {  	_ =	shalt  }
0x75: {  	_ =	shalt  }
0x76: {  	_ =	shalt  }
0x77: {  	_ =	shalt  }
0x78: {  	_ =	shalt  }
0x79: {  	_ =	shalt  }
0x7a: {  	_ =	shalt  }
0x7b: {  	_ =	shalt  }
0x7c: {  	_ =	shalt  }
0x7d: {  	_ =	shalt  }
0x7e: {  	_ =	shalt  }
0x7f: {  	_ =	shalt  }
0x80: {  	_ =	shalt  }
0x81: {  	_ =	shalt  }
0x82: {  	_ =	shalt  }
0x83: {  	_ =	shalt  }
0x84: {  	_ =	shalt  }
0x85: {  	_ =	shalt  }
0x86: {  	_ =	shalt  }
0x87: {  	_ =	shalt  }
.Lfunc_end0:
.L_simem_size_0:
called_computation.3_lowered:
.L_overlay_start_0:
0x88: {  	s2 =	sld [smem:$0x3FD9]  }
0x89: {  	s3 =	sld [smem:$0x3FFE];
	_ =	sdelay $0x1  }
0x8a: {  	s1 =	srdreg.scid  }
0x8b: {  	s0 =	sand.u32 $0x1, s1  }
0x8c: {  	s16 =	sshll.u32 s0, $0xA;
	s2 =	sadd.s32 s3, s2  }
0x8d: {  	s2 =	sadd.s32 s2, s16  }
0x8e: {  	[smem:$0x3F7E] =	sst s2  }
0x8f: {  	_ = 	snop  }
0x90: {  	(tm) =	ssettm $0x1  }
0x91: {  	s17 =	sld [smem:$0x3FFB];
	_ =	sdelay $0x3  }
0x92: {  	_ =	strace s17  }
0x93: {  	s2 =	sld [smem:$0x3FFC];
	_ =	sdelay $0x3  }
0x94: {  	_ =	strace s2  }
0x95: {  	s2 =	sld [smem:$0x3FFD];
	_ =	sdelay $0x3  }
0x96: {  	_ =	strace s2  }
0x97: {  	_ =	strace $0x8FFFFFFF  }
0x98: {  	s18 =	sld [smem:$0x3FDB];
	_ =	sdelay $0x1  }
0x99: {  	s19 =	simm.s32 $_scs_section_size  }
0x9a: {  	s4 =	simm.s32 $_size__tile_overlayer_lowered;
	s5 =	simm.s32 $_tile_overlayer_lowered  }
0x9b: {  	s22 =	simm.s32 $0x1BFF;
	s21 =	sshll.u32 s5, $0x1;
	s2 =	sadd.s32 s19, s18  }
0x9c: {  	s6 =	simm.s32 $0x0;
	s20 =	sshll.u32 s4, $0x1;
	s4 =	sadd.s32 s21, s2  }
0x9d: {  	[timem:s6], [sflag:s22] =	dma.local [hbm:s4], s20  }
0x9e: {  	_ =	swait.ge [sflag:s22], s20  }
0x9f: {  	s3 =	ssub.s32 $0x0, s20;
	[sflag:s22] =	ssyncset.done $0x0  }
0xa0: {  	[sflag:s22] =	ssyncadd.s32 s3;
	_ =	sdelay $0x1  }
0xa1: {  	s23 =	simm.s32 $0x1B8B  }
0xa2: {  	_ =	swait.ge [sflag:s23], $0x1  }
0xa3: {  	[sflag:s23] =	ssyncset.done $0x0  }
0xa4: {  	s25 =	simm.s32 $0x1B8E;
	s24 =	sld [smem:$0x3FFE];
	[sflag:s23] =	ssyncadd.s32 $0xFFFFFFFF  }
0xa5: {  	s26 =	simm.s32 $execute0_lowered;
	[smem:$0x3FD2] =	sst s25  }
0xa6: {  	s4 =	sshll.u32 s26, $0x1;
	_ =	strace $0x8000004F;
	[dreg:$0x1] =	wrdreg $0xFFFFFFFF  }
0xa7: {  	s28 =	simm.s32 $_size_execute0_lowered;
	s2 =	sadd.s32 s2, s4;
	[dreg:$0x0] =	wrdreg $0x0  }
0xa8: {  	s4 =	sshll.u32 s28, $0x1;
	[dreg:$0x2] =	wrdreg s2  }
0xa9: {  	[dreg:$0x3] =	wrdreg s4  }
0xaa: {  	[dreg:$0x4] =	wrdreg $0xC0  }
0xab: {  	_ =	task [dreg:s6], $0x5FFFF  }
0xac: {  	[dreg:$0x1] =	wrdreg $0xFFFFFFFF  }
0xad: {  	[dreg:$0x0] =	wrdreg $0x60  }
0xae: {  	[dreg:$0x2] =	wrdreg s24  }
0xaf: {  	[dreg:$0x3] =	wrdreg $0xED000  }
0xb0: {  	[dreg:$0x4] =	wrdreg $0x14F700  }
0xb1: {  	[dreg:$0x5] =	wrdreg $0x9  }
0xb2: {  	_ =	task.clear_ibuf [dreg:s6], $0x6FFFF;
	_ =	strace $0x9000004F  }
0xb3: {  	s29 =	simm.s32 $0x9;
	_ =	strace $0x80000051  }
0xb4: {  	_ =	swait.ge [sflag:s29], $0x1  }
0xb5: {  	[sflag:s29] =	ssyncadd.s32 $0xFFFFFFFF  }
0xb6: {  	_ =	strace $0x90000051  }
0xb7: {  	_ =	sfence  }
0xb8: {  	s30 =	sld [smem:$0x0];
	_ =	sdelay $0x2  }
0xb9: {  	s31 =	sshll.u32 s1, $0xD;
	s1 =	sshrl.u32 s1, $0x2  }
0xba: {  	s3 =	sand.u32 $0x4000, s31;
	s1 =	sadd.s32 s1, s30  }
0xbb: {  	s0 =	sor.u32 s3, s0;
	s1 =	sshll.u32 s1, $0x11  }
0xbc: {  	s0 =	sor.u32 s1, s0  }
0xbd: {  	s0 =	sadd.s32 $0x8F2B, s0  }
0xbe: {  	[sflag:s0] =	ssyncadd.remote.s32 $0x1  }
0xbf: {  	_ =	sfence.sel $0xFFFF  }
0xc0: {  	[dreg:$0x0] =	wrdreg $0xFFFFFFFF;
	(pc) =	sbr.abs _section_cstart, $3  }
0xc1: {  	[dreg:$0x1] =	wrdreg $0xFFFFFFFF  }
0xc2: {  	_ =	task.clear_ibuf [dreg:s6], $0x2FFFF;
	_ =	strace $0x9FFFFFFF  }
0xc3: {  	(tm) =	ssettm $0x7FFFFFFF  }
tec
execute0_lowered:
.L_overlay_start_1:
0x0: {  	(tag) =	ssettag $0x1  }
0x1: {  	s5 =	rddreg [dreg:$0x0]  }
0x2: {  	s2 =	rddreg [dreg:$0x1]  }
0x3: {  	s3 =	rddreg [dreg:$0x2]  }
0x4: {  	s0 =	rddreg [dreg:$0x3]  }
0x5: {  	s1 =	stileid.u32;
	s7 =	srdreg.scid;
	s4 =	simm.s32 $0x0  }
0x6: {  	s15 =	simm.s32 $0x9D00;
	s16 =	simm.s32 $0x80;
	s17 =	simm.s32 $0x1  }
0x7: {  	s18 =	simm.s32 $0x9C80;
	s19 =	simm.s32 $0x0;
	s6 =	smul.u32 $0x9D0, s1  }
0x8: {  	s8 =	smul.u32 $0x6270, s1;
	s7 =	sand.u32 $0x1, s7;
	[smem:$0x7FF] =	sst s4  }
0x9: {  	s31 =	sshll.u32 s1, $0x6;
	s9 =	smul.u32 $0x62700, s7;
	_ =	strace $0x80000050  }
0xa: {  	s7 =	ssub.s32 $0x2, s7;
	s10 =	sadd.s32 s6, s5;
	s30 =	sshrl.u32 s8, $0x3  }
0xb: {  	s11 =	sshrl.u32 s7, $0x1;
	s13 =	sadd.s32 s8, s2;
	s14 =	sadd.s32 s8, s3  }
0xc: {  	s29 =	sadd.s32 s8, s9;
	s9 =	sadd.s32 s30, s5;
	s11 =	ssub.s32 s7, s11  }
0xd: {  	s8 =	sadd.s32 $0x7CE00, s10;
	s14 =	sshrl.u32 s14, $0x3;
	s6 =	sshrl.u32 s29, $0x3  }
0xe: {  	s11 =	smax.u32 s11, $0x1;
	s12 =	sadd.s32 s6, s5;
	s5 =	sadd.s32 $0x86C00, s9  }
0xf: {  	s6 =	sor.u32 $0x1C05, s31;
	s9 =	sadd.s32 $0x73000, s10;
	s7 =	sadd.s32 $0x5A600, s12  }
0x10: {  	s10 =	sadd.s32 $0x93200, s12;
	s12 =	sshrl.u32 s13, $0x3;
	s13 =	simm.s32 $0x5  }
.LBB2_1:
0x11: {  	[spmem:s12], [sflag:s6] =	dma.local [hbm:s5], $0xC4E  }
0x12: {  	_ =	swait.ge [sflag:s13], $0xC4E  }
0x13: {  	[sflag:s13] =	ssyncset.done $0x0  }
0x14: {  	[sflag:s13] =	ssyncadd.s32 $0xFFFFF3B2  }
0x15: {  	[spmem:s14], [sflag:s6] =	dma.local [hbm:s7], $0xC4E  }
0x16: {  	_ =	swait.ge [sflag:s13], $0xC4E  }
0x17: {  	[sflag:s13] =	ssyncset.done $0x0  }
0x18: {  	[sflag:s13] =	ssyncadd.s32 $0xFFFFF3B2  }
0x19: {  	[tilespmem:s4], [sflag:$0x5] =	stream.linear.gather [hbm4b:s8+s4], $0x4E80, $0x38;
	[tilespmem:$0x1B1E0] =	vst v63  }
0x1a: {  	_ =	swait.ge [sflag:s13], $0x4E80  }
0x1b: {  	[sflag:s13] =	ssyncset.done $0x0  }
0x1c: {  	s20 =	simm.s32 $0x4E80;
	[sflag:s13] =	ssyncadd.s32 $0xFFFFB180  }
0x1d: {  	[tilespmem:s20], [sflag:$0x5] =	stream.linear.gather [hbm4b:s9+s4], $0x4E80, $0x38;
	[tilespmem:$0x1B1E0] =	vst v63  }
0x1e: {  	s21 =	sand.u32 $0x3, s17;
	_ =	swait.ge [sflag:s13], $0x4E80  }
0x1f: {  	s23 =	simm.s32 $0x0;
	s22 =	smul.u32 $0x5000, s21;
	[sflag:s13] =	ssyncset.done $0x0  }
0x20: {  	s23 =	sand.u32 $0x3, s23;
	[sflag:s13] =	ssyncadd.s32 $0xFFFFB180  }
0x21: {  	s21 =	sadd.s32 $0x1, s21;
	s22 =	sshrl.u32 s22, $0x2;
	[bflag:$0x0] =	sbarrier.arrive $0xFFFF  }
0x22: {  	[tilespmem:s15], [sflag:$0x1] =	stream.indirect.gather [spmem:s3], $0x28, s4, s16, $0xb8;
	[tilespmem:$0x1B1E0] =	vst v63  }
0x23: {  	s24 =	smul.u32 $0x5000, s23;
	s25 =	sadd.s32 $0x1, s23;
	s22 =	sadd.s32 $0x9D00, s22  }
0x24: {  	[tilespmem:s22], [sflag:s21] =	stream.indirect.gather [spmem:s3], $0x28, s16, s16, $0xb8;
	[tilespmem:$0x1B1E0] =	vst v63  }
0x25: {  	s23 =	simm.s32 $0x2;
	_ =	swait.ge [sflag:s25], $0x1400  }
0x26: {  	s31 =	sshrl.u32 s24, $0x2;
	s24 =	simm.s32 $0x3;
	[sflag:s25] =	ssyncset.done $0x0  }
0x27: {  	s21 =	sadd.s32 $0x9D00, s31;
	s22 =	sand.u32 $0x3, s23;
	[sflag:s25] =	ssyncadd.s32 $0xFFFFEC00  }
0x28: {  	[spmem:s2] =	stream.indirect.scatter.add.f32 [tilespmem:s21], [sflag:$0x5], $0x28, s20, s16, $0xb8;
	[tilespmem:$0x1B1E0] =	vst v63  }
0x29: {  	s25 =	smul.u32 $0x5000, s22;
	s21 =	simm.s32 $0x100;
	_ =	swait.ge [sflag:s13], $0x1400  }
.LBB2_2:
0x2a: {  	[sflag:s13] =	ssyncset.done $0x0  }
0x2b: {  	s20 =	sadd.s32 $0x80, s20;
	s26 =	smov.u32 s24;
	s28 =	sadd.s32 $0x1, s24  }
0x2c: {  	s23 =	sadd.s32 $0xFFFFFFFF, s23;
	s25 =	sshrl.u32 s25, $0x2;
	[sflag:s13] =	ssyncadd.s32 $0xFFFFEC00  }
0x2d: {  	s22 =	sadd.s32 $0x1, s22;
	s23 =	sand.u32 $0x3, s23;
	s25 =	sadd.s32 $0x9D00, s25  }
0x2e: {  	p0 =	sne.s32 s24, $0x9C;
	s24 =	smul.u32 $0x5000, s23;
	s29 =	sadd.s32 $0x1, s23  }
0x2f: {  	[tilespmem:s25], [sflag:s22] =	stream.indirect.gather [spmem:s3], $0x28, s21, s16, $0xb8;
	[tilespmem:$0x1B1E0] =	vst v63  }
.Ltmp0:
0x30: {  	s22 =	sshrl.u32 s24, $0x2;
	_ =	swait.ge [sflag:s29], $0x1400;
	(pc) =	sbr.rel @p0 .LBB2_2-.Ltmp0, $4  }
0x31: {  	s23 =	smov.u32 s26;
	s24 =	sadd.s32 $0x9D00, s22;
	[sflag:s29] =	ssyncset.done $0x0  }
0x32: {  	s21 =	sadd.s32 $0x80, s21;
	s22 =	sand.u32 $0x3, s23;
	[sflag:s29] =	ssyncadd.s32 $0xFFFFEC00  }
0x33: {  	[spmem:s2] =	stream.indirect.scatter.add.f32 [tilespmem:s24], [sflag:$0x5], $0x28, s20, s16, $0xb8;
	[tilespmem:$0x1B1E0] =	vst v63  }
0x34: {  	s25 =	smul.u32 $0x5000, s22;
	s24 =	smov.u32 s28;
	_ =	swait.ge [sflag:s13], $0x1400  }
0x35: {  	[sflag:s13] =	ssyncset.done $0x0;
	s23 =	sadd.s32 $0xFFFFFFFF, s23;
	s22 =	sadd.s32 $0x1, s22  }
0x36: {  	s24 =	sshrl.u32 s25, $0x2;
	[sflag:s13] =	ssyncadd.s32 $0xFFFFEC00;
	s23 =	sand.u32 $0x3, s23  }
0x37: {  	s24 =	sadd.s32 $0x9D00, s24;
	s30 =	smul.u32 $0x5000, s23;
	s23 =	sadd.s32 $0x1, s23  }
0x38: {  	[tilespmem:s24], [sflag:s22] =	stream.indirect.gather [spmem:s3], $0x28, s21, s16, $0xb8;
	[tilespmem:$0x1B1E0] =	vst v63  }
0x39: {  	_ =	swait.ge [sflag:s23], $0x1400  }
0x3a: {  	s31 =	sshrl.u32 s30, $0x2;
	[sflag:s23] =	ssyncset.done $0x0  }
0x3b: {  	s20 =	sadd.s32 $0x80, s20;
	s21 =	sadd.s32 $0x9D00, s31;
	[sflag:s23] =	ssyncadd.s32 $0xFFFFEC00  }
0x3c: {  	[spmem:s2] =	stream.indirect.scatter.add.f32 [tilespmem:s21], [sflag:$0x5], $0x28, s20, s16, $0xb8;
	[tilespmem:$0x1B1E0] =	vst v63  }
0x3d: {  	_ =	swait.ge [sflag:s13], $0x1400  }
0x3e: {  	[sflag:s13] =	ssyncset.done $0x0  }
0x3f: {  	[sflag:s13] =	ssyncadd.s32 $0xFFFFEC00  }
0x40: {  	_ =	swait.ge [sflag:s17], $0x1400  }
0x41: {  	[sflag:s17] =	ssyncset.done $0x0  }
0x42: {  	[sflag:s17] =	ssyncadd.s32 $0xFFFFEC00  }
0x43: {  	[spmem:s2] =	stream.indirect.scatter.add.f32 [tilespmem:s15], [sflag:$0x5], $0x28, s18, s16, $0xb8;
	[tilespmem:$0x1B1E0] =	vst v63  }
0x44: {  	_ =	swait.ge [sflag:s13], $0x1400  }
0x45: {  	s19 =	sadd.s32 $0x1, s19;
	[sflag:s13] =	ssyncset.done $0x0  }
0x46: {  	p0 =	sne.s32 s19, s11;
	[sflag:s13] =	ssyncadd.s32 $0xFFFFEC00  }
.Ltmp1:
0x47: {  	[bflag:$0x0] =	sbarrier.arrive $0xFFFF;
	(pc) =	sbr.rel @p0 .LBB2_1-.Ltmp1, $4  }
0x48: {  	[hbm:s10], [sflag:s6] =	dma.local [spmem:s12], $0xC4E  }
0x49: {  	_ =	swait.ge [sflag:s13], $0xC4E  }
0x4a: {  	[sflag:s13] =	ssyncset.done $0x0  }
0x4b: {  	[sflag:s13] =	ssyncadd.s32 $0xFFFFF3B2  }
0x4c: {  	_ =	sfence.sel $0x180000  }
0x4d: {  	[bflag:$0x0] =	sbarrier.arrive $0xFFFF  }
0x4e: {  	p0 =	sne.s32 s1, $0x0;
	_ =	strace $0x90000050  }
0x4f: {  	s0 =	sadd.s32 @!p0 $0x100000, s0;
	[bflag:$0x2] =	sbarrier.arrive $0xFFFF  }
0x50: {  	[sflag:s0] =	ssyncadd.tile.s32 @!p0 $0x1;
	_ =	shalt  }
.Lfunc_end2:
_tile_overlayer_lowered:
.L_overlay_start_2:
0x51: {  	(tag) =	ssettag $0x2  }
0x52: {  	s0 =	rddreg [dreg:$0x0];
	s2 =	stileid.u32  }
0x53: {  	s1 =	rddreg [dreg:$0x1];
	p0 =	sne.s32 s2, $0x0  }
0x54: {  	s3 =	rddreg [dreg:$0x2];
	[bflag:$0x3] =	sbarrier.arrive $0xFFFF;
	s2 =	simm.s32 @!p0 $0x1C05  }
0x55: {  	[timem:s3], [sflag:s2] =	dma.local @!p0 [hbm:s0], s1  }
0x56: {  	s0 =	simm.s32 @!p0 $0x5  }
0x57: {  	_ =	swait.ge @!p0 [sflag:s0], s1  }
0x58: {  	s1 =	ssub.s32 @!p0 $0x0, s1;
	[sflag:s0] =	ssyncset.done @!p0 $0x0  }
0x59: {  	[sflag:s0] =	ssyncadd.s32 @!p0 s1  }
0x5a: {  	[bflag:$0x3] =	sbarrier.arrive $0xFFFF  }
0x5b: {  	_ =	shalt  }

</sc_bundles>
